<compile_context>
chip_gen: v7x
topology: tpu7x:2x2x1
jax: 0.10.2.dev20260603
libtpu: 0.0.44.dev20260713+nightly
codegen_flags: <defaults>
</compile_context>

<pallas_src>
import functools

import jax
import jax.numpy as jnp
from jax import lax
from jax.experimental import pallas as pl
from jax.experimental.pallas import tpu as pltpu
from jax.experimental.pallas import tpu_sc as plsc

N_NODES = 10000
NPAD = 10240
D_FEAT = 128
N_CLASSES = 64
N_EDGES = 320000
NC = 2
NS = 16
CHUNK = 128
NW = NC * NS
NCH0 = 128
NCH1 = 32
NCHD = 80
TCH = NS * (NCH0 + NCH1)
EPAD = TCH * CHUNK
NTRASH = NPAD - N_NODES
RPT = NPAD // NS

_mesh = plsc.VectorSubcoreMesh(core_axis_name="c", subcore_axis_name="s")



@functools.partial(
    pl.kernel,
    out_type=jax.ShapeDtypeStruct((NC, NPAD, 8), jnp.float32),
    mesh=_mesh,
    scratch_types=[
        pltpu.VMEM((NCHD, CHUNK), jnp.int32),
        pltpu.VMEM((CHUNK, 8), jnp.float32),
        pltpu.SemaphoreType.DMA,
        pltpu.VMEM_SHARED((NPAD, 8), jnp.float32),
    ],
    compiler_params=pltpu.CompilerParams(use_tc_tiling_on_sc=False),
)
def _deg_kernel(dst_hbm, ones_hbm, zeros_hbm, out_hbm, dst_v, ones_v, sem, acc):
    c = lax.axis_index("c")
    s = lax.axis_index("s")
    w = c * NS + s
    pltpu.sync_copy(ones_hbm, ones_v)
    pltpu.sync_copy(dst_hbm.at[pl.ds(w * NCHD, NCHD)], dst_v)
    pltpu.sync_copy(zeros_hbm.at[pl.ds(s * RPT, RPT)], acc.at[pl.ds(s * RPT, RPT)])
    plsc.subcore_barrier()

    def body(p, carry):
        j = 8 * p
        for k in range(8):
            pltpu.async_copy(ones_v, acc.at[dst_v.at[j + k]], sem, add=True)
        for k in range(8):
            pltpu.make_async_copy(ones_v, acc.at[dst_v.at[j + k]], sem).wait()
        return carry

    lax.fori_loop(0, NCHD // 8, body, 0)
    plsc.subcore_barrier()
    pltpu.sync_copy(acc.at[pl.ds(s * RPT, RPT)], out_hbm.at[c, pl.ds(s * RPT, RPT)])


def _edge_pipeline(nch, g_hbm, src_v, dst_v, bufs, gsems, ssems, acc):
    nb = len(bufs)
    for k in range(nb):
        pltpu.async_copy(g_hbm.at[src_v.at[k]], bufs[k], gsems[k])

    def body(p, carry):
        j = nb * p
        for k in range(nb):
            pltpu.make_async_copy(g_hbm.at[src_v.at[j + k]], bufs[k], gsems[k]).wait()
            pltpu.async_copy(bufs[k], acc.at[dst_v.at[j + k]], ssems[k], add=True)
        for k in range(nb):
            jn = j + nb + k

            @pl.when(jn < nch)
            def _next(k=k, jn=jn):
                pltpu.make_async_copy(bufs[k], acc.at[dst_v.at[jn - nb]], ssems[k]).wait()
                pltpu.async_copy(g_hbm.at[src_v.at[jn]], bufs[k], gsems[k])

        return carry

    lax.fori_loop(0, nch // nb, body, 0)
    for k in range(nb):
        pltpu.make_async_copy(bufs[k], acc.at[dst_v.at[0]], ssems[k]).wait()


def _edge_pipeline_shallow(nch, g_hbm, src_v, dst_v, buf_a, buf_b,
                           sem_a, sem_b, acc):
    pltpu.async_copy(g_hbm.at[src_v.at[0]], buf_a, sem_a)

    def body(p, carry):
        j = 2 * p
        pltpu.async_copy(g_hbm.at[src_v.at[j + 1]], buf_b, sem_b)
        pltpu.make_async_copy(g_hbm.at[src_v.at[j]], buf_a, sem_a).wait()
        pltpu.sync_copy(buf_a, acc.at[dst_v.at[j]], add=True)

        @pl.when(j + 2 < nch)
        def _prefetch():
            pltpu.async_copy(g_hbm.at[src_v.at[j + 2]], buf_a, sem_a)

        pltpu.make_async_copy(g_hbm.at[src_v.at[j + 1]], buf_b, sem_b).wait()
        pltpu.sync_copy(buf_b, acc.at[dst_v.at[j + 1]], add=True)
        return carry

    lax.fori_loop(0, nch // 2, body, 0)


@functools.partial(
    pl.kernel,
    out_type=jax.ShapeDtypeStruct((NC, NPAD, N_CLASSES), jnp.float32),
    mesh=_mesh,
    scratch_types=[
        pltpu.VMEM((NCH0, CHUNK), jnp.int32),
        pltpu.VMEM((NCH0, CHUNK), jnp.int32),
        pltpu.VMEM((4, CHUNK, N_CLASSES), jnp.float32),
        pltpu.SemaphoreType.DMA,
        pltpu.SemaphoreType.DMA,
        pltpu.SemaphoreType.DMA,
        pltpu.SemaphoreType.DMA,
        pltpu.SemaphoreType.DMA,
        pltpu.SemaphoreType.DMA,
        pltpu.SemaphoreType.DMA,
        pltpu.SemaphoreType.DMA,
        pltpu.VMEM_SHARED((NPAD, N_CLASSES), jnp.float32),
    ],
    compiler_params=pltpu.CompilerParams(use_tc_tiling_on_sc=False),
)
def _hop_kernel(g_hbm, src_hbm, dst_hbm, zeros_hbm, out_hbm,
                src_v, dst_v, buf4, g0s, g1s, g2s, g3s, s0s, s1s, s2s, s3s, acc):
    c = lax.axis_index("c")
    s = lax.axis_index("s")
    base = jnp.where(c == 0, s * NCH0, NS * NCH0 + s * NCH1)
    bufs = [buf4.at[k] for k in range(4)]
    gsems = [g0s, g1s, g2s, g3s]
    ssems = [s0s, s1s, s2s, s3s]
    pltpu.sync_copy(zeros_hbm.at[pl.ds(s * RPT, RPT)], acc.at[pl.ds(s * RPT, RPT)])

    @pl.when(c == 0)
    def _load0():
        pltpu.sync_copy(src_hbm.at[pl.ds(base, NCH0)], src_v)
        pltpu.sync_copy(dst_hbm.at[pl.ds(base, NCH0)], dst_v)

    @pl.when(c == 1)
    def _load1():
        pltpu.sync_copy(src_hbm.at[pl.ds(base, NCH1)], src_v.at[pl.ds(0, NCH1)])
        pltpu.sync_copy(dst_hbm.at[pl.ds(base, NCH1)], dst_v.at[pl.ds(0, NCH1)])

    plsc.subcore_barrier()

    @pl.when(c == 0)
    def _pipe0():
        _edge_pipeline(NCH0, g_hbm, src_v, dst_v, bufs, gsems, ssems, acc)

    @pl.when(c == 1)
    def _pipe1():
        _edge_pipeline_shallow(NCH1, g_hbm, src_v, dst_v, bufs[0], bufs[1],
                               gsems[0], gsems[1], acc)

    plsc.subcore_barrier()
    pltpu.sync_copy(acc.at[pl.ds(s * RPT, RPT)], out_hbm.at[c, pl.ds(s * RPT, RPT)])



_RB = 640


def _scale_body(degp_ref, x_ref, w_ref, g0_ref, dinv_ref):
    deg = degp_ref[0, :, 0:1] + degp_ref[1, :, 0:1] + 1.0
    dinv = lax.rsqrt(deg)
    h0 = jnp.dot(x_ref[...], w_ref[...], preferred_element_type=jnp.float32)
    g0_ref[...] = h0 * dinv
    dinv_ref[...] = jnp.broadcast_to(dinv, (_RB, N_CLASSES))


_scale_call = pl.pallas_call(
    _scale_body,
    grid=(NPAD // _RB,),
    in_specs=[
        pl.BlockSpec((NC, _RB, 8), lambda i: (0, i, 0)),
        pl.BlockSpec((_RB, D_FEAT), lambda i: (i, 0)),
        pl.BlockSpec((D_FEAT, N_CLASSES), lambda i: (0, 0)),
    ],
    out_specs=[
        pl.BlockSpec((_RB, N_CLASSES), lambda i: (i, 0)),
        pl.BlockSpec((_RB, N_CLASSES), lambda i: (i, 0)),
    ],
    out_shape=[
        jax.ShapeDtypeStruct((NPAD, N_CLASSES), jnp.float32),
        jax.ShapeDtypeStruct((NPAD, N_CLASSES), jnp.float32),
    ],
)


def _combine_body(p_ref, g0_ref, dinv_ref, g1_ref):
    t = p_ref[0] + p_ref[1] + g0_ref[...]
    dv = dinv_ref[...]
    g1_ref[...] = dv * dv * t


_combine_call = pl.pallas_call(
    _combine_body,
    grid=(NPAD // _RB,),
    in_specs=[
        pl.BlockSpec((NC, _RB, N_CLASSES), lambda i: (0, i, 0)),
        pl.BlockSpec((_RB, N_CLASSES), lambda i: (i, 0)),
        pl.BlockSpec((_RB, N_CLASSES), lambda i: (i, 0)),
    ],
    out_specs=pl.BlockSpec((_RB, N_CLASSES), lambda i: (i, 0)),
    out_shape=jax.ShapeDtypeStruct((NPAD, N_CLASSES), jnp.float32),
)

_FB = 400


def _final_body(q_ref, g1_ref, dinv_ref, b_ref, out_ref):
    logits = dinv_ref[...] * (q_ref[0] + q_ref[1] + g1_ref[...]) + b_ref[...]
    m = jnp.max(logits, axis=1, keepdims=True)
    ex = jnp.exp(logits - m)
    out_ref[...] = logits - m - jnp.log(jnp.sum(ex, axis=1, keepdims=True))


_final_call = pl.pallas_call(
    _final_body,
    grid=(N_NODES // _FB,),
    in_specs=[
        pl.BlockSpec((NC, _FB, N_CLASSES), lambda i: (0, i, 0)),
        pl.BlockSpec((_FB, N_CLASSES), lambda i: (i, 0)),
        pl.BlockSpec((_FB, N_CLASSES), lambda i: (i, 0)),
        pl.BlockSpec((1, N_CLASSES), lambda i: (0, 0)),
    ],
    out_specs=pl.BlockSpec((_FB, N_CLASSES), lambda i: (i, 0)),
    out_shape=jax.ShapeDtypeStruct((N_NODES, N_CLASSES), jnp.float32),
)



def kernel(x, edge_index, W, b):
    src = edge_index[0].astype(jnp.int32)
    dst = edge_index[1].astype(jnp.int32)
    pad_e = EPAD - N_EDGES
    pad_dst = N_NODES + (jnp.arange(pad_e, dtype=jnp.int32) % NTRASH)
    src_p = jnp.concatenate(
        [src, jnp.zeros((pad_e,), jnp.int32)]).reshape(TCH, CHUNK)
    dst_p = jnp.concatenate(
        [dst, pad_dst]).reshape(TCH, CHUNK)
    x_p = jnp.concatenate(
        [x, jnp.zeros((NPAD - N_NODES, D_FEAT), jnp.float32)])
    ones8 = jnp.ones((CHUNK, 8), jnp.float32)
    zeros8 = jnp.zeros((NPAD, 8), jnp.float32)
    zeros64 = jnp.zeros((NPAD, N_CLASSES), jnp.float32)

    degp = _deg_kernel(dst_p, ones8, zeros8)
    g0, dinv = _scale_call(degp, x_p, W)
    p = _hop_kernel(g0, src_p, dst_p, zeros64)
    g1 = _combine_call(p, g0, dinv)
    q = _hop_kernel(g1, src_p, dst_p, zeros64)
    return _final_call(q, g1, dinv, b.reshape(1, N_CLASSES))

# --- scband reference (transcript-rebuilt; emitter-appended) ---
"""Pipeline reference for scband-node-model-70789650973358 (READ-ONLY COPY).

The authoritative reference and input builder live on the scoring server;
editing this copy changes nothing except your own understanding.
"""

import jax, jax.numpy as jnp
import numpy as np

N_NODES = 10000
N_EDGES = 320000
D_FEAT = 128
N_CLASSES = 64
K_HOPS = 2


def setup_inputs(seed: int = 0) -> dict:
    key = jax.random.key(seed)
    k1, k2, k3 = jax.random.split(key, 3)
    x = jax.random.normal(k1, (N_NODES, D_FEAT), dtype=jnp.float32)
    edge_index = jax.random.randint(k2, (2, N_EDGES), 0, N_NODES, dtype=jnp.int64)
    W = jax.random.normal(k3, (D_FEAT, N_CLASSES), dtype=jnp.float32) * (1.0 / np.sqrt(D_FEAT))
    b = jnp.zeros((N_CLASSES,), dtype=jnp.float32)
    return {"x": x, "edge_index": edge_index, "W": W, "b": b}


def _gcn_norm(edge_index, num_nodes):
    # add self-loops (as in PyG gcn_norm with add_self_loops=True)
    loop = jnp.arange(num_nodes, dtype=edge_index.dtype)
    src = jnp.concatenate([edge_index[0], loop])
    dst = jnp.concatenate([edge_index[1], loop])
    ones = jnp.ones(src.shape[0], dtype=jnp.float32)
    deg = jnp.zeros((num_nodes,), dtype=jnp.float32).at[dst].add(ones)
    deg_inv_sqrt = jnp.where(deg > 0, 1.0 / jnp.sqrt(deg), 0.0)
    norm = deg_inv_sqrt[src] * deg_inv_sqrt[dst]
    return src, dst, norm


def reference(x, edge_index, W, b):
    # SGConv: x' = S^K x W  with  S = D^{-1/2} (A + I) D^{-1/2}
    src, dst, norm = _gcn_norm(edge_index, N_NODES)
    h = x
    for _ in range(K_HOPS):
        msg = norm[:, None] * jnp.take(h, src, axis=0)
        h = jax.ops.segment_sum(msg, dst, num_segments=N_NODES)
    logits = h @ W + b
    # F.log_softmax(x, dim=1)
    return jax.nn.log_softmax(logits, axis=1)

if __name__ == "__main__":
    import jax
    _d = setup_inputs()
    print(jax.jit(kernel)(*tuple(_d.values())))

</pallas_src>

<mosaic_0001>
#map = affine_map<(d0, d1) -> (0, 0)>
#map1 = affine_map<(d0, d1) -> (0, 0, 0)>
module attributes {stable_mosaic.version = 14 : i64} {
  func.func @_deg_kernel(%arg0: i32, %arg1: i32, %arg2: memref<2560x128xi32, #tpu.memory_space<hbm>>, %arg3: memref<128x8xf32, #tpu.memory_space<hbm>>, %arg4: memref<10240x8xf32, #tpu.memory_space<hbm>>, %arg5: memref<2x10240x8xf32, #tpu.memory_space<hbm>>, %arg6: memref<80x128xi32, #tpu.memory_space<vmem>>, %arg7: memref<128x8xf32, #tpu.memory_space<vmem>>, %arg8: memref<!tpu.dma_semaphore, #tpu.memory_space<semaphore_mem>>, %arg9: memref<10240x8xf32, #tpu.memory_space<vmem_shared>>) attributes {dimension_semantics = [#tpu.dimension_semantics<core_parallel>, #tpu.dimension_semantics<subcore_parallel>], iteration_bounds = array<i64: 2, 16>, scalar_prefetch = 0 : i64, scratch_operands = 4 : i64, tpu.core_type = #tpu.core_type<sc_vector_subcore>, window_params = [{transform_indices = #map}, {transform_indices = #map}, {transform_indices = #map}, {transform_indices = #map1}]} {
    %mul3A = arith.constant 16 : i32
    %mul3A_0 = arith.muli %arg0, %mul3A : i32
    %add3A = arith.addi %mul3A_0, %arg1 : i32
    "tpu.region"() ({
      %run_scoped3A = tpu.sem_alloc : memref<!tpu.dma_semaphore, #tpu.memory_space<semaphore_mem>>
      tpu.enqueue_dma source(%arg3 : memref<128x8xf32, #tpu.memory_space<hbm>>) target(%arg7 : memref<128x8xf32, #tpu.memory_space<vmem>>) target_semaphore(%run_scoped3A : memref<!tpu.dma_semaphore, #tpu.memory_space<semaphore_mem>>)
      tpu.wait_dma2 semaphore(%run_scoped3A : memref<!tpu.dma_semaphore, #tpu.memory_space<semaphore_mem>>) src(%arg3 : memref<128x8xf32, #tpu.memory_space<hbm>>) dst(%arg7 : memref<128x8xf32, #tpu.memory_space<vmem>>)
      tpu.yield
    }) : () -> ()
    %mul3A_1 = arith.constant 80 : i32
    %mul3A_2 = arith.muli %add3A, %mul3A_1 : i32
    "tpu.region"() ({
      %run_scoped3A = tpu.sem_alloc : memref<!tpu.dma_semaphore, #tpu.memory_space<semaphore_mem>>
      %dma_start3A = arith.constant 0 : i32
      %dma_start3A_17 = tpu.memref_slice %arg2[%mul3A_2, %dma_start3A] : memref<2560x128xi32, #tpu.memory_space<hbm>> -> memref<80x128xi32, #tpu.memory_space<hbm>>
      %dma_start3A_18 = arith.constant 0 : i32
      %dma_start3A_19 = tpu.memref_slice %arg2[%mul3A_2, %dma_start3A_18] : memref<2560x128xi32, #tpu.memory_space<hbm>> -> memref<80x128xi32, #tpu.memory_space<hbm>>
      tpu.enqueue_dma source(%dma_start3A_19 : memref<80x128xi32, #tpu.memory_space<hbm>>) target(%arg6 : memref<80x128xi32, #tpu.memory_space<vmem>>) target_semaphore(%run_scoped3A : memref<!tpu.dma_semaphore, #tpu.memory_space<semaphore_mem>>)
      %dma_wait3A = arith.constant 0 : i32
      %dma_wait3A_20 = tpu.memref_slice %arg2[%mul3A_2, %dma_wait3A] : memref<2560x128xi32, #tpu.memory_space<hbm>> -> memref<80x128xi32, #tpu.memory_space<hbm>>
      %dma_wait3A_21 = arith.constant 0 : i32
      %dma_wait3A_22 = tpu.memref_slice %arg2[%mul3A_2, %dma_wait3A_21] : memref<2560x128xi32, #tpu.memory_space<hbm>> -> memref<80x128xi32, #tpu.memory_space<hbm>>
      tpu.wait_dma2 semaphore(%run_scoped3A : memref<!tpu.dma_semaphore, #tpu.memory_space<semaphore_mem>>) src(%dma_wait3A_22 : memref<80x128xi32, #tpu.memory_space<hbm>>) dst(%arg6 : memref<80x128xi32, #tpu.memory_space<vmem>>)
      tpu.yield
    }) : () -> ()
    %mul3A_3 = arith.constant 640 : i32
    %mul3A_4 = arith.muli %arg1, %mul3A_3 : i32
    %mul3A_5 = arith.constant 640 : i32
    %mul3A_6 = arith.muli %arg1, %mul3A_5 : i32
    "tpu.region"() ({
      %run_scoped3A = tpu.sem_alloc : memref<!tpu.dma_semaphore, #tpu.memory_space<semaphore_mem>>
      %dma_start3A = arith.constant 0 : i32
      %dma_start3A_17 = tpu.memref_slice %arg9[%mul3A_6, %dma_start3A] : memref<10240x8xf32, #tpu.memory_space<vmem_shared>> -> memref<640x8xf32, #tpu.memory_space<vmem_shared>>
      %dma_start3A_18 = arith.constant 0 : i32
      %dma_start3A_19 = tpu.memref_slice %arg4[%mul3A_4, %dma_start3A_18] : memref<10240x8xf32, #tpu.memory_space<hbm>> -> memref<640x8xf32, #tpu.memory_space<hbm>>
      tpu.enqueue_dma source(%dma_start3A_19 : memref<640x8xf32, #tpu.memory_space<hbm>>) target(%dma_start3A_17 : memref<640x8xf32, #tpu.memory_space<vmem_shared>>) target_semaphore(%run_scoped3A : memref<!tpu.dma_semaphore, #tpu.memory_space<semaphore_mem>>)
      %dma_wait3A = arith.constant 0 : i32
      %dma_wait3A_20 = tpu.memref_slice %arg9[%mul3A_6, %dma_wait3A] : memref<10240x8xf32, #tpu.memory_space<vmem_shared>> -> memref<640x8xf32, #tpu.memory_space<vmem_shared>>
      %dma_wait3A_21 = arith.constant 0 : i32
      %dma_wait3A_22 = tpu.memref_slice %arg4[%mul3A_4, %dma_wait3A_21] : memref<10240x8xf32, #tpu.memory_space<hbm>> -> memref<640x8xf32, #tpu.memory_space<hbm>>
      tpu.wait_dma2 semaphore(%run_scoped3A : memref<!tpu.dma_semaphore, #tpu.memory_space<semaphore_mem>>) src(%dma_wait3A_22 : memref<640x8xf32, #tpu.memory_space<hbm>>) dst(%dma_wait3A_20 : memref<640x8xf32, #tpu.memory_space<vmem_shared>>)
      tpu.yield
    }) : () -> ()
    %barrier3A = arith.constant 0 : index
    tpu.barrier barrier_id(%barrier3A)
    %scan3A = arith.constant 0 : i32
    %scan3A_7 = arith.constant 0 : i32
    %scan3A_8 = arith.constant 10 : i32
    %scan3A_9 = arith.addi %scan3A_7, %scan3A_8 : i32
    %scan3A_10 = arith.constant 1 : i32
    scf.for %scan3A_17 = %scan3A_7 to %scan3A_9 step %scan3A_10  : i32 {
      %mul3A_18 = arith.constant 8 : i32
      %mul3A_19 = arith.muli %mul3A_18, %scan3A_17 : i32
      %add3A_20 = arith.constant 0 : i32
      %add3A_21 = arith.addi %mul3A_19, %add3A_20 : i32
      %dma_start3A = arith.constant 0 : i32
      %dma_start3A_22 = tpu.memref_slice %arg6[%add3A_21, %dma_start3A] : memref<80x128xi32, #tpu.memory_space<vmem>> -> memref<1x128xi32, #tpu.memory_space<vmem>>
      %dma_start3A_23 = tpu.memref_squeeze %dma_start3A_22 : memref<1x128xi32, #tpu.memory_space<vmem>> -> memref<128xi32, #tpu.memory_space<vmem>>
      %dma_start3A_24 = arith.constant 0 : i32
      %dma_start3A_25 = arith.constant 0 : i32
      %dma_start3A_26 = tpu.memref_slice %arg9[%dma_start3A_24, %dma_start3A_25] : memref<10240x8xf32, #tpu.memory_space<vmem_shared>> -> memref<10240x8xf32, #tpu.memory_space<vmem_shared>>
      tpu.enqueue_indirect_dma source(%arg7 : memref<128x8xf32, #tpu.memory_space<vmem>>) target(%dma_start3A_26 : memref<10240x8xf32, #tpu.memory_space<vmem_shared>>) offsets(%dma_start3A_23 : memref<128xi32, #tpu.memory_space<vmem>>) semaphore(%arg8 : memref<!tpu.dma_semaphore, #tpu.memory_space<semaphore_mem>>) {add = true}
      %add3A_27 = arith.constant 1 : i32
      %add3A_28 = arith.addi %mul3A_19, %add3A_27 : i32
      %dma_start3A_29 = arith.constant 0 : i32
      %dma_start3A_30 = tpu.memref_slice %arg6[%add3A_28, %dma_start3A_29] : memref<80x128xi32, #tpu.memory_space<vmem>> -> memref<1x128xi32, #tpu.memory_space<vmem>>
      %dma_start3A_31 = tpu.memref_squeeze %dma_start3A_30 : memref<1x128xi32, #tpu.memory_space<vmem>> -> memref<128xi32, #tpu.memory_space<vmem>>
      %dma_start3A_32 = arith.constant 0 : i32
      %dma_start3A_33 = arith.constant 0 : i32
      %dma_start3A_34 = tpu.memref_slice %arg9[%dma_start3A_32, %dma_start3A_33] : memref<10240x8xf32, #tpu.memory_space<vmem_shared>> -> memref<10240x8xf32, #tpu.memory_space<vmem_shared>>
      tpu.enqueue_indirect_dma source(%arg7 : memref<128x8xf32, #tpu.memory_space<vmem>>) target(%dma_start3A_34 : memref<10240x8xf32, #tpu.memory_space<vmem_shared>>) offsets(%dma_start3A_31 : memref<128xi32, #tpu.memory_space<vmem>>) semaphore(%arg8 : memref<!tpu.dma_semaphore, #tpu.memory_space<semaphore_mem>>) {add = true}
      %add3A_35 = arith.constant 2 : i32
      %add3A_36 = arith.addi %mul3A_19, %add3A_35 : i32
      %dma_start3A_37 = arith.constant 0 : i32
      %dma_start3A_38 = tpu.memref_slice %arg6[%add3A_36, %dma_start3A_37] : memref<80x128xi32, #tpu.memory_space<vmem>> -> memref<1x128xi32, #tpu.memory_space<vmem>>
      %dma_start3A_39 = tpu.memref_squeeze %dma_start3A_38 : memref<1x128xi32, #tpu.memory_space<vmem>> -> memref<128xi32, #tpu.memory_space<vmem>>
      %dma_start3A_40 = arith.constant 0 : i32
      %dma_start3A_41 = arith.constant 0 : i32
      %dma_start3A_42 = tpu.memref_slice %arg9[%dma_start3A_40, %dma_start3A_41] : memref<10240x8xf32, #tpu.memory_space<vmem_shared>> -> memref<10240x8xf32, #tpu.memory_space<vmem_shared>>
      tpu.enqueue_indirect_dma source(%arg7 : memref<128x8xf32, #tpu.memory_space<vmem>>) target(%dma_start3A_42 : memref<10240x8xf32, #tpu.memory_space<vmem_shared>>) offsets(%dma_start3A_39 : memref<128xi32, #tpu.memory_space<vmem>>) semaphore(%arg8 : memref<!tpu.dma_semaphore, #tpu.memory_space<semaphore_mem>>) {add = true}
      %add3A_43 = arith.constant 3 : i32
      %add3A_44 = arith.addi %mul3A_19, %add3A_43 : i32
      %dma_start3A_45 = arith.constant 0 : i32
      %dma_start3A_46 = tpu.memref_slice %arg6[%add3A_44, %dma_start3A_45] : memref<80x128xi32, #tpu.memory_space<vmem>> -> memref<1x128xi32, #tpu.memory_space<vmem>>
      %dma_start3A_47 = tpu.memref_squeeze %dma_start3A_46 : memref<1x128xi32, #tpu.memory_space<vmem>> -> memref<128xi32, #tpu.memory_space<vmem>>
      %dma_start3A_48 = arith.constant 0 : i32
      %dma_start3A_49 = arith.constant 0 : i32
      %dma_start3A_50 = tpu.memref_slice %arg9[%dma_start3A_48, %dma_start3A_49] : memref<10240x8xf32, #tpu.memory_space<vmem_shared>> -> memref<10240x8xf32, #tpu.memory_space<vmem_shared>>
      tpu.enqueue_indirect_dma source(%arg7 : memref<128x8xf32, #tpu.memory_space<vmem>>) target(%dma_start3A_50 : memref<10240x8xf32, #tpu.memory_space<vmem_shared>>) offsets(%dma_start3A_47 : memref<128xi32, #tpu.memory_space<vmem>>) semaphore(%arg8 : memref<!tpu.dma_semaphore, #tpu.memory_space<semaphore_mem>>) {add = true}
      %add3A_51 = arith.constant 4 : i32
      %add3A_52 = arith.addi %mul3A_19, %add3A_51 : i32
      %dma_start3A_53 = arith.constant 0 : i32
      %dma_start3A_54 = tpu.memref_slice %arg6[%add3A_52, %dma_start3A_53] : memref<80x128xi32, #tpu.memory_space<vmem>> -> memref<1x128xi32, #tpu.memory_space<vmem>>
      %dma_start3A_55 = tpu.memref_squeeze %dma_start3A_54 : memref<1x128xi32, #tpu.memory_space<vmem>> -> memref<128xi32, #tpu.memory_space<vmem>>
      %dma_start3A_56 = arith.constant 0 : i32
      %dma_start3A_57 = arith.constant 0 : i32
      %dma_start3A_58 = tpu.memref_slice %arg9[%dma_start3A_56, %dma_start3A_57] : memref<10240x8xf32, #tpu.memory_space<vmem_shared>> -> memref<10240x8xf32, #tpu.memory_space<vmem_shared>>
      tpu.enqueue_indirect_dma source(%arg7 : memref<128x8xf32, #tpu.memory_space<vmem>>) target(%dma_start3A_58 : memref<10240x8xf32, #tpu.memory_space<vmem_shared>>) offsets(%dma_start3A_55 : memref<128xi32, #tpu.memory_space<vmem>>) semaphore(%arg8 : memref<!tpu.dma_semaphore, #tpu.memory_space<semaphore_mem>>) {add = true}
      %add3A_59 = arith.constant 5 : i32
      %add3A_60 = arith.addi %mul3A_19, %add3A_59 : i32
      %dma_start3A_61 = arith.constant 0 : i32
      %dma_start3A_62 = tpu.memref_slice %arg6[%add3A_60, %dma_start3A_61] : memref<80x128xi32, #tpu.memory_space<vmem>> -> memref<1x128xi32, #tpu.memory_space<vmem>>
      %dma_start3A_63 = tpu.memref_squeeze %dma_start3A_62 : memref<1x128xi32, #tpu.memory_space<vmem>> -> memref<128xi32, #tpu.memory_space<vmem>>
      %dma_start3A_64 = arith.constant 0 : i32
      %dma_start3A_65 = arith.constant 0 : i32
      %dma_start3A_66 = tpu.memref_slice %arg9[%dma_start3A_64, %dma_start3A_65] : memref<10240x8xf32, #tpu.memory_space<vmem_shared>> -> memref<10240x8xf32, #tpu.memory_space<vmem_shared>>
      tpu.enqueue_indirect_dma source(%arg7 : memref<128x8xf32, #tpu.memory_space<vmem>>) target(%dma_start3A_66 : memref<10240x8xf32, #tpu.memory_space<vmem_shared>>) offsets(%dma_start3A_63 : memref<128xi32, #tpu.memory_space<vmem>>) semaphore(%arg8 : memref<!tpu.dma_semaphore, #tpu.memory_space<semaphore_mem>>) {add = true}
      %add3A_67 = arith.constant 6 : i32
      %add3A_68 = arith.addi %mul3A_19, %add3A_67 : i32
      %dma_start3A_69 = arith.constant 0 : i32
      %dma_start3A_70 = tpu.memref_slice %arg6[%add3A_68, %dma_start3A_69] : memref<80x128xi32, #tpu.memory_space<vmem>> -> memref<1x128xi32, #tpu.memory_space<vmem>>
      %dma_start3A_71 = tpu.memref_squeeze %dma_start3A_70 : memref<1x128xi32, #tpu.memory_space<vmem>> -> memref<128xi32, #tpu.memory_space<vmem>>
      %dma_start3A_72 = arith.constant 0 : i32
      %dma_start3A_73 = arith.constant 0 : i32
      %dma_start3A_74 = tpu.memref_slice %arg9[%dma_start3A_72, %dma_start3A_73] : memref<10240x8xf32, #tpu.memory_space<vmem_shared>> -> memref<10240x8xf32, #tpu.memory_space<vmem_shared>>
      tpu.enqueue_indirect_dma source(%arg7 : memref<128x8xf32, #tpu.memory_space<vmem>>) target(%dma_start3A_74 : memref<10240x8xf32, #tpu.memory_space<vmem_shared>>) offsets(%dma_start3A_71 : memref<128xi32, #tpu.memory_space<vmem>>) semaphore(%arg8 : memref<!tpu.dma_semaphore, #tpu.memory_space<semaphore_mem>>) {add = true}
      %add3A_75 = arith.constant 7 : i32
      %add3A_76 = arith.addi %mul3A_19, %add3A_75 : i32
      %dma_start3A_77 = arith.constant 0 : i32
      %dma_start3A_78 = tpu.memref_slice %arg6[%add3A_76, %dma_start3A_77] : memref<80x128xi32, #tpu.memory_space<vmem>> -> memref<1x128xi32, #tpu.memory_space<vmem>>
      %dma_start3A_79 = tpu.memref_squeeze %dma_start3A_78 : memref<1x128xi32, #tpu.memory_space<vmem>> -> memref<128xi32, #tpu.memory_space<vmem>>
      %dma_start3A_80 = arith.constant 0 : i32
      %dma_start3A_81 = arith.constant 0 : i32
      %dma_start3A_82 = tpu.memref_slice %arg9[%dma_start3A_80, %dma_start3A_81] : memref<10240x8xf32, #tpu.memory_space<vmem_shared>> -> memref<10240x8xf32, #tpu.memory_space<vmem_shared>>
      tpu.enqueue_indirect_dma source(%arg7 : memref<128x8xf32, #tpu.memory_space<vmem>>) target(%dma_start3A_82 : memref<10240x8xf32, #tpu.memory_space<vmem_shared>>) offsets(%dma_start3A_79 : memref<128xi32, #tpu.memory_space<vmem>>) semaphore(%arg8 : memref<!tpu.dma_semaphore, #tpu.memory_space<semaphore_mem>>) {add = true}
      %add3A_83 = arith.constant 0 : i32
      %add3A_84 = arith.addi %mul3A_19, %add3A_83 : i32
      %dma_wait3A = arith.constant 0 : i32
      %dma_wait3A_85 = tpu.memref_slice %arg6[%add3A_84, %dma_wait3A] : memref<80x128xi32, #tpu.memory_space<vmem>> -> memref<1x128xi32, #tpu.memory_space<vmem>>
      %dma_wait3A_86 = tpu.memref_squeeze %dma_wait3A_85 : memref<1x128xi32, #tpu.memory_space<vmem>> -> memref<128xi32, #tpu.memory_space<vmem>>
      %dma_wait3A_87 = arith.constant 0 : i32
      %dma_wait3A_88 = arith.constant 0 : i32
      %dma_wait3A_89 = tpu.memref_slice %arg9[%dma_wait3A_87, %dma_wait3A_88] : memref<10240x8xf32, #tpu.memory_space<vmem_shared>> -> memref<10240x8xf32, #tpu.memory_space<vmem_shared>>
      tpu.wait_indirect_dma semaphore(%arg8 : memref<!tpu.dma_semaphore, #tpu.memory_space<semaphore_mem>>) src(%arg7 : memref<128x8xf32, #tpu.memory_space<vmem>>) dst(%dma_wait3A_89 : memref<10240x8xf32, #tpu.memory_space<vmem_shared>>)
      %add3A_90 = arith.constant 1 : i32
      %add3A_91 = arith.addi %mul3A_19, %add3A_90 : i32
      %dma_wait3A_92 = arith.constant 0 : i32
      %dma_wait3A_93 = tpu.memref_slice %arg6[%add3A_91, %dma_wait3A_92] : memref<80x128xi32, #tpu.memory_space<vmem>> -> memref<1x128xi32, #tpu.memory_space<vmem>>
      %dma_wait3A_94 = tpu.memref_squeeze %dma_wait3A_93 : memref<1x128xi32, #tpu.memory_space<vmem>> -> memref<128xi32, #tpu.memory_space<vmem>>
      %dma_wait3A_95 = arith.constant 0 : i32
      %dma_wait3A_96 = arith.constant 0 : i32
      %dma_wait3A_97 = tpu.memref_slice %arg9[%dma_wait3A_95, %dma_wait3A_96] : memref<10240x8xf32, #tpu.memory_space<vmem_shared>> -> memref<10240x8xf32, #tpu.memory_space<vmem_shared>>
      tpu.wait_indirect_dma semaphore(%arg8 : memref<!tpu.dma_semaphore, #tpu.memory_space<semaphore_mem>>) src(%arg7 : memref<128x8xf32, #tpu.memory_space<vmem>>) dst(%dma_wait3A_97 : memref<10240x8xf32, #tpu.memory_space<vmem_shared>>)
      %add3A_98 = arith.constant 2 : i32
      %add3A_99 = arith.addi %mul3A_19, %add3A_98 : i32
      %dma_wait3A_100 = arith.constant 0 : i32
      %dma_wait3A_101 = tpu.memref_slice %arg6[%add3A_99, %dma_wait3A_100] : memref<80x128xi32, #tpu.memory_space<vmem>> -> memref<1x128xi32, #tpu.memory_space<vmem>>
      %dma_wait3A_102 = tpu.memref_squeeze %dma_wait3A_101 : memref<1x128xi32, #tpu.memory_space<vmem>> -> memref<128xi32, #tpu.memory_space<vmem>>
      %dma_wait3A_103 = arith.constant 0 : i32
      %dma_wait3A_104 = arith.constant 0 : i32
      %dma_wait3A_105 = tpu.memref_slice %arg9[%dma_wait3A_103, %dma_wait3A_104] : memref<10240x8xf32, #tpu.memory_space<vmem_shared>> -> memref<10240x8xf32, #tpu.memory_space<vmem_shared>>
      tpu.wait_indirect_dma semaphore(%arg8 : memref<!tpu.dma_semaphore, #tpu.memory_space<semaphore_mem>>) src(%arg7 : memref<128x8xf32, #tpu.memory_space<vmem>>) dst(%dma_wait3A_105 : memref<10240x8xf32, #tpu.memory_space<vmem_shared>>)
      %add3A_106 = arith.constant 3 : i32
      %add3A_107 = arith.addi %mul3A_19, %add3A_106 : i32
      %dma_wait3A_108 = arith.constant 0 : i32
      %dma_wait3A_109 = tpu.memref_slice %arg6[%add3A_107, %dma_wait3A_108] : memref<80x128xi32, #tpu.memory_space<vmem>> -> memref<1x128xi32, #tpu.memory_space<vmem>>
      %dma_wait3A_110 = tpu.memref_squeeze %dma_wait3A_109 : memref<1x128xi32, #tpu.memory_space<vmem>> -> memref<128xi32, #tpu.memory_space<vmem>>
      %dma_wait3A_111 = arith.constant 0 : i32
      %dma_wait3A_112 = arith.constant 0 : i32
      %dma_wait3A_113 = tpu.memref_slice %arg9[%dma_wait3A_111, %dma_wait3A_112] : memref<10240x8xf32, #tpu.memory_space<vmem_shared>> -> memref<10240x8xf32, #tpu.memory_space<vmem_shared>>
      tpu.wait_indirect_dma semaphore(%arg8 : memref<!tpu.dma_semaphore, #tpu.memory_space<semaphore_mem>>) src(%arg7 : memref<128x8xf32, #tpu.memory_space<vmem>>) dst(%dma_wait3A_113 : memref<10240x8xf32, #tpu.memory_space<vmem_shared>>)
      %add3A_114 = arith.constant 4 : i32
      %add3A_115 = arith.addi %mul3A_19, %add3A_114 : i32
      %dma_wait3A_116 = arith.constant 0 : i32
      %dma_wait3A_117 = tpu.memref_slice %arg6[%add3A_115, %dma_wait3A_116] : memref<80x128xi32, #tpu.memory_space<vmem>> -> memref<1x128xi32, #tpu.memory_space<vmem>>
      %dma_wait3A_118 = tpu.memref_squeeze %dma_wait3A_117 : memref<1x128xi32, #tpu.memory_space<vmem>> -> memref<128xi32, #tpu.memory_space<vmem>>
      %dma_wait3A_119 = arith.constant 0 : i32
      %dma_wait3A_120 = arith.constant 0 : i32
      %dma_wait3A_121 = tpu.memref_slice %arg9[%dma_wait3A_119, %dma_wait3A_120] : memref<10240x8xf32, #tpu.memory_space<vmem_shared>> -> memref<10240x8xf32, #tpu.memory_space<vmem_shared>>
      tpu.wait_indirect_dma semaphore(%arg8 : memref<!tpu.dma_semaphore, #tpu.memory_space<semaphore_mem>>) src(%arg7 : memref<128x8xf32, #tpu.memory_space<vmem>>) dst(%dma_wait3A_121 : memref<10240x8xf32, #tpu.memory_space<vmem_shared>>)
      %add3A_122 = arith.constant 5 : i32
      %add3A_123 = arith.addi %mul3A_19, %add3A_122 : i32
      %dma_wait3A_124 = arith.constant 0 : i32
      %dma_wait3A_125 = tpu.memref_slice %arg6[%add3A_123, %dma_wait3A_124] : memref<80x128xi32, #tpu.memory_space<vmem>> -> memref<1x128xi32, #tpu.memory_space<vmem>>
      %dma_wait3A_126 = tpu.memref_squeeze %dma_wait3A_125 : memref<1x128xi32, #tpu.memory_space<vmem>> -> memref<128xi32, #tpu.memory_space<vmem>>
      %dma_wait3A_127 = arith.constant 0 : i32
      %dma_wait3A_128 = arith.constant 0 : i32
      %dma_wait3A_129 = tpu.memref_slice %arg9[%dma_wait3A_127, %dma_wait3A_128] : memref<10240x8xf32, #tpu.memory_space<vmem_shared>> -> memref<10240x8xf32, #tpu.memory_space<vmem_shared>>
      tpu.wait_indirect_dma semaphore(%arg8 : memref<!tpu.dma_semaphore, #tpu.memory_space<semaphore_mem>>) src(%arg7 : memref<128x8xf32, #tpu.memory_space<vmem>>) dst(%dma_wait3A_129 : memref<10240x8xf32, #tpu.memory_space<vmem_shared>>)
      %add3A_130 = arith.constant 6 : i32
      %add3A_131 = arith.addi %mul3A_19, %add3A_130 : i32
      %dma_wait3A_132 = arith.constant 0 : i32
      %dma_wait3A_133 = tpu.memref_slice %arg6[%add3A_131, %dma_wait3A_132] : memref<80x128xi32, #tpu.memory_space<vmem>> -> memref<1x128xi32, #tpu.memory_space<vmem>>
      %dma_wait3A_134 = tpu.memref_squeeze %dma_wait3A_133 : memref<1x128xi32, #tpu.memory_space<vmem>> -> memref<128xi32, #tpu.memory_space<vmem>>
      %dma_wait3A_135 = arith.constant 0 : i32
      %dma_wait3A_136 = arith.constant 0 : i32
      %dma_wait3A_137 = tpu.memref_slice %arg9[%dma_wait3A_135, %dma_wait3A_136] : memref<10240x8xf32, #tpu.memory_space<vmem_shared>> -> memref<10240x8xf32, #tpu.memory_space<vmem_shared>>
      tpu.wait_indirect_dma semaphore(%arg8 : memref<!tpu.dma_semaphore, #tpu.memory_space<semaphore_mem>>) src(%arg7 : memref<128x8xf32, #tpu.memory_space<vmem>>) dst(%dma_wait3A_137 : memref<10240x8xf32, #tpu.memory_space<vmem_shared>>)
      %add3A_138 = arith.constant 7 : i32
      %add3A_139 = arith.addi %mul3A_19, %add3A_138 : i32
      %dma_wait3A_140 = arith.constant 0 : i32
      %dma_wait3A_141 = tpu.memref_slice %arg6[%add3A_139, %dma_wait3A_140] : memref<80x128xi32, #tpu.memory_space<vmem>> -> memref<1x128xi32, #tpu.memory_space<vmem>>
      %dma_wait3A_142 = tpu.memref_squeeze %dma_wait3A_141 : memref<1x128xi32, #tpu.memory_space<vmem>> -> memref<128xi32, #tpu.memory_space<vmem>>
      %dma_wait3A_143 = arith.constant 0 : i32
      %dma_wait3A_144 = arith.constant 0 : i32
      %dma_wait3A_145 = tpu.memref_slice %arg9[%dma_wait3A_143, %dma_wait3A_144] : memref<10240x8xf32, #tpu.memory_space<vmem_shared>> -> memref<10240x8xf32, #tpu.memory_space<vmem_shared>>
      tpu.wait_indirect_dma semaphore(%arg8 : memref<!tpu.dma_semaphore, #tpu.memory_space<semaphore_mem>>) src(%arg7 : memref<128x8xf32, #tpu.memory_space<vmem>>) dst(%dma_wait3A_145 : memref<10240x8xf32, #tpu.memory_space<vmem_shared>>)
    }
    %scan3A_11 = arith.constant 10 : i32
    %barrier3A_12 = arith.constant 0 : index
    tpu.barrier barrier_id(%barrier3A_12)
    %mul3A_13 = arith.constant 640 : i32
    %mul3A_14 = arith.muli %arg1, %mul3A_13 : i32
    %mul3A_15 = arith.constant 640 : i32
    %mul3A_16 = arith.muli %arg1, %mul3A_15 : i32
    "tpu.region"() ({
      %run_scoped3A = tpu.sem_alloc : memref<!tpu.dma_semaphore, #tpu.memory_space<semaphore_mem>>
      %dma_start3A = arith.constant 0 : i32
      %dma_start3A_17 = tpu.memref_slice %arg5[%arg0, %mul3A_16, %dma_start3A] : memref<2x10240x8xf32, #tpu.memory_space<hbm>> -> memref<1x640x8xf32, #tpu.memory_space<hbm>>
      %dma_start3A_18 = tpu.memref_squeeze %dma_start3A_17 : memref<1x640x8xf32, #tpu.memory_space<hbm>> -> memref<640x8xf32, #tpu.memory_space<hbm>>
      %dma_start3A_19 = arith.constant 0 : i32
      %dma_start3A_20 = tpu.memref_slice %arg9[%mul3A_14, %dma_start3A_19] : memref<10240x8xf32, #tpu.memory_space<vmem_shared>> -> memref<640x8xf32, #tpu.memory_space<vmem_shared>>
      tpu.enqueue_dma source(%dma_start3A_20 : memref<640x8xf32, #tpu.memory_space<vmem_shared>>) target(%dma_start3A_18 : memref<640x8xf32, #tpu.memory_space<hbm>>) target_semaphore(%run_scoped3A : memref<!tpu.dma_semaphore, #tpu.memory_space<semaphore_mem>>)
      %dma_wait3A = arith.constant 0 : i32
      %dma_wait3A_21 = tpu.memref_slice %arg5[%arg0, %mul3A_16, %dma_wait3A] : memref<2x10240x8xf32, #tpu.memory_space<hbm>> -> memref<1x640x8xf32, #tpu.memory_space<hbm>>
      %dma_wait3A_22 = tpu.memref_squeeze %dma_wait3A_21 : memref<1x640x8xf32, #tpu.memory_space<hbm>> -> memref<640x8xf32, #tpu.memory_space<hbm>>
      %dma_wait3A_23 = arith.constant 0 : i32
      %dma_wait3A_24 = tpu.memref_slice %arg9[%mul3A_14, %dma_wait3A_23] : memref<10240x8xf32, #tpu.memory_space<vmem_shared>> -> memref<640x8xf32, #tpu.memory_space<vmem_shared>>
      tpu.wait_dma2 semaphore(%run_scoped3A : memref<!tpu.dma_semaphore, #tpu.memory_space<semaphore_mem>>) src(%dma_wait3A_24 : memref<640x8xf32, #tpu.memory_space<vmem_shared>>) dst(%dma_wait3A_22 : memref<640x8xf32, #tpu.memory_space<hbm>>)
      tpu.yield
    }) : () -> ()
    return
  }
}

#map = affine_map<(d0, d1) -> (0, 0)>
#map1 = affine_map<(d0, d1) -> (0, 0, 0)>
module attributes {stable_mosaic.version = 14 : i64} {
  func.func @_hop_kernel(%arg0: i32, %arg1: i32, %arg2: memref<10240x64xf32, #tpu.memory_space<hbm>>, %arg3: memref<2560x128xi32, #tpu.memory_space<hbm>>, %arg4: memref<2560x128xi32, #tpu.memory_space<hbm>>, %arg5: memref<10240x64xf32, #tpu.memory_space<hbm>>, %arg6: memref<2x10240x64xf32, #tpu.memory_space<hbm>>, %arg7: memref<128x128xi32, #tpu.memory_space<vmem>>, %arg8: memref<128x128xi32, #tpu.memory_space<vmem>>, %arg9: memref<4x128x64xf32, #tpu.memory_space<vmem>>, %arg10: memref<!tpu.dma_semaphore, #tpu.memory_space<semaphore_mem>>, %arg11: memref<!tpu.dma_semaphore, #tpu.memory_space<semaphore_mem>>, %arg12: memref<!tpu.dma_semaphore, #tpu.memory_space<semaphore_mem>>, %arg13: memref<!tpu.dma_semaphore, #tpu.memory_space<semaphore_mem>>, %arg14: memref<!tpu.dma_semaphore, #tpu.memory_space<semaphore_mem>>, %arg15: memref<!tpu.dma_semaphore, #tpu.memory_space<semaphore_mem>>, %arg16: memref<!tpu.dma_semaphore, #tpu.memory_space<semaphore_mem>>, %arg17: memref<!tpu.dma_semaphore, #tpu.memory_space<semaphore_mem>>, %arg18: memref<10240x64xf32, #tpu.memory_space<vmem_shared>>) attributes {dimension_semantics = [#tpu.dimension_semantics<core_parallel>, #tpu.dimension_semantics<subcore_parallel>], iteration_bounds = array<i64: 2, 16>, scalar_prefetch = 0 : i64, scratch_operands = 12 : i64, tpu.core_type = #tpu.core_type<sc_vector_subcore>, window_params = [{transform_indices = #map}, {transform_indices = #map}, {transform_indices = #map}, {transform_indices = #map}, {transform_indices = #map1}]} {
    %eq3A = arith.constant 0 : i32
    %eq3A_0 = arith.cmpi eq, %arg0, %eq3A : i32
    %mul3A = arith.constant 128 : i32
    %mul3A_1 = arith.muli %arg1, %mul3A : i32
    %mul3A_2 = arith.constant 32 : i32
    %mul3A_3 = arith.muli %arg1, %mul3A_2 : i32
    %add3A = arith.constant 2048 : i32
    %add3A_4 = arith.addi %add3A, %mul3A_3 : i32
    %select_n3A = arith.select %eq3A_0, %mul3A_1, %add3A_4 : i32
    %mul3A_5 = arith.constant 640 : i32
    %mul3A_6 = arith.muli %arg1, %mul3A_5 : i32
    %mul3A_7 = arith.constant 640 : i32
    %mul3A_8 = arith.muli %arg1, %mul3A_7 : i32
    "tpu.region"() ({
      %run_scoped3A = tpu.sem_alloc : memref<!tpu.dma_semaphore, #tpu.memory_space<semaphore_mem>>
      %dma_start3A = arith.constant 0 : i32
      %dma_start3A_38 = tpu.memref_slice %arg18[%mul3A_8, %dma_start3A] : memref<10240x64xf32, #tpu.memory_space<vmem_shared>> -> memref<640x64xf32, #tpu.memory_space<vmem_shared>>
      %dma_start3A_39 = arith.constant 0 : i32
      %dma_start3A_40 = tpu.memref_slice %arg5[%mul3A_6, %dma_start3A_39] : memref<10240x64xf32, #tpu.memory_space<hbm>> -> memref<640x64xf32, #tpu.memory_space<hbm>>
      tpu.enqueue_dma source(%dma_start3A_40 : memref<640x64xf32, #tpu.memory_space<hbm>>) target(%dma_start3A_38 : memref<640x64xf32, #tpu.memory_space<vmem_shared>>) target_semaphore(%run_scoped3A : memref<!tpu.dma_semaphore, #tpu.memory_space<semaphore_mem>>)
      %dma_wait3A = arith.constant 0 : i32
      %dma_wait3A_41 = tpu.memref_slice %arg18[%mul3A_8, %dma_wait3A] : memref<10240x64xf32, #tpu.memory_space<vmem_shared>> -> memref<640x64xf32, #tpu.memory_space<vmem_shared>>
      %dma_wait3A_42 = arith.constant 0 : i32
      %dma_wait3A_43 = tpu.memref_slice %arg5[%mul3A_6, %dma_wait3A_42] : memref<10240x64xf32, #tpu.memory_space<hbm>> -> memref<640x64xf32, #tpu.memory_space<hbm>>
      tpu.wait_dma2 semaphore(%run_scoped3A : memref<!tpu.dma_semaphore, #tpu.memory_space<semaphore_mem>>) src(%dma_wait3A_43 : memref<640x64xf32, #tpu.memory_space<hbm>>) dst(%dma_wait3A_41 : memref<640x64xf32, #tpu.memory_space<vmem_shared>>)
      tpu.yield
    }) : () -> ()
    %eq3A_9 = arith.constant 0 : i32
    %eq3A_10 = arith.cmpi eq, %arg0, %eq3A_9 : i32
    %convert_element_type3A = arith.extui %eq3A_10 : i1 to i32
    %cond3A = arith.constant 0 : i32
    %cond3A_11 = arith.cmpi ne, %convert_element_type3A, %cond3A : i32
    scf.if %cond3A_11 {
      "tpu.region"() ({
        %run_scoped3A = tpu.sem_alloc : memref<!tpu.dma_semaphore, #tpu.memory_space<semaphore_mem>>
        %dma_start3A = arith.constant 0 : i32
        %dma_start3A_38 = tpu.memref_slice %arg3[%select_n3A, %dma_start3A] : memref<2560x128xi32, #tpu.memory_space<hbm>> -> memref<128x128xi32, #tpu.memory_space<hbm>>
        %dma_start3A_39 = arith.constant 0 : i32
        %dma_start3A_40 = tpu.memref_slice %arg3[%select_n3A, %dma_start3A_39] : memref<2560x128xi32, #tpu.memory_space<hbm>> -> memref<128x128xi32, #tpu.memory_space<hbm>>
        tpu.enqueue_dma source(%dma_start3A_40 : memref<128x128xi32, #tpu.memory_space<hbm>>) target(%arg7 : memref<128x128xi32, #tpu.memory_space<vmem>>) target_semaphore(%run_scoped3A : memref<!tpu.dma_semaphore, #tpu.memory_space<semaphore_mem>>)
        %dma_wait3A = arith.constant 0 : i32
        %dma_wait3A_41 = tpu.memref_slice %arg3[%select_n3A, %dma_wait3A] : memref<2560x128xi32, #tpu.memory_space<hbm>> -> memref<128x128xi32, #tpu.memory_space<hbm>>
        %dma_wait3A_42 = arith.constant 0 : i32
        %dma_wait3A_43 = tpu.memref_slice %arg3[%select_n3A, %dma_wait3A_42] : memref<2560x128xi32, #tpu.memory_space<hbm>> -> memref<128x128xi32, #tpu.memory_space<hbm>>
        tpu.wait_dma2 semaphore(%run_scoped3A : memref<!tpu.dma_semaphore, #tpu.memory_space<semaphore_mem>>) src(%dma_wait3A_43 : memref<128x128xi32, #tpu.memory_space<hbm>>) dst(%arg7 : memref<128x128xi32, #tpu.memory_space<vmem>>)
        tpu.yield
      }) : () -> ()
      "tpu.region"() ({
        %run_scoped3A = tpu.sem_alloc : memref<!tpu.dma_semaphore, #tpu.memory_space<semaphore_mem>>
        %dma_start3A = arith.constant 0 : i32
        %dma_start3A_38 = tpu.memref_slice %arg4[%select_n3A, %dma_start3A] : memref<2560x128xi32, #tpu.memory_space<hbm>> -> memref<128x128xi32, #tpu.memory_space<hbm>>
        %dma_start3A_39 = arith.constant 0 : i32
        %dma_start3A_40 = tpu.memref_slice %arg4[%select_n3A, %dma_start3A_39] : memref<2560x128xi32, #tpu.memory_space<hbm>> -> memref<128x128xi32, #tpu.memory_space<hbm>>
        tpu.enqueue_dma source(%dma_start3A_40 : memref<128x128xi32, #tpu.memory_space<hbm>>) target(%arg8 : memref<128x128xi32, #tpu.memory_space<vmem>>) target_semaphore(%run_scoped3A : memref<!tpu.dma_semaphore, #tpu.memory_space<semaphore_mem>>)
        %dma_wait3A = arith.constant 0 : i32
        %dma_wait3A_41 = tpu.memref_slice %arg4[%select_n3A, %dma_wait3A] : memref<2560x128xi32, #tpu.memory_space<hbm>> -> memref<128x128xi32, #tpu.memory_space<hbm>>
        %dma_wait3A_42 = arith.constant 0 : i32
        %dma_wait3A_43 = tpu.memref_slice %arg4[%select_n3A, %dma_wait3A_42] : memref<2560x128xi32, #tpu.memory_space<hbm>> -> memref<128x128xi32, #tpu.memory_space<hbm>>
        tpu.wait_dma2 semaphore(%run_scoped3A : memref<!tpu.dma_semaphore, #tpu.memory_space<semaphore_mem>>) src(%dma_wait3A_43 : memref<128x128xi32, #tpu.memory_space<hbm>>) dst(%arg8 : memref<128x128xi32, #tpu.memory_space<vmem>>)
        tpu.yield
      }) : () -> ()
    } else {
    }
    %eq3A_12 = arith.constant 1 : i32
    %eq3A_13 = arith.cmpi eq, %arg0, %eq3A_12 : i32
    %convert_element_type3A_14 = arith.extui %eq3A_13 : i1 to i32
    %cond3A_15 = arith.constant 0 : i32
    %cond3A_16 = arith.cmpi ne, %convert_element_type3A_14, %cond3A_15 : i32
    scf.if %cond3A_16 {
      "tpu.region"() ({
        %run_scoped3A = tpu.sem_alloc : memref<!tpu.dma_semaphore, #tpu.memory_space<semaphore_mem>>
        %dma_start3A = arith.constant 0 : i32
        %dma_start3A_38 = arith.constant 0 : i32
        %dma_start3A_39 = tpu.memref_slice %arg7[%dma_start3A, %dma_start3A_38] : memref<128x128xi32, #tpu.memory_space<vmem>> -> memref<32x128xi32, #tpu.memory_space<vmem>>
        %dma_start3A_40 = arith.constant 0 : i32
        %dma_start3A_41 = tpu.memref_slice %arg3[%select_n3A, %dma_start3A_40] : memref<2560x128xi32, #tpu.memory_space<hbm>> -> memref<32x128xi32, #tpu.memory_space<hbm>>
        %dma_start3A_42 = arith.constant 0 : i32
        %dma_start3A_43 = arith.constant 0 : i32
        %dma_start3A_44 = tpu.memref_slice %arg7[%dma_start3A_42, %dma_start3A_43] : memref<128x128xi32, #tpu.memory_space<vmem>> -> memref<32x128xi32, #tpu.memory_space<vmem>>
        %dma_start3A_45 = arith.constant 0 : i32
        %dma_start3A_46 = tpu.memref_slice %arg3[%select_n3A, %dma_start3A_45] : memref<2560x128xi32, #tpu.memory_space<hbm>> -> memref<32x128xi32, #tpu.memory_space<hbm>>
        tpu.enqueue_dma source(%dma_start3A_46 : memref<32x128xi32, #tpu.memory_space<hbm>>) target(%dma_start3A_44 : memref<32x128xi32, #tpu.memory_space<vmem>>) target_semaphore(%run_scoped3A : memref<!tpu.dma_semaphore, #tpu.memory_space<semaphore_mem>>)
        %dma_wait3A = arith.constant 0 : i32
        %dma_wait3A_47 = arith.constant 0 : i32
        %dma_wait3A_48 = tpu.memref_slice %arg7[%dma_wait3A, %dma_wait3A_47] : memref<128x128xi32, #tpu.memory_space<vmem>> -> memref<32x128xi32, #tpu.memory_space<vmem>>
        %dma_wait3A_49 = arith.constant 0 : i32
        %dma_wait3A_50 = tpu.memref_slice %arg3[%select_n3A, %dma_wait3A_49] : memref<2560x128xi32, #tpu.memory_space<hbm>> -> memref<32x128xi32, #tpu.memory_space<hbm>>
        %dma_wait3A_51 = arith.constant 0 : i32
        %dma_wait3A_52 = arith.constant 0 : i32
        %dma_wait3A_53 = tpu.memref_slice %arg7[%dma_wait3A_51, %dma_wait3A_52] : memref<128x128xi32, #tpu.memory_space<vmem>> -> memref<32x128xi32, #tpu.memory_space<vmem>>
        %dma_wait3A_54 = arith.constant 0 : i32
        %dma_wait3A_55 = tpu.memref_slice %arg3[%select_n3A, %dma_wait3A_54] : memref<2560x128xi32, #tpu.memory_space<hbm>> -> memref<32x128xi32, #tpu.memory_space<hbm>>
        tpu.wait_dma2 semaphore(%run_scoped3A : memref<!tpu.dma_semaphore, #tpu.memory_space<semaphore_mem>>) src(%dma_wait3A_55 : memref<32x128xi32, #tpu.memory_space<hbm>>) dst(%dma_wait3A_53 : memref<32x128xi32, #tpu.memory_space<vmem>>)
        tpu.yield
      }) : () -> ()
      "tpu.region"() ({
        %run_scoped3A = tpu.sem_alloc : memref<!tpu.dma_semaphore, #tpu.memory_space<semaphore_mem>>
        %dma_start3A = arith.constant 0 : i32
        %dma_start3A_38 = arith.constant 0 : i32
        %dma_start3A_39 = tpu.memref_slice %arg8[%dma_start3A, %dma_start3A_38] : memref<128x128xi32, #tpu.memory_space<vmem>> -> memref<32x128xi32, #tpu.memory_space<vmem>>
        %dma_start3A_40 = arith.constant 0 : i32
        %dma_start3A_41 = tpu.memref_slice %arg4[%select_n3A, %dma_start3A_40] : memref<2560x128xi32, #tpu.memory_space<hbm>> -> memref<32x128xi32, #tpu.memory_space<hbm>>
        %dma_start3A_42 = arith.constant 0 : i32
        %dma_start3A_43 = arith.constant 0 : i32
        %dma_start3A_44 = tpu.memref_slice %arg8[%dma_start3A_42, %dma_start3A_43] : memref<128x128xi32, #tpu.memory_space<vmem>> -> memref<32x128xi32, #tpu.memory_space<vmem>>
        %dma_start3A_45 = arith.constant 0 : i32
        %dma_start3A_46 = tpu.memref_slice %arg4[%select_n3A, %dma_start3A_45] : memref<2560x128xi32, #tpu.memory_space<hbm>> -> memref<32x128xi32, #tpu.memory_space<hbm>>
        tpu.enqueue_dma source(%dma_start3A_46 : memref<32x128xi32, #tpu.memory_space<hbm>>) target(%dma_start3A_44 : memref<32x128xi32, #tpu.memory_space<vmem>>) target_semaphore(%run_scoped3A : memref<!tpu.dma_semaphore, #tpu.memory_space<semaphore_mem>>)
        %dma_wait3A = arith.constant 0 : i32
        %dma_wait3A_47 = arith.constant 0 : i32
        %dma_wait3A_48 = tpu.memref_slice %arg8[%dma_wait3A, %dma_wait3A_47] : memref<128x128xi32, #tpu.memory_space<vmem>> -> memref<32x128xi32, #tpu.memory_space<vmem>>
        %dma_wait3A_49 = arith.constant 0 : i32
        %dma_wait3A_50 = tpu.memref_slice %arg4[%select_n3A, %dma_wait3A_49] : memref<2560x128xi32, #tpu.memory_space<hbm>> -> memref<32x128xi32, #tpu.memory_space<hbm>>
        %dma_wait3A_51 = arith.constant 0 : i32
        %dma_wait3A_52 = arith.constant 0 : i32
        %dma_wait3A_53 = tpu.memref_slice %arg8[%dma_wait3A_51, %dma_wait3A_52] : memref<128x128xi32, #tpu.memory_space<vmem>> -> memref<32x128xi32, #tpu.memory_space<vmem>>
        %dma_wait3A_54 = arith.constant 0 : i32
        %dma_wait3A_55 = tpu.memref_slice %arg4[%select_n3A, %dma_wait3A_54] : memref<2560x128xi32, #tpu.memory_space<hbm>> -> memref<32x128xi32, #tpu.memory_space<hbm>>
        tpu.wait_dma2 semaphore(%run_scoped3A : memref<!tpu.dma_semaphore, #tpu.memory_space<semaphore_mem>>) src(%dma_wait3A_55 : memref<32x128xi32, #tpu.memory_space<hbm>>) dst(%dma_wait3A_53 : memref<32x128xi32, #tpu.memory_space<vmem>>)
        tpu.yield
      }) : () -> ()
    } else {
    }
    %barrier3A = arith.constant 0 : index
    tpu.barrier barrier_id(%barrier3A)
    %eq3A_17 = arith.constant 0 : i32
    %eq3A_18 = arith.cmpi eq, %arg0, %eq3A_17 : i32
    %convert_element_type3A_19 = arith.extui %eq3A_18 : i1 to i32
    %cond3A_20 = arith.constant 0 : i32
    %cond3A_21 = arith.constant 1 : i32
    %cond3A_22 = arith.constant 2 : i32
    %cond3A_23 = arith.constant 3 : i32
    %cond3A_24 = arith.constant 0 : i32
    %cond3A_25 = arith.cmpi ne, %convert_element_type3A_19, %cond3A_24 : i32
    scf.if %cond3A_25 {
      %dma_start3A = arith.constant 0 : i32
      %dma_start3A_38 = arith.constant 0 : i32
      %dma_start3A_39 = arith.constant 0 : i32
      %dma_start3A_40 = tpu.memref_slice %arg9[%cond3A_20, %dma_start3A_38, %dma_start3A_39] : memref<4x128x64xf32, #tpu.memory_space<vmem>> -> memref<1x128x64xf32, #tpu.memory_space<vmem>>
      %dma_start3A_41 = tpu.memref_squeeze %dma_start3A_40 : memref<1x128x64xf32, #tpu.memory_space<vmem>> -> memref<128x64xf32, #tpu.memory_space<vmem>>
      %dma_start3A_42 = arith.constant 0 : i32
      %dma_start3A_43 = tpu.memref_slice %arg7[%dma_start3A, %dma_start3A_42] : memref<128x128xi32, #tpu.memory_space<vmem>> -> memref<1x128xi32, #tpu.memory_space<vmem>>
      %dma_start3A_44 = tpu.memref_squeeze %dma_start3A_43 : memref<1x128xi32, #tpu.memory_space<vmem>> -> memref<128xi32, #tpu.memory_space<vmem>>
      %dma_start3A_45 = arith.constant 0 : i32
      %dma_start3A_46 = arith.constant 0 : i32
      %dma_start3A_47 = tpu.memref_slice %arg2[%dma_start3A_45, %dma_start3A_46] : memref<10240x64xf32, #tpu.memory_space<hbm>> -> memref<10240x64xf32, #tpu.memory_space<hbm>>
      tpu.enqueue_indirect_dma source(%dma_start3A_47 : memref<10240x64xf32, #tpu.memory_space<hbm>>) target(%dma_start3A_41 : memref<128x64xf32, #tpu.memory_space<vmem>>) offsets(%dma_start3A_44 : memref<128xi32, #tpu.memory_space<vmem>>) semaphore(%arg10 : memref<!tpu.dma_semaphore, #tpu.memory_space<semaphore_mem>>)
      %dma_start3A_48 = arith.constant 1 : i32
      %dma_start3A_49 = arith.constant 0 : i32
      %dma_start3A_50 = arith.constant 0 : i32
      %dma_start3A_51 = tpu.memref_slice %arg9[%cond3A_21, %dma_start3A_49, %dma_start3A_50] : memref<4x128x64xf32, #tpu.memory_space<vmem>> -> memref<1x128x64xf32, #tpu.memory_space<vmem>>
      %dma_start3A_52 = tpu.memref_squeeze %dma_start3A_51 : memref<1x128x64xf32, #tpu.memory_space<vmem>> -> memref<128x64xf32, #tpu.memory_space<vmem>>
      %dma_start3A_53 = arith.constant 0 : i32
      %dma_start3A_54 = tpu.memref_slice %arg7[%dma_start3A_48, %dma_start3A_53] : memref<128x128xi32, #tpu.memory_space<vmem>> -> memref<1x128xi32, #tpu.memory_space<vmem>>
      %dma_start3A_55 = tpu.memref_squeeze %dma_start3A_54 : memref<1x128xi32, #tpu.memory_space<vmem>> -> memref<128xi32, #tpu.memory_space<vmem>>
      %dma_start3A_56 = arith.constant 0 : i32
      %dma_start3A_57 = arith.constant 0 : i32
      %dma_start3A_58 = tpu.memref_slice %arg2[%dma_start3A_56, %dma_start3A_57] : memref<10240x64xf32, #tpu.memory_space<hbm>> -> memref<10240x64xf32, #tpu.memory_space<hbm>>
      tpu.enqueue_indirect_dma source(%dma_start3A_58 : memref<10240x64xf32, #tpu.memory_space<hbm>>) target(%dma_start3A_52 : memref<128x64xf32, #tpu.memory_space<vmem>>) offsets(%dma_start3A_55 : memref<128xi32, #tpu.memory_space<vmem>>) semaphore(%arg11 : memref<!tpu.dma_semaphore, #tpu.memory_space<semaphore_mem>>)
      %dma_start3A_59 = arith.constant 2 : i32
      %dma_start3A_60 = arith.constant 0 : i32
      %dma_start3A_61 = arith.constant 0 : i32
      %dma_start3A_62 = tpu.memref_slice %arg9[%cond3A_22, %dma_start3A_60, %dma_start3A_61] : memref<4x128x64xf32, #tpu.memory_space<vmem>> -> memref<1x128x64xf32, #tpu.memory_space<vmem>>
      %dma_start3A_63 = tpu.memref_squeeze %dma_start3A_62 : memref<1x128x64xf32, #tpu.memory_space<vmem>> -> memref<128x64xf32, #tpu.memory_space<vmem>>
      %dma_start3A_64 = arith.constant 0 : i32
      %dma_start3A_65 = tpu.memref_slice %arg7[%dma_start3A_59, %dma_start3A_64] : memref<128x128xi32, #tpu.memory_space<vmem>> -> memref<1x128xi32, #tpu.memory_space<vmem>>
      %dma_start3A_66 = tpu.memref_squeeze %dma_start3A_65 : memref<1x128xi32, #tpu.memory_space<vmem>> -> memref<128xi32, #tpu.memory_space<vmem>>
      %dma_start3A_67 = arith.constant 0 : i32
      %dma_start3A_68 = arith.constant 0 : i32
      %dma_start3A_69 = tpu.memref_slice %arg2[%dma_start3A_67, %dma_start3A_68] : memref<10240x64xf32, #tpu.memory_space<hbm>> -> memref<10240x64xf32, #tpu.memory_space<hbm>>
      tpu.enqueue_indirect_dma source(%dma_start3A_69 : memref<10240x64xf32, #tpu.memory_space<hbm>>) target(%dma_start3A_63 : memref<128x64xf32, #tpu.memory_space<vmem>>) offsets(%dma_start3A_66 : memref<128xi32, #tpu.memory_space<vmem>>) semaphore(%arg12 : memref<!tpu.dma_semaphore, #tpu.memory_space<semaphore_mem>>)
      %dma_start3A_70 = arith.constant 3 : i32
      %dma_start3A_71 = arith.constant 0 : i32
      %dma_start3A_72 = arith.constant 0 : i32
      %dma_start3A_73 = tpu.memref_slice %arg9[%cond3A_23, %dma_start3A_71, %dma_start3A_72] : memref<4x128x64xf32, #tpu.memory_space<vmem>> -> memref<1x128x64xf32, #tpu.memory_space<vmem>>
      %dma_start3A_74 = tpu.memref_squeeze %dma_start3A_73 : memref<1x128x64xf32, #tpu.memory_space<vmem>> -> memref<128x64xf32, #tpu.memory_space<vmem>>
      %dma_start3A_75 = arith.constant 0 : i32
      %dma_start3A_76 = tpu.memref_slice %arg7[%dma_start3A_70, %dma_start3A_75] : memref<128x128xi32, #tpu.memory_space<vmem>> -> memref<1x128xi32, #tpu.memory_space<vmem>>
      %dma_start3A_77 = tpu.memref_squeeze %dma_start3A_76 : memref<1x128xi32, #tpu.memory_space<vmem>> -> memref<128xi32, #tpu.memory_space<vmem>>
      %dma_start3A_78 = arith.constant 0 : i32
      %dma_start3A_79 = arith.constant 0 : i32
      %dma_start3A_80 = tpu.memref_slice %arg2[%dma_start3A_78, %dma_start3A_79] : memref<10240x64xf32, #tpu.memory_space<hbm>> -> memref<10240x64xf32, #tpu.memory_space<hbm>>
      tpu.enqueue_indirect_dma source(%dma_start3A_80 : memref<10240x64xf32, #tpu.memory_space<hbm>>) target(%dma_start3A_74 : memref<128x64xf32, #tpu.memory_space<vmem>>) offsets(%dma_start3A_77 : memref<128xi32, #tpu.memory_space<vmem>>) semaphore(%arg13 : memref<!tpu.dma_semaphore, #tpu.memory_space<semaphore_mem>>)
      %scan3A = arith.constant 0 : i32
      %scan3A_81 = arith.constant 0 : i32
      %scan3A_82 = arith.constant 32 : i32
      %scan3A_83 = arith.addi %scan3A_81, %scan3A_82 : i32
      %scan3A_84 = arith.constant 1 : i32
      scf.for %scan3A_129 = %scan3A_81 to %scan3A_83 step %scan3A_84  : i32 {
        %mul3A_130 = arith.constant 4 : i32
        %mul3A_131 = arith.muli %mul3A_130, %scan3A_129 : i32
        %add3A_132 = arith.constant 0 : i32
        %add3A_133 = arith.addi %mul3A_131, %add3A_132 : i32
        %dma_wait3A_134 = arith.constant 0 : i32
        %dma_wait3A_135 = arith.constant 0 : i32
        %dma_wait3A_136 = tpu.memref_slice %arg9[%cond3A_20, %dma_wait3A_134, %dma_wait3A_135] : memref<4x128x64xf32, #tpu.memory_space<vmem>> -> memref<1x128x64xf32, #tpu.memory_space<vmem>>
        %dma_wait3A_137 = tpu.memref_squeeze %dma_wait3A_136 : memref<1x128x64xf32, #tpu.memory_space<vmem>> -> memref<128x64xf32, #tpu.memory_space<vmem>>
        %dma_wait3A_138 = arith.constant 0 : i32
        %dma_wait3A_139 = tpu.memref_slice %arg7[%add3A_133, %dma_wait3A_138] : memref<128x128xi32, #tpu.memory_space<vmem>> -> memref<1x128xi32, #tpu.memory_space<vmem>>
        %dma_wait3A_140 = tpu.memref_squeeze %dma_wait3A_139 : memref<1x128xi32, #tpu.memory_space<vmem>> -> memref<128xi32, #tpu.memory_space<vmem>>
        %dma_wait3A_141 = arith.constant 0 : i32
        %dma_wait3A_142 = arith.constant 0 : i32
        %dma_wait3A_143 = tpu.memref_slice %arg2[%dma_wait3A_141, %dma_wait3A_142] : memref<10240x64xf32, #tpu.memory_space<hbm>> -> memref<10240x64xf32, #tpu.memory_space<hbm>>
        tpu.wait_indirect_dma semaphore(%arg10 : memref<!tpu.dma_semaphore, #tpu.memory_space<semaphore_mem>>) src(%dma_wait3A_143 : memref<10240x64xf32, #tpu.memory_space<hbm>>) dst(%dma_wait3A_137 : memref<128x64xf32, #tpu.memory_space<vmem>>)
        %add3A_144 = arith.constant 0 : i32
        %add3A_145 = arith.addi %mul3A_131, %add3A_144 : i32
        %dma_start3A_146 = arith.constant 0 : i32
        %dma_start3A_147 = arith.constant 0 : i32
        %dma_start3A_148 = tpu.memref_slice %arg9[%cond3A_20, %dma_start3A_146, %dma_start3A_147] : memref<4x128x64xf32, #tpu.memory_space<vmem>> -> memref<1x128x64xf32, #tpu.memory_space<vmem>>
        %dma_start3A_149 = tpu.memref_squeeze %dma_start3A_148 : memref<1x128x64xf32, #tpu.memory_space<vmem>> -> memref<128x64xf32, #tpu.memory_space<vmem>>
        %dma_start3A_150 = arith.constant 0 : i32
        %dma_start3A_151 = tpu.memref_slice %arg8[%add3A_145, %dma_start3A_150] : memref<128x128xi32, #tpu.memory_space<vmem>> -> memref<1x128xi32, #tpu.memory_space<vmem>>
        %dma_start3A_152 = tpu.memref_squeeze %dma_start3A_151 : memref<1x128xi32, #tpu.memory_space<vmem>> -> memref<128xi32, #tpu.memory_space<vmem>>
        %dma_start3A_153 = arith.constant 0 : i32
        %dma_start3A_154 = arith.constant 0 : i32
        %dma_start3A_155 = tpu.memref_slice %arg18[%dma_start3A_153, %dma_start3A_154] : memref<10240x64xf32, #tpu.memory_space<vmem_shared>> -> memref<10240x64xf32, #tpu.memory_space<vmem_shared>>
        tpu.enqueue_indirect_dma source(%dma_start3A_149 : memref<128x64xf32, #tpu.memory_space<vmem>>) target(%dma_start3A_155 : memref<10240x64xf32, #tpu.memory_space<vmem_shared>>) offsets(%dma_start3A_152 : memref<128xi32, #tpu.memory_space<vmem>>) semaphore(%arg14 : memref<!tpu.dma_semaphore, #tpu.memory_space<semaphore_mem>>) {add = true}
        %add3A_156 = arith.constant 1 : i32
        %add3A_157 = arith.addi %mul3A_131, %add3A_156 : i32
        %dma_wait3A_158 = arith.constant 0 : i32
        %dma_wait3A_159 = arith.constant 0 : i32
        %dma_wait3A_160 = tpu.memref_slice %arg9[%cond3A_21, %dma_wait3A_158, %dma_wait3A_159] : memref<4x128x64xf32, #tpu.memory_space<vmem>> -> memref<1x128x64xf32, #tpu.memory_space<vmem>>
        %dma_wait3A_161 = tpu.memref_squeeze %dma_wait3A_160 : memref<1x128x64xf32, #tpu.memory_space<vmem>> -> memref<128x64xf32, #tpu.memory_space<vmem>>
        %dma_wait3A_162 = arith.constant 0 : i32
        %dma_wait3A_163 = tpu.memref_slice %arg7[%add3A_157, %dma_wait3A_162] : memref<128x128xi32, #tpu.memory_space<vmem>> -> memref<1x128xi32, #tpu.memory_space<vmem>>
        %dma_wait3A_164 = tpu.memref_squeeze %dma_wait3A_163 : memref<1x128xi32, #tpu.memory_space<vmem>> -> memref<128xi32, #tpu.memory_space<vmem>>
        %dma_wait3A_165 = arith.constant 0 : i32
        %dma_wait3A_166 = arith.constant 0 : i32
        %dma_wait3A_167 = tpu.memref_slice %arg2[%dma_wait3A_165, %dma_wait3A_166] : memref<10240x64xf32, #tpu.memory_space<hbm>> -> memref<10240x64xf32, #tpu.memory_space<hbm>>
        tpu.wait_indirect_dma semaphore(%arg11 : memref<!tpu.dma_semaphore, #tpu.memory_space<semaphore_mem>>) src(%dma_wait3A_167 : memref<10240x64xf32, #tpu.memory_space<hbm>>) dst(%dma_wait3A_161 : memref<128x64xf32, #tpu.memory_space<vmem>>)
        %add3A_168 = arith.constant 1 : i32
        %add3A_169 = arith.addi %mul3A_131, %add3A_168 : i32
        %dma_start3A_170 = arith.constant 0 : i32
        %dma_start3A_171 = arith.constant 0 : i32
        %dma_start3A_172 = tpu.memref_slice %arg9[%cond3A_21, %dma_start3A_170, %dma_start3A_171] : memref<4x128x64xf32, #tpu.memory_space<vmem>> -> memref<1x128x64xf32, #tpu.memory_space<vmem>>
        %dma_start3A_173 = tpu.memref_squeeze %dma_start3A_172 : memref<1x128x64xf32, #tpu.memory_space<vmem>> -> memref<128x64xf32, #tpu.memory_space<vmem>>
        %dma_start3A_174 = arith.constant 0 : i32
        %dma_start3A_175 = tpu.memref_slice %arg8[%add3A_169, %dma_start3A_174] : memref<128x128xi32, #tpu.memory_space<vmem>> -> memref<1x128xi32, #tpu.memory_space<vmem>>
        %dma_start3A_176 = tpu.memref_squeeze %dma_start3A_175 : memref<1x128xi32, #tpu.memory_space<vmem>> -> memref<128xi32, #tpu.memory_space<vmem>>
        %dma_start3A_177 = arith.constant 0 : i32
        %dma_start3A_178 = arith.constant 0 : i32
        %dma_start3A_179 = tpu.memref_slice %arg18[%dma_start3A_177, %dma_start3A_178] : memref<10240x64xf32, #tpu.memory_space<vmem_shared>> -> memref<10240x64xf32, #tpu.memory_space<vmem_shared>>
        tpu.enqueue_indirect_dma source(%dma_start3A_173 : memref<128x64xf32, #tpu.memory_space<vmem>>) target(%dma_start3A_179 : memref<10240x64xf32, #tpu.memory_space<vmem_shared>>) offsets(%dma_start3A_176 : memref<128xi32, #tpu.memory_space<vmem>>) semaphore(%arg15 : memref<!tpu.dma_semaphore, #tpu.memory_space<semaphore_mem>>) {add = true}
        %add3A_180 = arith.constant 2 : i32
        %add3A_181 = arith.addi %mul3A_131, %add3A_180 : i32
        %dma_wait3A_182 = arith.constant 0 : i32
        %dma_wait3A_183 = arith.constant 0 : i32
        %dma_wait3A_184 = tpu.memref_slice %arg9[%cond3A_22, %dma_wait3A_182, %dma_wait3A_183] : memref<4x128x64xf32, #tpu.memory_space<vmem>> -> memref<1x128x64xf32, #tpu.memory_space<vmem>>
        %dma_wait3A_185 = tpu.memref_squeeze %dma_wait3A_184 : memref<1x128x64xf32, #tpu.memory_space<vmem>> -> memref<128x64xf32, #tpu.memory_space<vmem>>
        %dma_wait3A_186 = arith.constant 0 : i32
        %dma_wait3A_187 = tpu.memref_slice %arg7[%add3A_181, %dma_wait3A_186] : memref<128x128xi32, #tpu.memory_space<vmem>> -> memref<1x128xi32, #tpu.memory_space<vmem>>
        %dma_wait3A_188 = tpu.memref_squeeze %dma_wait3A_187 : memref<1x128xi32, #tpu.memory_space<vmem>> -> memref<128xi32, #tpu.memory_space<vmem>>
        %dma_wait3A_189 = arith.constant 0 : i32
        %dma_wait3A_190 = arith.constant 0 : i32
        %dma_wait3A_191 = tpu.memref_slice %arg2[%dma_wait3A_189, %dma_wait3A_190] : memref<10240x64xf32, #tpu.memory_space<hbm>> -> memref<10240x64xf32, #tpu.memory_space<hbm>>
        tpu.wait_indirect_dma semaphore(%arg12 : memref<!tpu.dma_semaphore, #tpu.memory_space<semaphore_mem>>) src(%dma_wait3A_191 : memref<10240x64xf32, #tpu.memory_space<hbm>>) dst(%dma_wait3A_185 : memref<128x64xf32, #tpu.memory_space<vmem>>)
        %add3A_192 = arith.constant 2 : i32
        %add3A_193 = arith.addi %mul3A_131, %add3A_192 : i32
        %dma_start3A_194 = arith.constant 0 : i32
        %dma_start3A_195 = arith.constant 0 : i32
        %dma_start3A_196 = tpu.memref_slice %arg9[%cond3A_22, %dma_start3A_194, %dma_start3A_195] : memref<4x128x64xf32, #tpu.memory_space<vmem>> -> memref<1x128x64xf32, #tpu.memory_space<vmem>>
        %dma_start3A_197 = tpu.memref_squeeze %dma_start3A_196 : memref<1x128x64xf32, #tpu.memory_space<vmem>> -> memref<128x64xf32, #tpu.memory_space<vmem>>
        %dma_start3A_198 = arith.constant 0 : i32
        %dma_start3A_199 = tpu.memref_slice %arg8[%add3A_193, %dma_start3A_198] : memref<128x128xi32, #tpu.memory_space<vmem>> -> memref<1x128xi32, #tpu.memory_space<vmem>>
        %dma_start3A_200 = tpu.memref_squeeze %dma_start3A_199 : memref<1x128xi32, #tpu.memory_space<vmem>> -> memref<128xi32, #tpu.memory_space<vmem>>
        %dma_start3A_201 = arith.constant 0 : i32
        %dma_start3A_202 = arith.constant 0 : i32
        %dma_start3A_203 = tpu.memref_slice %arg18[%dma_start3A_201, %dma_start3A_202] : memref<10240x64xf32, #tpu.memory_space<vmem_shared>> -> memref<10240x64xf32, #tpu.memory_space<vmem_shared>>
        tpu.enqueue_indirect_dma source(%dma_start3A_197 : memref<128x64xf32, #tpu.memory_space<vmem>>) target(%dma_start3A_203 : memref<10240x64xf32, #tpu.memory_space<vmem_shared>>) offsets(%dma_start3A_200 : memref<128xi32, #tpu.memory_space<vmem>>) semaphore(%arg16 : memref<!tpu.dma_semaphore, #tpu.memory_space<semaphore_mem>>) {add = true}
        %add3A_204 = arith.constant 3 : i32
        %add3A_205 = arith.addi %mul3A_131, %add3A_204 : i32
        %dma_wait3A_206 = arith.constant 0 : i32
        %dma_wait3A_207 = arith.constant 0 : i32
        %dma_wait3A_208 = tpu.memref_slice %arg9[%cond3A_23, %dma_wait3A_206, %dma_wait3A_207] : memref<4x128x64xf32, #tpu.memory_space<vmem>> -> memref<1x128x64xf32, #tpu.memory_space<vmem>>
        %dma_wait3A_209 = tpu.memref_squeeze %dma_wait3A_208 : memref<1x128x64xf32, #tpu.memory_space<vmem>> -> memref<128x64xf32, #tpu.memory_space<vmem>>
        %dma_wait3A_210 = arith.constant 0 : i32
        %dma_wait3A_211 = tpu.memref_slice %arg7[%add3A_205, %dma_wait3A_210] : memref<128x128xi32, #tpu.memory_space<vmem>> -> memref<1x128xi32, #tpu.memory_space<vmem>>
        %dma_wait3A_212 = tpu.memref_squeeze %dma_wait3A_211 : memref<1x128xi32, #tpu.memory_space<vmem>> -> memref<128xi32, #tpu.memory_space<vmem>>
        %dma_wait3A_213 = arith.constant 0 : i32
        %dma_wait3A_214 = arith.constant 0 : i32
        %dma_wait3A_215 = tpu.memref_slice %arg2[%dma_wait3A_213, %dma_wait3A_214] : memref<10240x64xf32, #tpu.memory_space<hbm>> -> memref<10240x64xf32, #tpu.memory_space<hbm>>
        tpu.wait_indirect_dma semaphore(%arg13 : memref<!tpu.dma_semaphore, #tpu.memory_space<semaphore_mem>>) src(%dma_wait3A_215 : memref<10240x64xf32, #tpu.memory_space<hbm>>) dst(%dma_wait3A_209 : memref<128x64xf32, #tpu.memory_space<vmem>>)
        %add3A_216 = arith.constant 3 : i32
        %add3A_217 = arith.addi %mul3A_131, %add3A_216 : i32
        %dma_start3A_218 = arith.constant 0 : i32
        %dma_start3A_219 = arith.constant 0 : i32
        %dma_start3A_220 = tpu.memref_slice %arg9[%cond3A_23, %dma_start3A_218, %dma_start3A_219] : memref<4x128x64xf32, #tpu.memory_space<vmem>> -> memref<1x128x64xf32, #tpu.memory_space<vmem>>
        %dma_start3A_221 = tpu.memref_squeeze %dma_start3A_220 : memref<1x128x64xf32, #tpu.memory_space<vmem>> -> memref<128x64xf32, #tpu.memory_space<vmem>>
        %dma_start3A_222 = arith.constant 0 : i32
        %dma_start3A_223 = tpu.memref_slice %arg8[%add3A_217, %dma_start3A_222] : memref<128x128xi32, #tpu.memory_space<vmem>> -> memref<1x128xi32, #tpu.memory_space<vmem>>
        %dma_start3A_224 = tpu.memref_squeeze %dma_start3A_223 : memref<1x128xi32, #tpu.memory_space<vmem>> -> memref<128xi32, #tpu.memory_space<vmem>>
        %dma_start3A_225 = arith.constant 0 : i32
        %dma_start3A_226 = arith.constant 0 : i32
        %dma_start3A_227 = tpu.memref_slice %arg18[%dma_start3A_225, %dma_start3A_226] : memref<10240x64xf32, #tpu.memory_space<vmem_shared>> -> memref<10240x64xf32, #tpu.memory_space<vmem_shared>>
        tpu.enqueue_indirect_dma source(%dma_start3A_221 : memref<128x64xf32, #tpu.memory_space<vmem>>) target(%dma_start3A_227 : memref<10240x64xf32, #tpu.memory_space<vmem_shared>>) offsets(%dma_start3A_224 : memref<128xi32, #tpu.memory_space<vmem>>) semaphore(%arg17 : memref<!tpu.dma_semaphore, #tpu.memory_space<semaphore_mem>>) {add = true}
        %add3A_228 = arith.constant 4 : i32
        %add3A_229 = arith.addi %mul3A_131, %add3A_228 : i32
        %add3A_230 = arith.constant 0 : i32
        %add3A_231 = arith.addi %add3A_229, %add3A_230 : i32
        %lt3A = arith.constant 128 : i32
        %lt3A_232 = arith.cmpi slt, %add3A_231, %lt3A : i32
        %convert_element_type3A_233 = arith.extui %lt3A_232 : i1 to i32
        %cond3A_234 = arith.constant 0 : i32
        %cond3A_235 = arith.cmpi ne, %convert_element_type3A_233, %cond3A_234 : i32
        scf.if %cond3A_235 {
          %sub3A = arith.constant 4 : i32
          %sub3A_263 = arith.subi %add3A_231, %sub3A : i32
          %dma_wait3A_264 = arith.constant 0 : i32
          %dma_wait3A_265 = arith.constant 0 : i32
          %dma_wait3A_266 = tpu.memref_slice %arg9[%cond3A_20, %dma_wait3A_264, %dma_wait3A_265] : memref<4x128x64xf32, #tpu.memory_space<vmem>> -> memref<1x128x64xf32, #tpu.memory_space<vmem>>
          %dma_wait3A_267 = tpu.memref_squeeze %dma_wait3A_266 : memref<1x128x64xf32, #tpu.memory_space<vmem>> -> memref<128x64xf32, #tpu.memory_space<vmem>>
          %dma_wait3A_268 = arith.constant 0 : i32
          %dma_wait3A_269 = tpu.memref_slice %arg8[%sub3A_263, %dma_wait3A_268] : memref<128x128xi32, #tpu.memory_space<vmem>> -> memref<1x128xi32, #tpu.memory_space<vmem>>
          %dma_wait3A_270 = tpu.memref_squeeze %dma_wait3A_269 : memref<1x128xi32, #tpu.memory_space<vmem>> -> memref<128xi32, #tpu.memory_space<vmem>>
          %dma_wait3A_271 = arith.constant 0 : i32
          %dma_wait3A_272 = arith.constant 0 : i32
          %dma_wait3A_273 = tpu.memref_slice %arg18[%dma_wait3A_271, %dma_wait3A_272] : memref<10240x64xf32, #tpu.memory_space<vmem_shared>> -> memref<10240x64xf32, #tpu.memory_space<vmem_shared>>
          tpu.wait_indirect_dma semaphore(%arg14 : memref<!tpu.dma_semaphore, #tpu.memory_space<semaphore_mem>>) src(%dma_wait3A_267 : memref<128x64xf32, #tpu.memory_space<vmem>>) dst(%dma_wait3A_273 : memref<10240x64xf32, #tpu.memory_space<vmem_shared>>)
          %dma_start3A_274 = arith.constant 0 : i32
          %dma_start3A_275 = arith.constant 0 : i32
          %dma_start3A_276 = tpu.memref_slice %arg9[%cond3A_20, %dma_start3A_274, %dma_start3A_275] : memref<4x128x64xf32, #tpu.memory_space<vmem>> -> memref<1x128x64xf32, #tpu.memory_space<vmem>>
          %dma_start3A_277 = tpu.memref_squeeze %dma_start3A_276 : memref<1x128x64xf32, #tpu.memory_space<vmem>> -> memref<128x64xf32, #tpu.memory_space<vmem>>
          %dma_start3A_278 = arith.constant 0 : i32
          %dma_start3A_279 = tpu.memref_slice %arg7[%add3A_231, %dma_start3A_278] : memref<128x128xi32, #tpu.memory_space<vmem>> -> memref<1x128xi32, #tpu.memory_space<vmem>>
          %dma_start3A_280 = tpu.memref_squeeze %dma_start3A_279 : memref<1x128xi32, #tpu.memory_space<vmem>> -> memref<128xi32, #tpu.memory_space<vmem>>
          %dma_start3A_281 = arith.constant 0 : i32
          %dma_start3A_282 = arith.constant 0 : i32
          %dma_start3A_283 = tpu.memref_slice %arg2[%dma_start3A_281, %dma_start3A_282] : memref<10240x64xf32, #tpu.memory_space<hbm>> -> memref<10240x64xf32, #tpu.memory_space<hbm>>
          tpu.enqueue_indirect_dma source(%dma_start3A_283 : memref<10240x64xf32, #tpu.memory_space<hbm>>) target(%dma_start3A_277 : memref<128x64xf32, #tpu.memory_space<vmem>>) offsets(%dma_start3A_280 : memref<128xi32, #tpu.memory_space<vmem>>) semaphore(%arg10 : memref<!tpu.dma_semaphore, #tpu.memory_space<semaphore_mem>>)
        } else {
        }
        %add3A_236 = arith.constant 4 : i32
        %add3A_237 = arith.addi %mul3A_131, %add3A_236 : i32
        %add3A_238 = arith.constant 1 : i32
        %add3A_239 = arith.addi %add3A_237, %add3A_238 : i32
        %lt3A_240 = arith.constant 128 : i32
        %lt3A_241 = arith.cmpi slt, %add3A_239, %lt3A_240 : i32
        %convert_element_type3A_242 = arith.extui %lt3A_241 : i1 to i32
        %cond3A_243 = arith.constant 0 : i32
        %cond3A_244 = arith.cmpi ne, %convert_element_type3A_242, %cond3A_243 : i32
        scf.if %cond3A_244 {
          %sub3A = arith.constant 4 : i32
          %sub3A_263 = arith.subi %add3A_239, %sub3A : i32
          %dma_wait3A_264 = arith.constant 0 : i32
          %dma_wait3A_265 = arith.constant 0 : i32
          %dma_wait3A_266 = tpu.memref_slice %arg9[%cond3A_21, %dma_wait3A_264, %dma_wait3A_265] : memref<4x128x64xf32, #tpu.memory_space<vmem>> -> memref<1x128x64xf32, #tpu.memory_space<vmem>>
          %dma_wait3A_267 = tpu.memref_squeeze %dma_wait3A_266 : memref<1x128x64xf32, #tpu.memory_space<vmem>> -> memref<128x64xf32, #tpu.memory_space<vmem>>
          %dma_wait3A_268 = arith.constant 0 : i32
          %dma_wait3A_269 = tpu.memref_slice %arg8[%sub3A_263, %dma_wait3A_268] : memref<128x128xi32, #tpu.memory_space<vmem>> -> memref<1x128xi32, #tpu.memory_space<vmem>>
          %dma_wait3A_270 = tpu.memref_squeeze %dma_wait3A_269 : memref<1x128xi32, #tpu.memory_space<vmem>> -> memref<128xi32, #tpu.memory_space<vmem>>
          %dma_wait3A_271 = arith.constant 0 : i32
          %dma_wait3A_272 = arith.constant 0 : i32
          %dma_wait3A_273 = tpu.memref_slice %arg18[%dma_wait3A_271, %dma_wait3A_272] : memref<10240x64xf32, #tpu.memory_space<vmem_shared>> -> memref<10240x64xf32, #tpu.memory_space<vmem_shared>>
          tpu.wait_indirect_dma semaphore(%arg15 : memref<!tpu.dma_semaphore, #tpu.memory_space<semaphore_mem>>) src(%dma_wait3A_267 : memref<128x64xf32, #tpu.memory_space<vmem>>) dst(%dma_wait3A_273 : memref<10240x64xf32, #tpu.memory_space<vmem_shared>>)
          %dma_start3A_274 = arith.constant 0 : i32
          %dma_start3A_275 = arith.constant 0 : i32
          %dma_start3A_276 = tpu.memref_slice %arg9[%cond3A_21, %dma_start3A_274, %dma_start3A_275] : memref<4x128x64xf32, #tpu.memory_space<vmem>> -> memref<1x128x64xf32, #tpu.memory_space<vmem>>
          %dma_start3A_277 = tpu.memref_squeeze %dma_start3A_276 : memref<1x128x64xf32, #tpu.memory_space<vmem>> -> memref<128x64xf32, #tpu.memory_space<vmem>>
          %dma_start3A_278 = arith.constant 0 : i32
          %dma_start3A_279 = tpu.memref_slice %arg7[%add3A_239, %dma_start3A_278] : memref<128x128xi32, #tpu.memory_space<vmem>> -> memref<1x128xi32, #tpu.memory_space<vmem>>
          %dma_start3A_280 = tpu.memref_squeeze %dma_start3A_279 : memref<1x128xi32, #tpu.memory_space<vmem>> -> memref<128xi32, #tpu.memory_space<vmem>>
          %dma_start3A_281 = arith.constant 0 : i32
          %dma_start3A_282 = arith.constant 0 : i32
          %dma_start3A_283 = tpu.memref_slice %arg2[%dma_start3A_281, %dma_start3A_282] : memref<10240x64xf32, #tpu.memory_space<hbm>> -> memref<10240x64xf32, #tpu.memory_space<hbm>>
          tpu.enqueue_indirect_dma source(%dma_start3A_283 : memref<10240x64xf32, #tpu.memory_space<hbm>>) target(%dma_start3A_277 : memref<128x64xf32, #tpu.memory_space<vmem>>) offsets(%dma_start3A_280 : memref<128xi32, #tpu.memory_space<vmem>>) semaphore(%arg11 : memref<!tpu.dma_semaphore, #tpu.memory_space<semaphore_mem>>)
        } else {
        }
        %add3A_245 = arith.constant 4 : i32
        %add3A_246 = arith.addi %mul3A_131, %add3A_245 : i32
        %add3A_247 = arith.constant 2 : i32
        %add3A_248 = arith.addi %add3A_246, %add3A_247 : i32
        %lt3A_249 = arith.constant 128 : i32
        %lt3A_250 = arith.cmpi slt, %add3A_248, %lt3A_249 : i32
        %convert_element_type3A_251 = arith.extui %lt3A_250 : i1 to i32
        %cond3A_252 = arith.constant 0 : i32
        %cond3A_253 = arith.cmpi ne, %convert_element_type3A_251, %cond3A_252 : i32
        scf.if %cond3A_253 {
          %sub3A = arith.constant 4 : i32
          %sub3A_263 = arith.subi %add3A_248, %sub3A : i32
          %dma_wait3A_264 = arith.constant 0 : i32
          %dma_wait3A_265 = arith.constant 0 : i32
          %dma_wait3A_266 = tpu.memref_slice %arg9[%cond3A_22, %dma_wait3A_264, %dma_wait3A_265] : memref<4x128x64xf32, #tpu.memory_space<vmem>> -> memref<1x128x64xf32, #tpu.memory_space<vmem>>
          %dma_wait3A_267 = tpu.memref_squeeze %dma_wait3A_266 : memref<1x128x64xf32, #tpu.memory_space<vmem>> -> memref<128x64xf32, #tpu.memory_space<vmem>>
          %dma_wait3A_268 = arith.constant 0 : i32
          %dma_wait3A_269 = tpu.memref_slice %arg8[%sub3A_263, %dma_wait3A_268] : memref<128x128xi32, #tpu.memory_space<vmem>> -> memref<1x128xi32, #tpu.memory_space<vmem>>
          %dma_wait3A_270 = tpu.memref_squeeze %dma_wait3A_269 : memref<1x128xi32, #tpu.memory_space<vmem>> -> memref<128xi32, #tpu.memory_space<vmem>>
          %dma_wait3A_271 = arith.constant 0 : i32
          %dma_wait3A_272 = arith.constant 0 : i32
          %dma_wait3A_273 = tpu.memref_slice %arg18[%dma_wait3A_271, %dma_wait3A_272] : memref<10240x64xf32, #tpu.memory_space<vmem_shared>> -> memref<10240x64xf32, #tpu.memory_space<vmem_shared>>
          tpu.wait_indirect_dma semaphore(%arg16 : memref<!tpu.dma_semaphore, #tpu.memory_space<semaphore_mem>>) src(%dma_wait3A_267 : memref<128x64xf32, #tpu.memory_space<vmem>>) dst(%dma_wait3A_273 : memref<10240x64xf32, #tpu.memory_space<vmem_shared>>)
          %dma_start3A_274 = arith.constant 0 : i32
          %dma_start3A_275 = arith.constant 0 : i32
          %dma_start3A_276 = tpu.memref_slice %arg9[%cond3A_22, %dma_start3A_274, %dma_start3A_275] : memref<4x128x64xf32, #tpu.memory_space<vmem>> -> memref<1x128x64xf32, #tpu.memory_space<vmem>>
          %dma_start3A_277 = tpu.memref_squeeze %dma_start3A_276 : memref<1x128x64xf32, #tpu.memory_space<vmem>> -> memref<128x64xf32, #tpu.memory_space<vmem>>
          %dma_start3A_278 = arith.constant 0 : i32
          %dma_start3A_279 = tpu.memref_slice %arg7[%add3A_248, %dma_start3A_278] : memref<128x128xi32, #tpu.memory_space<vmem>> -> memref<1x128xi32, #tpu.memory_space<vmem>>
          %dma_start3A_280 = tpu.memref_squeeze %dma_start3A_279 : memref<1x128xi32, #tpu.memory_space<vmem>> -> memref<128xi32, #tpu.memory_space<vmem>>
          %dma_start3A_281 = arith.constant 0 : i32
          %dma_start3A_282 = arith.constant 0 : i32
          %dma_start3A_283 = tpu.memref_slice %arg2[%dma_start3A_281, %dma_start3A_282] : memref<10240x64xf32, #tpu.memory_space<hbm>> -> memref<10240x64xf32, #tpu.memory_space<hbm>>
          tpu.enqueue_indirect_dma source(%dma_start3A_283 : memref<10240x64xf32, #tpu.memory_space<hbm>>) target(%dma_start3A_277 : memref<128x64xf32, #tpu.memory_space<vmem>>) offsets(%dma_start3A_280 : memref<128xi32, #tpu.memory_space<vmem>>) semaphore(%arg12 : memref<!tpu.dma_semaphore, #tpu.memory_space<semaphore_mem>>)
        } else {
        }
        %add3A_254 = arith.constant 4 : i32
        %add3A_255 = arith.addi %mul3A_131, %add3A_254 : i32
        %add3A_256 = arith.constant 3 : i32
        %add3A_257 = arith.addi %add3A_255, %add3A_256 : i32
        %lt3A_258 = arith.constant 128 : i32
        %lt3A_259 = arith.cmpi slt, %add3A_257, %lt3A_258 : i32
        %convert_element_type3A_260 = arith.extui %lt3A_259 : i1 to i32
        %cond3A_261 = arith.constant 0 : i32
        %cond3A_262 = arith.cmpi ne, %convert_element_type3A_260, %cond3A_261 : i32
        scf.if %cond3A_262 {
          %sub3A = arith.constant 4 : i32
          %sub3A_263 = arith.subi %add3A_257, %sub3A : i32
          %dma_wait3A_264 = arith.constant 0 : i32
          %dma_wait3A_265 = arith.constant 0 : i32
          %dma_wait3A_266 = tpu.memref_slice %arg9[%cond3A_23, %dma_wait3A_264, %dma_wait3A_265] : memref<4x128x64xf32, #tpu.memory_space<vmem>> -> memref<1x128x64xf32, #tpu.memory_space<vmem>>
          %dma_wait3A_267 = tpu.memref_squeeze %dma_wait3A_266 : memref<1x128x64xf32, #tpu.memory_space<vmem>> -> memref<128x64xf32, #tpu.memory_space<vmem>>
          %dma_wait3A_268 = arith.constant 0 : i32
          %dma_wait3A_269 = tpu.memref_slice %arg8[%sub3A_263, %dma_wait3A_268] : memref<128x128xi32, #tpu.memory_space<vmem>> -> memref<1x128xi32, #tpu.memory_space<vmem>>
          %dma_wait3A_270 = tpu.memref_squeeze %dma_wait3A_269 : memref<1x128xi32, #tpu.memory_space<vmem>> -> memref<128xi32, #tpu.memory_space<vmem>>
          %dma_wait3A_271 = arith.constant 0 : i32
          %dma_wait3A_272 = arith.constant 0 : i32
          %dma_wait3A_273 = tpu.memref_slice %arg18[%dma_wait3A_271, %dma_wait3A_272] : memref<10240x64xf32, #tpu.memory_space<vmem_shared>> -> memref<10240x64xf32, #tpu.memory_space<vmem_shared>>
          tpu.wait_indirect_dma semaphore(%arg17 : memref<!tpu.dma_semaphore, #tpu.memory_space<semaphore_mem>>) src(%dma_wait3A_267 : memref<128x64xf32, #tpu.memory_space<vmem>>) dst(%dma_wait3A_273 : memref<10240x64xf32, #tpu.memory_space<vmem_shared>>)
          %dma_start3A_274 = arith.constant 0 : i32
          %dma_start3A_275 = arith.constant 0 : i32
          %dma_start3A_276 = tpu.memref_slice %arg9[%cond3A_23, %dma_start3A_274, %dma_start3A_275] : memref<4x128x64xf32, #tpu.memory_space<vmem>> -> memref<1x128x64xf32, #tpu.memory_space<vmem>>
          %dma_start3A_277 = tpu.memref_squeeze %dma_start3A_276 : memref<1x128x64xf32, #tpu.memory_space<vmem>> -> memref<128x64xf32, #tpu.memory_space<vmem>>
          %dma_start3A_278 = arith.constant 0 : i32
          %dma_start3A_279 = tpu.memref_slice %arg7[%add3A_257, %dma_start3A_278] : memref<128x128xi32, #tpu.memory_space<vmem>> -> memref<1x128xi32, #tpu.memory_space<vmem>>
          %dma_start3A_280 = tpu.memref_squeeze %dma_start3A_279 : memref<1x128xi32, #tpu.memory_space<vmem>> -> memref<128xi32, #tpu.memory_space<vmem>>
          %dma_start3A_281 = arith.constant 0 : i32
          %dma_start3A_282 = arith.constant 0 : i32
          %dma_start3A_283 = tpu.memref_slice %arg2[%dma_start3A_281, %dma_start3A_282] : memref<10240x64xf32, #tpu.memory_space<hbm>> -> memref<10240x64xf32, #tpu.memory_space<hbm>>
          tpu.enqueue_indirect_dma source(%dma_start3A_283 : memref<10240x64xf32, #tpu.memory_space<hbm>>) target(%dma_start3A_277 : memref<128x64xf32, #tpu.memory_space<vmem>>) offsets(%dma_start3A_280 : memref<128xi32, #tpu.memory_space<vmem>>) semaphore(%arg13 : memref<!tpu.dma_semaphore, #tpu.memory_space<semaphore_mem>>)
        } else {
        }
      }
      %scan3A_85 = arith.constant 32 : i32
      %dma_wait3A = arith.constant 0 : i32
      %dma_wait3A_86 = arith.constant 0 : i32
      %dma_wait3A_87 = arith.constant 0 : i32
      %dma_wait3A_88 = tpu.memref_slice %arg9[%cond3A_20, %dma_wait3A_86, %dma_wait3A_87] : memref<4x128x64xf32, #tpu.memory_space<vmem>> -> memref<1x128x64xf32, #tpu.memory_space<vmem>>
      %dma_wait3A_89 = tpu.memref_squeeze %dma_wait3A_88 : memref<1x128x64xf32, #tpu.memory_space<vmem>> -> memref<128x64xf32, #tpu.memory_space<vmem>>
      %dma_wait3A_90 = arith.constant 0 : i32
      %dma_wait3A_91 = tpu.memref_slice %arg8[%dma_wait3A, %dma_wait3A_90] : memref<128x128xi32, #tpu.memory_space<vmem>> -> memref<1x128xi32, #tpu.memory_space<vmem>>
      %dma_wait3A_92 = tpu.memref_squeeze %dma_wait3A_91 : memref<1x128xi32, #tpu.memory_space<vmem>> -> memref<128xi32, #tpu.memory_space<vmem>>
      %dma_wait3A_93 = arith.constant 0 : i32
      %dma_wait3A_94 = arith.constant 0 : i32
      %dma_wait3A_95 = tpu.memref_slice %arg18[%dma_wait3A_93, %dma_wait3A_94] : memref<10240x64xf32, #tpu.memory_space<vmem_shared>> -> memref<10240x64xf32, #tpu.memory_space<vmem_shared>>
      tpu.wait_indirect_dma semaphore(%arg14 : memref<!tpu.dma_semaphore, #tpu.memory_space<semaphore_mem>>) src(%dma_wait3A_89 : memref<128x64xf32, #tpu.memory_space<vmem>>) dst(%dma_wait3A_95 : memref<10240x64xf32, #tpu.memory_space<vmem_shared>>)
      %dma_wait3A_96 = arith.constant 0 : i32
      %dma_wait3A_97 = arith.constant 0 : i32
      %dma_wait3A_98 = arith.constant 0 : i32
      %dma_wait3A_99 = tpu.memref_slice %arg9[%cond3A_21, %dma_wait3A_97, %dma_wait3A_98] : memref<4x128x64xf32, #tpu.memory_space<vmem>> -> memref<1x128x64xf32, #tpu.memory_space<vmem>>
      %dma_wait3A_100 = tpu.memref_squeeze %dma_wait3A_99 : memref<1x128x64xf32, #tpu.memory_space<vmem>> -> memref<128x64xf32, #tpu.memory_space<vmem>>
      %dma_wait3A_101 = arith.constant 0 : i32
      %dma_wait3A_102 = tpu.memref_slice %arg8[%dma_wait3A_96, %dma_wait3A_101] : memref<128x128xi32, #tpu.memory_space<vmem>> -> memref<1x128xi32, #tpu.memory_space<vmem>>
      %dma_wait3A_103 = tpu.memref_squeeze %dma_wait3A_102 : memref<1x128xi32, #tpu.memory_space<vmem>> -> memref<128xi32, #tpu.memory_space<vmem>>
      %dma_wait3A_104 = arith.constant 0 : i32
      %dma_wait3A_105 = arith.constant 0 : i32
      %dma_wait3A_106 = tpu.memref_slice %arg18[%dma_wait3A_104, %dma_wait3A_105] : memref<10240x64xf32, #tpu.memory_space<vmem_shared>> -> memref<10240x64xf32, #tpu.memory_space<vmem_shared>>
      tpu.wait_indirect_dma semaphore(%arg15 : memref<!tpu.dma_semaphore, #tpu.memory_space<semaphore_mem>>) src(%dma_wait3A_100 : memref<128x64xf32, #tpu.memory_space<vmem>>) dst(%dma_wait3A_106 : memref<10240x64xf32, #tpu.memory_space<vmem_shared>>)
      %dma_wait3A_107 = arith.constant 0 : i32
      %dma_wait3A_108 = arith.constant 0 : i32
      %dma_wait3A_109 = arith.constant 0 : i32
      %dma_wait3A_110 = tpu.memref_slice %arg9[%cond3A_22, %dma_wait3A_108, %dma_wait3A_109] : memref<4x128x64xf32, #tpu.memory_space<vmem>> -> memref<1x128x64xf32, #tpu.memory_space<vmem>>
      %dma_wait3A_111 = tpu.memref_squeeze %dma_wait3A_110 : memref<1x128x64xf32, #tpu.memory_space<vmem>> -> memref<128x64xf32, #tpu.memory_space<vmem>>
      %dma_wait3A_112 = arith.constant 0 : i32
      %dma_wait3A_113 = tpu.memref_slice %arg8[%dma_wait3A_107, %dma_wait3A_112] : memref<128x128xi32, #tpu.memory_space<vmem>> -> memref<1x128xi32, #tpu.memory_space<vmem>>
      %dma_wait3A_114 = tpu.memref_squeeze %dma_wait3A_113 : memref<1x128xi32, #tpu.memory_space<vmem>> -> memref<128xi32, #tpu.memory_space<vmem>>
      %dma_wait3A_115 = arith.constant 0 : i32
      %dma_wait3A_116 = arith.constant 0 : i32
      %dma_wait3A_117 = tpu.memref_slice %arg18[%dma_wait3A_115, %dma_wait3A_116] : memref<10240x64xf32, #tpu.memory_space<vmem_shared>> -> memref<10240x64xf32, #tpu.memory_space<vmem_shared>>
      tpu.wait_indirect_dma semaphore(%arg16 : memref<!tpu.dma_semaphore, #tpu.memory_space<semaphore_mem>>) src(%dma_wait3A_111 : memref<128x64xf32, #tpu.memory_space<vmem>>) dst(%dma_wait3A_117 : memref<10240x64xf32, #tpu.memory_space<vmem_shared>>)
      %dma_wait3A_118 = arith.constant 0 : i32
      %dma_wait3A_119 = arith.constant 0 : i32
      %dma_wait3A_120 = arith.constant 0 : i32
      %dma_wait3A_121 = tpu.memref_slice %arg9[%cond3A_23, %dma_wait3A_119, %dma_wait3A_120] : memref<4x128x64xf32, #tpu.memory_space<vmem>> -> memref<1x128x64xf32, #tpu.memory_space<vmem>>
      %dma_wait3A_122 = tpu.memref_squeeze %dma_wait3A_121 : memref<1x128x64xf32, #tpu.memory_space<vmem>> -> memref<128x64xf32, #tpu.memory_space<vmem>>
      %dma_wait3A_123 = arith.constant 0 : i32
      %dma_wait3A_124 = tpu.memref_slice %arg8[%dma_wait3A_118, %dma_wait3A_123] : memref<128x128xi32, #tpu.memory_space<vmem>> -> memref<1x128xi32, #tpu.memory_space<vmem>>
      %dma_wait3A_125 = tpu.memref_squeeze %dma_wait3A_124 : memref<1x128xi32, #tpu.memory_space<vmem>> -> memref<128xi32, #tpu.memory_space<vmem>>
      %dma_wait3A_126 = arith.constant 0 : i32
      %dma_wait3A_127 = arith.constant 0 : i32
      %dma_wait3A_128 = tpu.memref_slice %arg18[%dma_wait3A_126, %dma_wait3A_127] : memref<10240x64xf32, #tpu.memory_space<vmem_shared>> -> memref<10240x64xf32, #tpu.memory_space<vmem_shared>>
      tpu.wait_indirect_dma semaphore(%arg17 : memref<!tpu.dma_semaphore, #tpu.memory_space<semaphore_mem>>) src(%dma_wait3A_122 : memref<128x64xf32, #tpu.memory_space<vmem>>) dst(%dma_wait3A_128 : memref<10240x64xf32, #tpu.memory_space<vmem_shared>>)
    } else {
    }
    %eq3A_26 = arith.constant 1 : i32
    %eq3A_27 = arith.cmpi eq, %arg0, %eq3A_26 : i32
    %convert_element_type3A_28 = arith.extui %eq3A_27 : i1 to i32
    %cond3A_29 = arith.constant 0 : i32
    %cond3A_30 = arith.constant 1 : i32
    %cond3A_31 = arith.constant 0 : i32
    %cond3A_32 = arith.cmpi ne, %convert_element_type3A_28, %cond3A_31 : i32
    scf.if %cond3A_32 {
      %dma_start3A = arith.constant 0 : i32
      %dma_start3A_38 = arith.constant 0 : i32
      %dma_start3A_39 = arith.constant 0 : i32
      %dma_start3A_40 = tpu.memref_slice %arg9[%cond3A_29, %dma_start3A_38, %dma_start3A_39] : memref<4x128x64xf32, #tpu.memory_space<vmem>> -> memref<1x128x64xf32, #tpu.memory_space<vmem>>
      %dma_start3A_41 = tpu.memref_squeeze %dma_start3A_40 : memref<1x128x64xf32, #tpu.memory_space<vmem>> -> memref<128x64xf32, #tpu.memory_space<vmem>>
      %dma_start3A_42 = arith.constant 0 : i32
      %dma_start3A_43 = tpu.memref_slice %arg7[%dma_start3A, %dma_start3A_42] : memref<128x128xi32, #tpu.memory_space<vmem>> -> memref<1x128xi32, #tpu.memory_space<vmem>>
      %dma_start3A_44 = tpu.memref_squeeze %dma_start3A_43 : memref<1x128xi32, #tpu.memory_space<vmem>> -> memref<128xi32, #tpu.memory_space<vmem>>
      %dma_start3A_45 = arith.constant 0 : i32
      %dma_start3A_46 = arith.constant 0 : i32
      %dma_start3A_47 = tpu.memref_slice %arg2[%dma_start3A_45, %dma_start3A_46] : memref<10240x64xf32, #tpu.memory_space<hbm>> -> memref<10240x64xf32, #tpu.memory_space<hbm>>
      tpu.enqueue_indirect_dma source(%dma_start3A_47 : memref<10240x64xf32, #tpu.memory_space<hbm>>) target(%dma_start3A_41 : memref<128x64xf32, #tpu.memory_space<vmem>>) offsets(%dma_start3A_44 : memref<128xi32, #tpu.memory_space<vmem>>) semaphore(%arg10 : memref<!tpu.dma_semaphore, #tpu.memory_space<semaphore_mem>>)
      %scan3A = arith.constant 0 : i32
      %scan3A_48 = arith.constant 0 : i32
      %scan3A_49 = arith.constant 16 : i32
      %scan3A_50 = arith.addi %scan3A_48, %scan3A_49 : i32
      %scan3A_51 = arith.constant 1 : i32
      scf.for %scan3A_53 = %scan3A_48 to %scan3A_50 step %scan3A_51  : i32 {
        %mul3A_54 = arith.constant 2 : i32
        %mul3A_55 = arith.muli %mul3A_54, %scan3A_53 : i32
        %add3A_56 = arith.constant 1 : i32
        %add3A_57 = arith.addi %mul3A_55, %add3A_56 : i32
        %dma_start3A_58 = arith.constant 0 : i32
        %dma_start3A_59 = arith.constant 0 : i32
        %dma_start3A_60 = tpu.memref_slice %arg9[%cond3A_30, %dma_start3A_58, %dma_start3A_59] : memref<4x128x64xf32, #tpu.memory_space<vmem>> -> memref<1x128x64xf32, #tpu.memory_space<vmem>>
        %dma_start3A_61 = tpu.memref_squeeze %dma_start3A_60 : memref<1x128x64xf32, #tpu.memory_space<vmem>> -> memref<128x64xf32, #tpu.memory_space<vmem>>
        %dma_start3A_62 = arith.constant 0 : i32
        %dma_start3A_63 = tpu.memref_slice %arg7[%add3A_57, %dma_start3A_62] : memref<128x128xi32, #tpu.memory_space<vmem>> -> memref<1x128xi32, #tpu.memory_space<vmem>>
        %dma_start3A_64 = tpu.memref_squeeze %dma_start3A_63 : memref<1x128xi32, #tpu.memory_space<vmem>> -> memref<128xi32, #tpu.memory_space<vmem>>
        %dma_start3A_65 = arith.constant 0 : i32
        %dma_start3A_66 = arith.constant 0 : i32
        %dma_start3A_67 = tpu.memref_slice %arg2[%dma_start3A_65, %dma_start3A_66] : memref<10240x64xf32, #tpu.memory_space<hbm>> -> memref<10240x64xf32, #tpu.memory_space<hbm>>
        tpu.enqueue_indirect_dma source(%dma_start3A_67 : memref<10240x64xf32, #tpu.memory_space<hbm>>) target(%dma_start3A_61 : memref<128x64xf32, #tpu.memory_space<vmem>>) offsets(%dma_start3A_64 : memref<128xi32, #tpu.memory_space<vmem>>) semaphore(%arg11 : memref<!tpu.dma_semaphore, #tpu.memory_space<semaphore_mem>>)
        %dma_wait3A = arith.constant 0 : i32
        %dma_wait3A_68 = arith.constant 0 : i32
        %dma_wait3A_69 = tpu.memref_slice %arg9[%cond3A_29, %dma_wait3A, %dma_wait3A_68] : memref<4x128x64xf32, #tpu.memory_space<vmem>> -> memref<1x128x64xf32, #tpu.memory_space<vmem>>
        %dma_wait3A_70 = tpu.memref_squeeze %dma_wait3A_69 : memref<1x128x64xf32, #tpu.memory_space<vmem>> -> memref<128x64xf32, #tpu.memory_space<vmem>>
        %dma_wait3A_71 = arith.constant 0 : i32
        %dma_wait3A_72 = tpu.memref_slice %arg7[%mul3A_55, %dma_wait3A_71] : memref<128x128xi32, #tpu.memory_space<vmem>> -> memref<1x128xi32, #tpu.memory_space<vmem>>
        %dma_wait3A_73 = tpu.memref_squeeze %dma_wait3A_72 : memref<1x128xi32, #tpu.memory_space<vmem>> -> memref<128xi32, #tpu.memory_space<vmem>>
        %dma_wait3A_74 = arith.constant 0 : i32
        %dma_wait3A_75 = arith.constant 0 : i32
        %dma_wait3A_76 = tpu.memref_slice %arg2[%dma_wait3A_74, %dma_wait3A_75] : memref<10240x64xf32, #tpu.memory_space<hbm>> -> memref<10240x64xf32, #tpu.memory_space<hbm>>
        tpu.wait_indirect_dma semaphore(%arg10 : memref<!tpu.dma_semaphore, #tpu.memory_space<semaphore_mem>>) src(%dma_wait3A_76 : memref<10240x64xf32, #tpu.memory_space<hbm>>) dst(%dma_wait3A_70 : memref<128x64xf32, #tpu.memory_space<vmem>>)
        "tpu.region"() ({
          %run_scoped3A = tpu.sem_alloc : memref<!tpu.dma_semaphore, #tpu.memory_space<semaphore_mem>>
          %dma_start3A_97 = arith.constant 0 : i32
          %dma_start3A_98 = arith.constant 0 : i32
          %dma_start3A_99 = tpu.memref_slice %arg9[%cond3A_29, %dma_start3A_97, %dma_start3A_98] : memref<4x128x64xf32, #tpu.memory_space<vmem>> -> memref<1x128x64xf32, #tpu.memory_space<vmem>>
          %dma_start3A_100 = tpu.memref_squeeze %dma_start3A_99 : memref<1x128x64xf32, #tpu.memory_space<vmem>> -> memref<128x64xf32, #tpu.memory_space<vmem>>
          %dma_start3A_101 = arith.constant 0 : i32
          %dma_start3A_102 = tpu.memref_slice %arg8[%mul3A_55, %dma_start3A_101] : memref<128x128xi32, #tpu.memory_space<vmem>> -> memref<1x128xi32, #tpu.memory_space<vmem>>
          %dma_start3A_103 = tpu.memref_squeeze %dma_start3A_102 : memref<1x128xi32, #tpu.memory_space<vmem>> -> memref<128xi32, #tpu.memory_space<vmem>>
          %dma_start3A_104 = arith.constant 0 : i32
          %dma_start3A_105 = arith.constant 0 : i32
          %dma_start3A_106 = tpu.memref_slice %arg18[%dma_start3A_104, %dma_start3A_105] : memref<10240x64xf32, #tpu.memory_space<vmem_shared>> -> memref<10240x64xf32, #tpu.memory_space<vmem_shared>>
          tpu.enqueue_indirect_dma source(%dma_start3A_100 : memref<128x64xf32, #tpu.memory_space<vmem>>) target(%dma_start3A_106 : memref<10240x64xf32, #tpu.memory_space<vmem_shared>>) offsets(%dma_start3A_103 : memref<128xi32, #tpu.memory_space<vmem>>) semaphore(%run_scoped3A : memref<!tpu.dma_semaphore, #tpu.memory_space<semaphore_mem>>) {add = true}
          %dma_wait3A_107 = arith.constant 0 : i32
          %dma_wait3A_108 = arith.constant 0 : i32
          %dma_wait3A_109 = tpu.memref_slice %arg9[%cond3A_29, %dma_wait3A_107, %dma_wait3A_108] : memref<4x128x64xf32, #tpu.memory_space<vmem>> -> memref<1x128x64xf32, #tpu.memory_space<vmem>>
          %dma_wait3A_110 = tpu.memref_squeeze %dma_wait3A_109 : memref<1x128x64xf32, #tpu.memory_space<vmem>> -> memref<128x64xf32, #tpu.memory_space<vmem>>
          %dma_wait3A_111 = arith.constant 0 : i32
          %dma_wait3A_112 = tpu.memref_slice %arg8[%mul3A_55, %dma_wait3A_111] : memref<128x128xi32, #tpu.memory_space<vmem>> -> memref<1x128xi32, #tpu.memory_space<vmem>>
          %dma_wait3A_113 = tpu.memref_squeeze %dma_wait3A_112 : memref<1x128xi32, #tpu.memory_space<vmem>> -> memref<128xi32, #tpu.memory_space<vmem>>
          %dma_wait3A_114 = arith.constant 0 : i32
          %dma_wait3A_115 = arith.constant 0 : i32
          %dma_wait3A_116 = tpu.memref_slice %arg18[%dma_wait3A_114, %dma_wait3A_115] : memref<10240x64xf32, #tpu.memory_space<vmem_shared>> -> memref<10240x64xf32, #tpu.memory_space<vmem_shared>>
          tpu.wait_indirect_dma semaphore(%run_scoped3A : memref<!tpu.dma_semaphore, #tpu.memory_space<semaphore_mem>>) src(%dma_wait3A_110 : memref<128x64xf32, #tpu.memory_space<vmem>>) dst(%dma_wait3A_116 : memref<10240x64xf32, #tpu.memory_space<vmem_shared>>)
          tpu.yield
        }) : () -> ()
        %add3A_77 = arith.constant 2 : i32
        %add3A_78 = arith.addi %mul3A_55, %add3A_77 : i32
        %lt3A = arith.constant 32 : i32
        %lt3A_79 = arith.cmpi slt, %add3A_78, %lt3A : i32
        %convert_element_type3A_80 = arith.extui %lt3A_79 : i1 to i32
        %cond3A_81 = arith.constant 0 : i32
        %cond3A_82 = arith.cmpi ne, %convert_element_type3A_80, %cond3A_81 : i32
        scf.if %cond3A_82 {
          %add3A_97 = arith.constant 2 : i32
          %add3A_98 = arith.addi %mul3A_55, %add3A_97 : i32
          %dma_start3A_99 = arith.constant 0 : i32
          %dma_start3A_100 = arith.constant 0 : i32
          %dma_start3A_101 = tpu.memref_slice %arg9[%cond3A_29, %dma_start3A_99, %dma_start3A_100] : memref<4x128x64xf32, #tpu.memory_space<vmem>> -> memref<1x128x64xf32, #tpu.memory_space<vmem>>
          %dma_start3A_102 = tpu.memref_squeeze %dma_start3A_101 : memref<1x128x64xf32, #tpu.memory_space<vmem>> -> memref<128x64xf32, #tpu.memory_space<vmem>>
          %dma_start3A_103 = arith.constant 0 : i32
          %dma_start3A_104 = tpu.memref_slice %arg7[%add3A_98, %dma_start3A_103] : memref<128x128xi32, #tpu.memory_space<vmem>> -> memref<1x128xi32, #tpu.memory_space<vmem>>
          %dma_start3A_105 = tpu.memref_squeeze %dma_start3A_104 : memref<1x128xi32, #tpu.memory_space<vmem>> -> memref<128xi32, #tpu.memory_space<vmem>>
          %dma_start3A_106 = arith.constant 0 : i32
          %dma_start3A_107 = arith.constant 0 : i32
          %dma_start3A_108 = tpu.memref_slice %arg2[%dma_start3A_106, %dma_start3A_107] : memref<10240x64xf32, #tpu.memory_space<hbm>> -> memref<10240x64xf32, #tpu.memory_space<hbm>>
          tpu.enqueue_indirect_dma source(%dma_start3A_108 : memref<10240x64xf32, #tpu.memory_space<hbm>>) target(%dma_start3A_102 : memref<128x64xf32, #tpu.memory_space<vmem>>) offsets(%dma_start3A_105 : memref<128xi32, #tpu.memory_space<vmem>>) semaphore(%arg10 : memref<!tpu.dma_semaphore, #tpu.memory_space<semaphore_mem>>)
        } else {
        }
        %add3A_83 = arith.constant 1 : i32
        %add3A_84 = arith.addi %mul3A_55, %add3A_83 : i32
        %dma_wait3A_85 = arith.constant 0 : i32
        %dma_wait3A_86 = arith.constant 0 : i32
        %dma_wait3A_87 = tpu.memref_slice %arg9[%cond3A_30, %dma_wait3A_85, %dma_wait3A_86] : memref<4x128x64xf32, #tpu.memory_space<vmem>> -> memref<1x128x64xf32, #tpu.memory_space<vmem>>
        %dma_wait3A_88 = tpu.memref_squeeze %dma_wait3A_87 : memref<1x128x64xf32, #tpu.memory_space<vmem>> -> memref<128x64xf32, #tpu.memory_space<vmem>>
        %dma_wait3A_89 = arith.constant 0 : i32
        %dma_wait3A_90 = tpu.memref_slice %arg7[%add3A_84, %dma_wait3A_89] : memref<128x128xi32, #tpu.memory_space<vmem>> -> memref<1x128xi32, #tpu.memory_space<vmem>>
        %dma_wait3A_91 = tpu.memref_squeeze %dma_wait3A_90 : memref<1x128xi32, #tpu.memory_space<vmem>> -> memref<128xi32, #tpu.memory_space<vmem>>
        %dma_wait3A_92 = arith.constant 0 : i32
        %dma_wait3A_93 = arith.constant 0 : i32
        %dma_wait3A_94 = tpu.memref_slice %arg2[%dma_wait3A_92, %dma_wait3A_93] : memref<10240x64xf32, #tpu.memory_space<hbm>> -> memref<10240x64xf32, #tpu.memory_space<hbm>>
        tpu.wait_indirect_dma semaphore(%arg11 : memref<!tpu.dma_semaphore, #tpu.memory_space<semaphore_mem>>) src(%dma_wait3A_94 : memref<10240x64xf32, #tpu.memory_space<hbm>>) dst(%dma_wait3A_88 : memref<128x64xf32, #tpu.memory_space<vmem>>)
        %add3A_95 = arith.constant 1 : i32
        %add3A_96 = arith.addi %mul3A_55, %add3A_95 : i32
        "tpu.region"() ({
          %run_scoped3A = tpu.sem_alloc : memref<!tpu.dma_semaphore, #tpu.memory_space<semaphore_mem>>
          %dma_start3A_97 = arith.constant 0 : i32
          %dma_start3A_98 = arith.constant 0 : i32
          %dma_start3A_99 = tpu.memref_slice %arg9[%cond3A_30, %dma_start3A_97, %dma_start3A_98] : memref<4x128x64xf32, #tpu.memory_space<vmem>> -> memref<1x128x64xf32, #tpu.memory_space<vmem>>
          %dma_start3A_100 = tpu.memref_squeeze %dma_start3A_99 : memref<1x128x64xf32, #tpu.memory_space<vmem>> -> memref<128x64xf32, #tpu.memory_space<vmem>>
          %dma_start3A_101 = arith.constant 0 : i32
          %dma_start3A_102 = tpu.memref_slice %arg8[%add3A_96, %dma_start3A_101] : memref<128x128xi32, #tpu.memory_space<vmem>> -> memref<1x128xi32, #tpu.memory_space<vmem>>
          %dma_start3A_103 = tpu.memref_squeeze %dma_start3A_102 : memref<1x128xi32, #tpu.memory_space<vmem>> -> memref<128xi32, #tpu.memory_space<vmem>>
          %dma_start3A_104 = arith.constant 0 : i32
          %dma_start3A_105 = arith.constant 0 : i32
          %dma_start3A_106 = tpu.memref_slice %arg18[%dma_start3A_104, %dma_start3A_105] : memref<10240x64xf32, #tpu.memory_space<vmem_shared>> -> memref<10240x64xf32, #tpu.memory_space<vmem_shared>>
          tpu.enqueue_indirect_dma source(%dma_start3A_100 : memref<128x64xf32, #tpu.memory_space<vmem>>) target(%dma_start3A_106 : memref<10240x64xf32, #tpu.memory_space<vmem_shared>>) offsets(%dma_start3A_103 : memref<128xi32, #tpu.memory_space<vmem>>) semaphore(%run_scoped3A : memref<!tpu.dma_semaphore, #tpu.memory_space<semaphore_mem>>) {add = true}
          %dma_wait3A_107 = arith.constant 0 : i32
          %dma_wait3A_108 = arith.constant 0 : i32
          %dma_wait3A_109 = tpu.memref_slice %arg9[%cond3A_30, %dma_wait3A_107, %dma_wait3A_108] : memref<4x128x64xf32, #tpu.memory_space<vmem>> -> memref<1x128x64xf32, #tpu.memory_space<vmem>>
          %dma_wait3A_110 = tpu.memref_squeeze %dma_wait3A_109 : memref<1x128x64xf32, #tpu.memory_space<vmem>> -> memref<128x64xf32, #tpu.memory_space<vmem>>
          %dma_wait3A_111 = arith.constant 0 : i32
          %dma_wait3A_112 = tpu.memref_slice %arg8[%add3A_96, %dma_wait3A_111] : memref<128x128xi32, #tpu.memory_space<vmem>> -> memref<1x128xi32, #tpu.memory_space<vmem>>
          %dma_wait3A_113 = tpu.memref_squeeze %dma_wait3A_112 : memref<1x128xi32, #tpu.memory_space<vmem>> -> memref<128xi32, #tpu.memory_space<vmem>>
          %dma_wait3A_114 = arith.constant 0 : i32
          %dma_wait3A_115 = arith.constant 0 : i32
          %dma_wait3A_116 = tpu.memref_slice %arg18[%dma_wait3A_114, %dma_wait3A_115] : memref<10240x64xf32, #tpu.memory_space<vmem_shared>> -> memref<10240x64xf32, #tpu.memory_space<vmem_shared>>
          tpu.wait_indirect_dma semaphore(%run_scoped3A : memref<!tpu.dma_semaphore, #tpu.memory_space<semaphore_mem>>) src(%dma_wait3A_110 : memref<128x64xf32, #tpu.memory_space<vmem>>) dst(%dma_wait3A_116 : memref<10240x64xf32, #tpu.memory_space<vmem_shared>>)
          tpu.yield
        }) : () -> ()
      }
      %scan3A_52 = arith.constant 16 : i32
    } else {
    }
    %barrier3A_33 = arith.constant 0 : index
    tpu.barrier barrier_id(%barrier3A_33)
    %mul3A_34 = arith.constant 640 : i32
    %mul3A_35 = arith.muli %arg1, %mul3A_34 : i32
    %mul3A_36 = arith.constant 640 : i32
    %mul3A_37 = arith.muli %arg1, %mul3A_36 : i32
    "tpu.region"() ({
      %run_scoped3A = tpu.sem_alloc : memref<!tpu.dma_semaphore, #tpu.memory_space<semaphore_mem>>
      %dma_start3A = arith.constant 0 : i32
      %dma_start3A_38 = tpu.memref_slice %arg6[%arg0, %mul3A_37, %dma_start3A] : memref<2x10240x64xf32, #tpu.memory_space<hbm>> -> memref<1x640x64xf32, #tpu.memory_space<hbm>>
      %dma_start3A_39 = tpu.memref_squeeze %dma_start3A_38 : memref<1x640x64xf32, #tpu.memory_space<hbm>> -> memref<640x64xf32, #tpu.memory_space<hbm>>
      %dma_start3A_40 = arith.constant 0 : i32
      %dma_start3A_41 = tpu.memref_slice %arg18[%mul3A_35, %dma_start3A_40] : memref<10240x64xf32, #tpu.memory_space<vmem_shared>> -> memref<640x64xf32, #tpu.memory_space<vmem_shared>>
      tpu.enqueue_dma source(%dma_start3A_41 : memref<640x64xf32, #tpu.memory_space<vmem_shared>>) target(%dma_start3A_39 : memref<640x64xf32, #tpu.memory_space<hbm>>) target_semaphore(%run_scoped3A : memref<!tpu.dma_semaphore, #tpu.memory_space<semaphore_mem>>)
      %dma_wait3A = arith.constant 0 : i32
      %dma_wait3A_42 = tpu.memref_slice %arg6[%arg0, %mul3A_37, %dma_wait3A] : memref<2x10240x64xf32, #tpu.memory_space<hbm>> -> memref<1x640x64xf32, #tpu.memory_space<hbm>>
      %dma_wait3A_43 = tpu.memref_squeeze %dma_wait3A_42 : memref<1x640x64xf32, #tpu.memory_space<hbm>> -> memref<640x64xf32, #tpu.memory_space<hbm>>
      %dma_wait3A_44 = arith.constant 0 : i32
      %dma_wait3A_45 = tpu.memref_slice %arg18[%mul3A_35, %dma_wait3A_44] : memref<10240x64xf32, #tpu.memory_space<vmem_shared>> -> memref<640x64xf32, #tpu.memory_space<vmem_shared>>
      tpu.wait_dma2 semaphore(%run_scoped3A : memref<!tpu.dma_semaphore, #tpu.memory_space<semaphore_mem>>) src(%dma_wait3A_45 : memref<640x64xf32, #tpu.memory_space<vmem_shared>>) dst(%dma_wait3A_43 : memref<640x64xf32, #tpu.memory_space<hbm>>)
      tpu.yield
    }) : () -> ()
    return
  }
}

#map = affine_map<(d0, d1) -> (0, 0)>
#map1 = affine_map<(d0, d1) -> (0, 0, 0)>
module attributes {stable_mosaic.version = 14 : i64} {
  func.func @_hop_kernel(%arg0: i32, %arg1: i32, %arg2: memref<10240x64xf32, #tpu.memory_space<hbm>>, %arg3: memref<2560x128xi32, #tpu.memory_space<hbm>>, %arg4: memref<2560x128xi32, #tpu.memory_space<hbm>>, %arg5: memref<10240x64xf32, #tpu.memory_space<hbm>>, %arg6: memref<2x10240x64xf32, #tpu.memory_space<hbm>>, %arg7: memref<128x128xi32, #tpu.memory_space<vmem>>, %arg8: memref<128x128xi32, #tpu.memory_space<vmem>>, %arg9: memref<4x128x64xf32, #tpu.memory_space<vmem>>, %arg10: memref<!tpu.dma_semaphore, #tpu.memory_space<semaphore_mem>>, %arg11: memref<!tpu.dma_semaphore, #tpu.memory_space<semaphore_mem>>, %arg12: memref<!tpu.dma_semaphore, #tpu.memory_space<semaphore_mem>>, %arg13: memref<!tpu.dma_semaphore, #tpu.memory_space<semaphore_mem>>, %arg14: memref<!tpu.dma_semaphore, #tpu.memory_space<semaphore_mem>>, %arg15: memref<!tpu.dma_semaphore, #tpu.memory_space<semaphore_mem>>, %arg16: memref<!tpu.dma_semaphore, #tpu.memory_space<semaphore_mem>>, %arg17: memref<!tpu.dma_semaphore, #tpu.memory_space<semaphore_mem>>, %arg18: memref<10240x64xf32, #tpu.memory_space<vmem_shared>>) attributes {dimension_semantics = [#tpu.dimension_semantics<core_parallel>, #tpu.dimension_semantics<subcore_parallel>], iteration_bounds = array<i64: 2, 16>, scalar_prefetch = 0 : i64, scratch_operands = 12 : i64, tpu.core_type = #tpu.core_type<sc_vector_subcore>, window_params = [{transform_indices = #map}, {transform_indices = #map}, {transform_indices = #map}, {transform_indices = #map}, {transform_indices = #map1}]} {
    %eq3A = arith.constant 0 : i32
    %eq3A_0 = arith.cmpi eq, %arg0, %eq3A : i32
    %mul3A = arith.constant 128 : i32
    %mul3A_1 = arith.muli %arg1, %mul3A : i32
    %mul3A_2 = arith.constant 32 : i32
    %mul3A_3 = arith.muli %arg1, %mul3A_2 : i32
    %add3A = arith.constant 2048 : i32
    %add3A_4 = arith.addi %add3A, %mul3A_3 : i32
    %select_n3A = arith.select %eq3A_0, %mul3A_1, %add3A_4 : i32
    %mul3A_5 = arith.constant 640 : i32
    %mul3A_6 = arith.muli %arg1, %mul3A_5 : i32
    %mul3A_7 = arith.constant 640 : i32
    %mul3A_8 = arith.muli %arg1, %mul3A_7 : i32
    "tpu.region"() ({
      %run_scoped3A = tpu.sem_alloc : memref<!tpu.dma_semaphore, #tpu.memory_space<semaphore_mem>>
      %dma_start3A = arith.constant 0 : i32
      %dma_start3A_38 = tpu.memref_slice %arg18[%mul3A_8, %dma_start3A] : memref<10240x64xf32, #tpu.memory_space<vmem_shared>> -> memref<640x64xf32, #tpu.memory_space<vmem_shared>>
      %dma_start3A_39 = arith.constant 0 : i32
      %dma_start3A_40 = tpu.memref_slice %arg5[%mul3A_6, %dma_start3A_39] : memref<10240x64xf32, #tpu.memory_space<hbm>> -> memref<640x64xf32, #tpu.memory_space<hbm>>
      tpu.enqueue_dma source(%dma_start3A_40 : memref<640x64xf32, #tpu.memory_space<hbm>>) target(%dma_start3A_38 : memref<640x64xf32, #tpu.memory_space<vmem_shared>>) target_semaphore(%run_scoped3A : memref<!tpu.dma_semaphore, #tpu.memory_space<semaphore_mem>>)
      %dma_wait3A = arith.constant 0 : i32
      %dma_wait3A_41 = tpu.memref_slice %arg18[%mul3A_8, %dma_wait3A] : memref<10240x64xf32, #tpu.memory_space<vmem_shared>> -> memref<640x64xf32, #tpu.memory_space<vmem_shared>>
      %dma_wait3A_42 = arith.constant 0 : i32
      %dma_wait3A_43 = tpu.memref_slice %arg5[%mul3A_6, %dma_wait3A_42] : memref<10240x64xf32, #tpu.memory_space<hbm>> -> memref<640x64xf32, #tpu.memory_space<hbm>>
      tpu.wait_dma2 semaphore(%run_scoped3A : memref<!tpu.dma_semaphore, #tpu.memory_space<semaphore_mem>>) src(%dma_wait3A_43 : memref<640x64xf32, #tpu.memory_space<hbm>>) dst(%dma_wait3A_41 : memref<640x64xf32, #tpu.memory_space<vmem_shared>>)
      tpu.yield
    }) : () -> ()
    %eq3A_9 = arith.constant 0 : i32
    %eq3A_10 = arith.cmpi eq, %arg0, %eq3A_9 : i32
    %convert_element_type3A = arith.extui %eq3A_10 : i1 to i32
    %cond3A = arith.constant 0 : i32
    %cond3A_11 = arith.cmpi ne, %convert_element_type3A, %cond3A : i32
    scf.if %cond3A_11 {
      "tpu.region"() ({
        %run_scoped3A = tpu.sem_alloc : memref<!tpu.dma_semaphore, #tpu.memory_space<semaphore_mem>>
        %dma_start3A = arith.constant 0 : i32
        %dma_start3A_38 = tpu.memref_slice %arg3[%select_n3A, %dma_start3A] : memref<2560x128xi32, #tpu.memory_space<hbm>> -> memref<128x128xi32, #tpu.memory_space<hbm>>
        %dma_start3A_39 = arith.constant 0 : i32
        %dma_start3A_40 = tpu.memref_slice %arg3[%select_n3A, %dma_start3A_39] : memref<2560x128xi32, #tpu.memory_space<hbm>> -> memref<128x128xi32, #tpu.memory_space<hbm>>
        tpu.enqueue_dma source(%dma_start3A_40 : memref<128x128xi32, #tpu.memory_space<hbm>>) target(%arg7 : memref<128x128xi32, #tpu.memory_space<vmem>>) target_semaphore(%run_scoped3A : memref<!tpu.dma_semaphore, #tpu.memory_space<semaphore_mem>>)
        %dma_wait3A = arith.constant 0 : i32
        %dma_wait3A_41 = tpu.memref_slice %arg3[%select_n3A, %dma_wait3A] : memref<2560x128xi32, #tpu.memory_space<hbm>> -> memref<128x128xi32, #tpu.memory_space<hbm>>
        %dma_wait3A_42 = arith.constant 0 : i32
        %dma_wait3A_43 = tpu.memref_slice %arg3[%select_n3A, %dma_wait3A_42] : memref<2560x128xi32, #tpu.memory_space<hbm>> -> memref<128x128xi32, #tpu.memory_space<hbm>>
        tpu.wait_dma2 semaphore(%run_scoped3A : memref<!tpu.dma_semaphore, #tpu.memory_space<semaphore_mem>>) src(%dma_wait3A_43 : memref<128x128xi32, #tpu.memory_space<hbm>>) dst(%arg7 : memref<128x128xi32, #tpu.memory_space<vmem>>)
        tpu.yield
      }) : () -> ()
      "tpu.region"() ({
        %run_scoped3A = tpu.sem_alloc : memref<!tpu.dma_semaphore, #tpu.memory_space<semaphore_mem>>
        %dma_start3A = arith.constant 0 : i32
        %dma_start3A_38 = tpu.memref_slice %arg4[%select_n3A, %dma_start3A] : memref<2560x128xi32, #tpu.memory_space<hbm>> -> memref<128x128xi32, #tpu.memory_space<hbm>>
        %dma_start3A_39 = arith.constant 0 : i32
        %dma_start3A_40 = tpu.memref_slice %arg4[%select_n3A, %dma_start3A_39] : memref<2560x128xi32, #tpu.memory_space<hbm>> -> memref<128x128xi32, #tpu.memory_space<hbm>>
        tpu.enqueue_dma source(%dma_start3A_40 : memref<128x128xi32, #tpu.memory_space<hbm>>) target(%arg8 : memref<128x128xi32, #tpu.memory_space<vmem>>) target_semaphore(%run_scoped3A : memref<!tpu.dma_semaphore, #tpu.memory_space<semaphore_mem>>)
        %dma_wait3A = arith.constant 0 : i32
        %dma_wait3A_41 = tpu.memref_slice %arg4[%select_n3A, %dma_wait3A] : memref<2560x128xi32, #tpu.memory_space<hbm>> -> memref<128x128xi32, #tpu.memory_space<hbm>>
        %dma_wait3A_42 = arith.constant 0 : i32
        %dma_wait3A_43 = tpu.memref_slice %arg4[%select_n3A, %dma_wait3A_42] : memref<2560x128xi32, #tpu.memory_space<hbm>> -> memref<128x128xi32, #tpu.memory_space<hbm>>
        tpu.wait_dma2 semaphore(%run_scoped3A : memref<!tpu.dma_semaphore, #tpu.memory_space<semaphore_mem>>) src(%dma_wait3A_43 : memref<128x128xi32, #tpu.memory_space<hbm>>) dst(%arg8 : memref<128x128xi32, #tpu.memory_space<vmem>>)
        tpu.yield
      }) : () -> ()
    } else {
    }
    %eq3A_12 = arith.constant 1 : i32
    %eq3A_13 = arith.cmpi eq, %arg0, %eq3A_12 : i32
    %convert_element_type3A_14 = arith.extui %eq3A_13 : i1 to i32
    %cond3A_15 = arith.constant 0 : i32
    %cond3A_16 = arith.cmpi ne, %convert_element_type3A_14, %cond3A_15 : i32
    scf.if %cond3A_16 {
      "tpu.region"() ({
        %run_scoped3A = tpu.sem_alloc : memref<!tpu.dma_semaphore, #tpu.memory_space<semaphore_mem>>
        %dma_start3A = arith.constant 0 : i32
        %dma_start3A_38 = arith.constant 0 : i32
        %dma_start3A_39 = tpu.memref_slice %arg7[%dma_start3A, %dma_start3A_38] : memref<128x128xi32, #tpu.memory_space<vmem>> -> memref<32x128xi32, #tpu.memory_space<vmem>>
        %dma_start3A_40 = arith.constant 0 : i32
        %dma_start3A_41 = tpu.memref_slice %arg3[%select_n3A, %dma_start3A_40] : memref<2560x128xi32, #tpu.memory_space<hbm>> -> memref<32x128xi32, #tpu.memory_space<hbm>>
        %dma_start3A_42 = arith.constant 0 : i32
        %dma_start3A_43 = arith.constant 0 : i32
        %dma_start3A_44 = tpu.memref_slice %arg7[%dma_start3A_42, %dma_start3A_43] : memref<128x128xi32, #tpu.memory_space<vmem>> -> memref<32x128xi32, #tpu.memory_space<vmem>>
        %dma_start3A_45 = arith.constant 0 : i32
        %dma_start3A_46 = tpu.memref_slice %arg3[%select_n3A, %dma_start3A_45] : memref<2560x128xi32, #tpu.memory_space<hbm>> -> memref<32x128xi32, #tpu.memory_space<hbm>>
        tpu.enqueue_dma source(%dma_start3A_46 : memref<32x128xi32, #tpu.memory_space<hbm>>) target(%dma_start3A_44 : memref<32x128xi32, #tpu.memory_space<vmem>>) target_semaphore(%run_scoped3A : memref<!tpu.dma_semaphore, #tpu.memory_space<semaphore_mem>>)
        %dma_wait3A = arith.constant 0 : i32
        %dma_wait3A_47 = arith.constant 0 : i32
        %dma_wait3A_48 = tpu.memref_slice %arg7[%dma_wait3A, %dma_wait3A_47] : memref<128x128xi32, #tpu.memory_space<vmem>> -> memref<32x128xi32, #tpu.memory_space<vmem>>
        %dma_wait3A_49 = arith.constant 0 : i32
        %dma_wait3A_50 = tpu.memref_slice %arg3[%select_n3A, %dma_wait3A_49] : memref<2560x128xi32, #tpu.memory_space<hbm>> -> memref<32x128xi32, #tpu.memory_space<hbm>>
        %dma_wait3A_51 = arith.constant 0 : i32
        %dma_wait3A_52 = arith.constant 0 : i32
        %dma_wait3A_53 = tpu.memref_slice %arg7[%dma_wait3A_51, %dma_wait3A_52] : memref<128x128xi32, #tpu.memory_space<vmem>> -> memref<32x128xi32, #tpu.memory_space<vmem>>
        %dma_wait3A_54 = arith.constant 0 : i32
        %dma_wait3A_55 = tpu.memref_slice %arg3[%select_n3A, %dma_wait3A_54] : memref<2560x128xi32, #tpu.memory_space<hbm>> -> memref<32x128xi32, #tpu.memory_space<hbm>>
        tpu.wait_dma2 semaphore(%run_scoped3A : memref<!tpu.dma_semaphore, #tpu.memory_space<semaphore_mem>>) src(%dma_wait3A_55 : memref<32x128xi32, #tpu.memory_space<hbm>>) dst(%dma_wait3A_53 : memref<32x128xi32, #tpu.memory_space<vmem>>)
        tpu.yield
      }) : () -> ()
      "tpu.region"() ({
        %run_scoped3A = tpu.sem_alloc : memref<!tpu.dma_semaphore, #tpu.memory_space<semaphore_mem>>
        %dma_start3A = arith.constant 0 : i32
        %dma_start3A_38 = arith.constant 0 : i32
        %dma_start3A_39 = tpu.memref_slice %arg8[%dma_start3A, %dma_start3A_38] : memref<128x128xi32, #tpu.memory_space<vmem>> -> memref<32x128xi32, #tpu.memory_space<vmem>>
        %dma_start3A_40 = arith.constant 0 : i32
        %dma_start3A_41 = tpu.memref_slice %arg4[%select_n3A, %dma_start3A_40] : memref<2560x128xi32, #tpu.memory_space<hbm>> -> memref<32x128xi32, #tpu.memory_space<hbm>>
        %dma_start3A_42 = arith.constant 0 : i32
        %dma_start3A_43 = arith.constant 0 : i32
        %dma_start3A_44 = tpu.memref_slice %arg8[%dma_start3A_42, %dma_start3A_43] : memref<128x128xi32, #tpu.memory_space<vmem>> -> memref<32x128xi32, #tpu.memory_space<vmem>>
        %dma_start3A_45 = arith.constant 0 : i32
        %dma_start3A_46 = tpu.memref_slice %arg4[%select_n3A, %dma_start3A_45] : memref<2560x128xi32, #tpu.memory_space<hbm>> -> memref<32x128xi32, #tpu.memory_space<hbm>>
        tpu.enqueue_dma source(%dma_start3A_46 : memref<32x128xi32, #tpu.memory_space<hbm>>) target(%dma_start3A_44 : memref<32x128xi32, #tpu.memory_space<vmem>>) target_semaphore(%run_scoped3A : memref<!tpu.dma_semaphore, #tpu.memory_space<semaphore_mem>>)
        %dma_wait3A = arith.constant 0 : i32
        %dma_wait3A_47 = arith.constant 0 : i32
        %dma_wait3A_48 = tpu.memref_slice %arg8[%dma_wait3A, %dma_wait3A_47] : memref<128x128xi32, #tpu.memory_space<vmem>> -> memref<32x128xi32, #tpu.memory_space<vmem>>
        %dma_wait3A_49 = arith.constant 0 : i32
        %dma_wait3A_50 = tpu.memref_slice %arg4[%select_n3A, %dma_wait3A_49] : memref<2560x128xi32, #tpu.memory_space<hbm>> -> memref<32x128xi32, #tpu.memory_space<hbm>>
        %dma_wait3A_51 = arith.constant 0 : i32
        %dma_wait3A_52 = arith.constant 0 : i32
        %dma_wait3A_53 = tpu.memref_slice %arg8[%dma_wait3A_51, %dma_wait3A_52] : memref<128x128xi32, #tpu.memory_space<vmem>> -> memref<32x128xi32, #tpu.memory_space<vmem>>
        %dma_wait3A_54 = arith.constant 0 : i32
        %dma_wait3A_55 = tpu.memref_slice %arg4[%select_n3A, %dma_wait3A_54] : memref<2560x128xi32, #tpu.memory_space<hbm>> -> memref<32x128xi32, #tpu.memory_space<hbm>>
        tpu.wait_dma2 semaphore(%run_scoped3A : memref<!tpu.dma_semaphore, #tpu.memory_space<semaphore_mem>>) src(%dma_wait3A_55 : memref<32x128xi32, #tpu.memory_space<hbm>>) dst(%dma_wait3A_53 : memref<32x128xi32, #tpu.memory_space<vmem>>)
        tpu.yield
      }) : () -> ()
    } else {
    }
    %barrier3A = arith.constant 0 : index
    tpu.barrier barrier_id(%barrier3A)
    %eq3A_17 = arith.constant 0 : i32
    %eq3A_18 = arith.cmpi eq, %arg0, %eq3A_17 : i32
    %convert_element_type3A_19 = arith.extui %eq3A_18 : i1 to i32
    %cond3A_20 = arith.constant 0 : i32
    %cond3A_21 = arith.constant 1 : i32
    %cond3A_22 = arith.constant 2 : i32
    %cond3A_23 = arith.constant 3 : i32
    %cond3A_24 = arith.constant 0 : i32
    %cond3A_25 = arith.cmpi ne, %convert_element_type3A_19, %cond3A_24 : i32
    scf.if %cond3A_25 {
      %dma_start3A = arith.constant 0 : i32
      %dma_start3A_38 = arith.constant 0 : i32
      %dma_start3A_39 = arith.constant 0 : i32
      %dma_start3A_40 = tpu.memref_slice %arg9[%cond3A_20, %dma_start3A_38, %dma_start3A_39] : memref<4x128x64xf32, #tpu.memory_space<vmem>> -> memref<1x128x64xf32, #tpu.memory_space<vmem>>
      %dma_start3A_41 = tpu.memref_squeeze %dma_start3A_40 : memref<1x128x64xf32, #tpu.memory_space<vmem>> -> memref<128x64xf32, #tpu.memory_space<vmem>>
      %dma_start3A_42 = arith.constant 0 : i32
      %dma_start3A_43 = tpu.memref_slice %arg7[%dma_start3A, %dma_start3A_42] : memref<128x128xi32, #tpu.memory_space<vmem>> -> memref<1x128xi32, #tpu.memory_space<vmem>>
      %dma_start3A_44 = tpu.memref_squeeze %dma_start3A_43 : memref<1x128xi32, #tpu.memory_space<vmem>> -> memref<128xi32, #tpu.memory_space<vmem>>
      %dma_start3A_45 = arith.constant 0 : i32
      %dma_start3A_46 = arith.constant 0 : i32
      %dma_start3A_47 = tpu.memref_slice %arg2[%dma_start3A_45, %dma_start3A_46] : memref<10240x64xf32, #tpu.memory_space<hbm>> -> memref<10240x64xf32, #tpu.memory_space<hbm>>
      tpu.enqueue_indirect_dma source(%dma_start3A_47 : memref<10240x64xf32, #tpu.memory_space<hbm>>) target(%dma_start3A_41 : memref<128x64xf32, #tpu.memory_space<vmem>>) offsets(%dma_start3A_44 : memref<128xi32, #tpu.memory_space<vmem>>) semaphore(%arg10 : memref<!tpu.dma_semaphore, #tpu.memory_space<semaphore_mem>>)
      %dma_start3A_48 = arith.constant 1 : i32
      %dma_start3A_49 = arith.constant 0 : i32
      %dma_start3A_50 = arith.constant 0 : i32
      %dma_start3A_51 = tpu.memref_slice %arg9[%cond3A_21, %dma_start3A_49, %dma_start3A_50] : memref<4x128x64xf32, #tpu.memory_space<vmem>> -> memref<1x128x64xf32, #tpu.memory_space<vmem>>
      %dma_start3A_52 = tpu.memref_squeeze %dma_start3A_51 : memref<1x128x64xf32, #tpu.memory_space<vmem>> -> memref<128x64xf32, #tpu.memory_space<vmem>>
      %dma_start3A_53 = arith.constant 0 : i32
      %dma_start3A_54 = tpu.memref_slice %arg7[%dma_start3A_48, %dma_start3A_53] : memref<128x128xi32, #tpu.memory_space<vmem>> -> memref<1x128xi32, #tpu.memory_space<vmem>>
      %dma_start3A_55 = tpu.memref_squeeze %dma_start3A_54 : memref<1x128xi32, #tpu.memory_space<vmem>> -> memref<128xi32, #tpu.memory_space<vmem>>
      %dma_start3A_56 = arith.constant 0 : i32
      %dma_start3A_57 = arith.constant 0 : i32
      %dma_start3A_58 = tpu.memref_slice %arg2[%dma_start3A_56, %dma_start3A_57] : memref<10240x64xf32, #tpu.memory_space<hbm>> -> memref<10240x64xf32, #tpu.memory_space<hbm>>
      tpu.enqueue_indirect_dma source(%dma_start3A_58 : memref<10240x64xf32, #tpu.memory_space<hbm>>) target(%dma_start3A_52 : memref<128x64xf32, #tpu.memory_space<vmem>>) offsets(%dma_start3A_55 : memref<128xi32, #tpu.memory_space<vmem>>) semaphore(%arg11 : memref<!tpu.dma_semaphore, #tpu.memory_space<semaphore_mem>>)
      %dma_start3A_59 = arith.constant 2 : i32
      %dma_start3A_60 = arith.constant 0 : i32
      %dma_start3A_61 = arith.constant 0 : i32
      %dma_start3A_62 = tpu.memref_slice %arg9[%cond3A_22, %dma_start3A_60, %dma_start3A_61] : memref<4x128x64xf32, #tpu.memory_space<vmem>> -> memref<1x128x64xf32, #tpu.memory_space<vmem>>
      %dma_start3A_63 = tpu.memref_squeeze %dma_start3A_62 : memref<1x128x64xf32, #tpu.memory_space<vmem>> -> memref<128x64xf32, #tpu.memory_space<vmem>>
      %dma_start3A_64 = arith.constant 0 : i32
      %dma_start3A_65 = tpu.memref_slice %arg7[%dma_start3A_59, %dma_start3A_64] : memref<128x128xi32, #tpu.memory_space<vmem>> -> memref<1x128xi32, #tpu.memory_space<vmem>>
      %dma_start3A_66 = tpu.memref_squeeze %dma_start3A_65 : memref<1x128xi32, #tpu.memory_space<vmem>> -> memref<128xi32, #tpu.memory_space<vmem>>
      %dma_start3A_67 = arith.constant 0 : i32
      %dma_start3A_68 = arith.constant 0 : i32
      %dma_start3A_69 = tpu.memref_slice %arg2[%dma_start3A_67, %dma_start3A_68] : memref<10240x64xf32, #tpu.memory_space<hbm>> -> memref<10240x64xf32, #tpu.memory_space<hbm>>
      tpu.enqueue_indirect_dma source(%dma_start3A_69 : memref<10240x64xf32, #tpu.memory_space<hbm>>) target(%dma_start3A_63 : memref<128x64xf32, #tpu.memory_space<vmem>>) offsets(%dma_start3A_66 : memref<128xi32, #tpu.memory_space<vmem>>) semaphore(%arg12 : memref<!tpu.dma_semaphore, #tpu.memory_space<semaphore_mem>>)
      %dma_start3A_70 = arith.constant 3 : i32
      %dma_start3A_71 = arith.constant 0 : i32
      %dma_start3A_72 = arith.constant 0 : i32
      %dma_start3A_73 = tpu.memref_slice %arg9[%cond3A_23, %dma_start3A_71, %dma_start3A_72] : memref<4x128x64xf32, #tpu.memory_space<vmem>> -> memref<1x128x64xf32, #tpu.memory_space<vmem>>
      %dma_start3A_74 = tpu.memref_squeeze %dma_start3A_73 : memref<1x128x64xf32, #tpu.memory_space<vmem>> -> memref<128x64xf32, #tpu.memory_space<vmem>>
      %dma_start3A_75 = arith.constant 0 : i32
      %dma_start3A_76 = tpu.memref_slice %arg7[%dma_start3A_70, %dma_start3A_75] : memref<128x128xi32, #tpu.memory_space<vmem>> -> memref<1x128xi32, #tpu.memory_space<vmem>>
      %dma_start3A_77 = tpu.memref_squeeze %dma_start3A_76 : memref<1x128xi32, #tpu.memory_space<vmem>> -> memref<128xi32, #tpu.memory_space<vmem>>
      %dma_start3A_78 = arith.constant 0 : i32
      %dma_start3A_79 = arith.constant 0 : i32
      %dma_start3A_80 = tpu.memref_slice %arg2[%dma_start3A_78, %dma_start3A_79] : memref<10240x64xf32, #tpu.memory_space<hbm>> -> memref<10240x64xf32, #tpu.memory_space<hbm>>
      tpu.enqueue_indirect_dma source(%dma_start3A_80 : memref<10240x64xf32, #tpu.memory_space<hbm>>) target(%dma_start3A_74 : memref<128x64xf32, #tpu.memory_space<vmem>>) offsets(%dma_start3A_77 : memref<128xi32, #tpu.memory_space<vmem>>) semaphore(%arg13 : memref<!tpu.dma_semaphore, #tpu.memory_space<semaphore_mem>>)
      %scan3A = arith.constant 0 : i32
      %scan3A_81 = arith.constant 0 : i32
      %scan3A_82 = arith.constant 32 : i32
      %scan3A_83 = arith.addi %scan3A_81, %scan3A_82 : i32
      %scan3A_84 = arith.constant 1 : i32
      scf.for %scan3A_129 = %scan3A_81 to %scan3A_83 step %scan3A_84  : i32 {
        %mul3A_130 = arith.constant 4 : i32
        %mul3A_131 = arith.muli %mul3A_130, %scan3A_129 : i32
        %add3A_132 = arith.constant 0 : i32
        %add3A_133 = arith.addi %mul3A_131, %add3A_132 : i32
        %dma_wait3A_134 = arith.constant 0 : i32
        %dma_wait3A_135 = arith.constant 0 : i32
        %dma_wait3A_136 = tpu.memref_slice %arg9[%cond3A_20, %dma_wait3A_134, %dma_wait3A_135] : memref<4x128x64xf32, #tpu.memory_space<vmem>> -> memref<1x128x64xf32, #tpu.memory_space<vmem>>
        %dma_wait3A_137 = tpu.memref_squeeze %dma_wait3A_136 : memref<1x128x64xf32, #tpu.memory_space<vmem>> -> memref<128x64xf32, #tpu.memory_space<vmem>>
        %dma_wait3A_138 = arith.constant 0 : i32
        %dma_wait3A_139 = tpu.memref_slice %arg7[%add3A_133, %dma_wait3A_138] : memref<128x128xi32, #tpu.memory_space<vmem>> -> memref<1x128xi32, #tpu.memory_space<vmem>>
        %dma_wait3A_140 = tpu.memref_squeeze %dma_wait3A_139 : memref<1x128xi32, #tpu.memory_space<vmem>> -> memref<128xi32, #tpu.memory_space<vmem>>
        %dma_wait3A_141 = arith.constant 0 : i32
        %dma_wait3A_142 = arith.constant 0 : i32
        %dma_wait3A_143 = tpu.memref_slice %arg2[%dma_wait3A_141, %dma_wait3A_142] : memref<10240x64xf32, #tpu.memory_space<hbm>> -> memref<10240x64xf32, #tpu.memory_space<hbm>>
        tpu.wait_indirect_dma semaphore(%arg10 : memref<!tpu.dma_semaphore, #tpu.memory_space<semaphore_mem>>) src(%dma_wait3A_143 : memref<10240x64xf32, #tpu.memory_space<hbm>>) dst(%dma_wait3A_137 : memref<128x64xf32, #tpu.memory_space<vmem>>)
        %add3A_144 = arith.constant 0 : i32
        %add3A_145 = arith.addi %mul3A_131, %add3A_144 : i32
        %dma_start3A_146 = arith.constant 0 : i32
        %dma_start3A_147 = arith.constant 0 : i32
        %dma_start3A_148 = tpu.memref_slice %arg9[%cond3A_20, %dma_start3A_146, %dma_start3A_147] : memref<4x128x64xf32, #tpu.memory_space<vmem>> -> memref<1x128x64xf32, #tpu.memory_space<vmem>>
        %dma_start3A_149 = tpu.memref_squeeze %dma_start3A_148 : memref<1x128x64xf32, #tpu.memory_space<vmem>> -> memref<128x64xf32, #tpu.memory_space<vmem>>
        %dma_start3A_150 = arith.constant 0 : i32
        %dma_start3A_151 = tpu.memref_slice %arg8[%add3A_145, %dma_start3A_150] : memref<128x128xi32, #tpu.memory_space<vmem>> -> memref<1x128xi32, #tpu.memory_space<vmem>>
        %dma_start3A_152 = tpu.memref_squeeze %dma_start3A_151 : memref<1x128xi32, #tpu.memory_space<vmem>> -> memref<128xi32, #tpu.memory_space<vmem>>
        %dma_start3A_153 = arith.constant 0 : i32
        %dma_start3A_154 = arith.constant 0 : i32
        %dma_start3A_155 = tpu.memref_slice %arg18[%dma_start3A_153, %dma_start3A_154] : memref<10240x64xf32, #tpu.memory_space<vmem_shared>> -> memref<10240x64xf32, #tpu.memory_space<vmem_shared>>
        tpu.enqueue_indirect_dma source(%dma_start3A_149 : memref<128x64xf32, #tpu.memory_space<vmem>>) target(%dma_start3A_155 : memref<10240x64xf32, #tpu.memory_space<vmem_shared>>) offsets(%dma_start3A_152 : memref<128xi32, #tpu.memory_space<vmem>>) semaphore(%arg14 : memref<!tpu.dma_semaphore, #tpu.memory_space<semaphore_mem>>) {add = true}
        %add3A_156 = arith.constant 1 : i32
        %add3A_157 = arith.addi %mul3A_131, %add3A_156 : i32
        %dma_wait3A_158 = arith.constant 0 : i32
        %dma_wait3A_159 = arith.constant 0 : i32
        %dma_wait3A_160 = tpu.memref_slice %arg9[%cond3A_21, %dma_wait3A_158, %dma_wait3A_159] : memref<4x128x64xf32, #tpu.memory_space<vmem>> -> memref<1x128x64xf32, #tpu.memory_space<vmem>>
        %dma_wait3A_161 = tpu.memref_squeeze %dma_wait3A_160 : memref<1x128x64xf32, #tpu.memory_space<vmem>> -> memref<128x64xf32, #tpu.memory_space<vmem>>
        %dma_wait3A_162 = arith.constant 0 : i32
        %dma_wait3A_163 = tpu.memref_slice %arg7[%add3A_157, %dma_wait3A_162] : memref<128x128xi32, #tpu.memory_space<vmem>> -> memref<1x128xi32, #tpu.memory_space<vmem>>
        %dma_wait3A_164 = tpu.memref_squeeze %dma_wait3A_163 : memref<1x128xi32, #tpu.memory_space<vmem>> -> memref<128xi32, #tpu.memory_space<vmem>>
        %dma_wait3A_165 = arith.constant 0 : i32
        %dma_wait3A_166 = arith.constant 0 : i32
        %dma_wait3A_167 = tpu.memref_slice %arg2[%dma_wait3A_165, %dma_wait3A_166] : memref<10240x64xf32, #tpu.memory_space<hbm>> -> memref<10240x64xf32, #tpu.memory_space<hbm>>
        tpu.wait_indirect_dma semaphore(%arg11 : memref<!tpu.dma_semaphore, #tpu.memory_space<semaphore_mem>>) src(%dma_wait3A_167 : memref<10240x64xf32, #tpu.memory_space<hbm>>) dst(%dma_wait3A_161 : memref<128x64xf32, #tpu.memory_space<vmem>>)
        %add3A_168 = arith.constant 1 : i32
        %add3A_169 = arith.addi %mul3A_131, %add3A_168 : i32
        %dma_start3A_170 = arith.constant 0 : i32
        %dma_start3A_171 = arith.constant 0 : i32
        %dma_start3A_172 = tpu.memref_slice %arg9[%cond3A_21, %dma_start3A_170, %dma_start3A_171] : memref<4x128x64xf32, #tpu.memory_space<vmem>> -> memref<1x128x64xf32, #tpu.memory_space<vmem>>
        %dma_start3A_173 = tpu.memref_squeeze %dma_start3A_172 : memref<1x128x64xf32, #tpu.memory_space<vmem>> -> memref<128x64xf32, #tpu.memory_space<vmem>>
        %dma_start3A_174 = arith.constant 0 : i32
        %dma_start3A_175 = tpu.memref_slice %arg8[%add3A_169, %dma_start3A_174] : memref<128x128xi32, #tpu.memory_space<vmem>> -> memref<1x128xi32, #tpu.memory_space<vmem>>
        %dma_start3A_176 = tpu.memref_squeeze %dma_start3A_175 : memref<1x128xi32, #tpu.memory_space<vmem>> -> memref<128xi32, #tpu.memory_space<vmem>>
        %dma_start3A_177 = arith.constant 0 : i32
        %dma_start3A_178 = arith.constant 0 : i32
        %dma_start3A_179 = tpu.memref_slice %arg18[%dma_start3A_177, %dma_start3A_178] : memref<10240x64xf32, #tpu.memory_space<vmem_shared>> -> memref<10240x64xf32, #tpu.memory_space<vmem_shared>>
        tpu.enqueue_indirect_dma source(%dma_start3A_173 : memref<128x64xf32, #tpu.memory_space<vmem>>) target(%dma_start3A_179 : memref<10240x64xf32, #tpu.memory_space<vmem_shared>>) offsets(%dma_start3A_176 : memref<128xi32, #tpu.memory_space<vmem>>) semaphore(%arg15 : memref<!tpu.dma_semaphore, #tpu.memory_space<semaphore_mem>>) {add = true}
        %add3A_180 = arith.constant 2 : i32
        %add3A_181 = arith.addi %mul3A_131, %add3A_180 : i32
        %dma_wait3A_182 = arith.constant 0 : i32
        %dma_wait3A_183 = arith.constant 0 : i32
        %dma_wait3A_184 = tpu.memref_slice %arg9[%cond3A_22, %dma_wait3A_182, %dma_wait3A_183] : memref<4x128x64xf32, #tpu.memory_space<vmem>> -> memref<1x128x64xf32, #tpu.memory_space<vmem>>
        %dma_wait3A_185 = tpu.memref_squeeze %dma_wait3A_184 : memref<1x128x64xf32, #tpu.memory_space<vmem>> -> memref<128x64xf32, #tpu.memory_space<vmem>>
        %dma_wait3A_186 = arith.constant 0 : i32
        %dma_wait3A_187 = tpu.memref_slice %arg7[%add3A_181, %dma_wait3A_186] : memref<128x128xi32, #tpu.memory_space<vmem>> -> memref<1x128xi32, #tpu.memory_space<vmem>>
        %dma_wait3A_188 = tpu.memref_squeeze %dma_wait3A_187 : memref<1x128xi32, #tpu.memory_space<vmem>> -> memref<128xi32, #tpu.memory_space<vmem>>
        %dma_wait3A_189 = arith.constant 0 : i32
        %dma_wait3A_190 = arith.constant 0 : i32
        %dma_wait3A_191 = tpu.memref_slice %arg2[%dma_wait3A_189, %dma_wait3A_190] : memref<10240x64xf32, #tpu.memory_space<hbm>> -> memref<10240x64xf32, #tpu.memory_space<hbm>>
        tpu.wait_indirect_dma semaphore(%arg12 : memref<!tpu.dma_semaphore, #tpu.memory_space<semaphore_mem>>) src(%dma_wait3A_191 : memref<10240x64xf32, #tpu.memory_space<hbm>>) dst(%dma_wait3A_185 : memref<128x64xf32, #tpu.memory_space<vmem>>)
        %add3A_192 = arith.constant 2 : i32
        %add3A_193 = arith.addi %mul3A_131, %add3A_192 : i32
        %dma_start3A_194 = arith.constant 0 : i32
        %dma_start3A_195 = arith.constant 0 : i32
        %dma_start3A_196 = tpu.memref_slice %arg9[%cond3A_22, %dma_start3A_194, %dma_start3A_195] : memref<4x128x64xf32, #tpu.memory_space<vmem>> -> memref<1x128x64xf32, #tpu.memory_space<vmem>>
        %dma_start3A_197 = tpu.memref_squeeze %dma_start3A_196 : memref<1x128x64xf32, #tpu.memory_space<vmem>> -> memref<128x64xf32, #tpu.memory_space<vmem>>
        %dma_start3A_198 = arith.constant 0 : i32
        %dma_start3A_199 = tpu.memref_slice %arg8[%add3A_193, %dma_start3A_198] : memref<128x128xi32, #tpu.memory_space<vmem>> -> memref<1x128xi32, #tpu.memory_space<vmem>>
        %dma_start3A_200 = tpu.memref_squeeze %dma_start3A_199 : memref<1x128xi32, #tpu.memory_space<vmem>> -> memref<128xi32, #tpu.memory_space<vmem>>
        %dma_start3A_201 = arith.constant 0 : i32
        %dma_start3A_202 = arith.constant 0 : i32
        %dma_start3A_203 = tpu.memref_slice %arg18[%dma_start3A_201, %dma_start3A_202] : memref<10240x64xf32, #tpu.memory_space<vmem_shared>> -> memref<10240x64xf32, #tpu.memory_space<vmem_shared>>
        tpu.enqueue_indirect_dma source(%dma_start3A_197 : memref<128x64xf32, #tpu.memory_space<vmem>>) target(%dma_start3A_203 : memref<10240x64xf32, #tpu.memory_space<vmem_shared>>) offsets(%dma_start3A_200 : memref<128xi32, #tpu.memory_space<vmem>>) semaphore(%arg16 : memref<!tpu.dma_semaphore, #tpu.memory_space<semaphore_mem>>) {add = true}
        %add3A_204 = arith.constant 3 : i32
        %add3A_205 = arith.addi %mul3A_131, %add3A_204 : i32
        %dma_wait3A_206 = arith.constant 0 : i32
        %dma_wait3A_207 = arith.constant 0 : i32
        %dma_wait3A_208 = tpu.memref_slice %arg9[%cond3A_23, %dma_wait3A_206, %dma_wait3A_207] : memref<4x128x64xf32, #tpu.memory_space<vmem>> -> memref<1x128x64xf32, #tpu.memory_space<vmem>>
        %dma_wait3A_209 = tpu.memref_squeeze %dma_wait3A_208 : memref<1x128x64xf32, #tpu.memory_space<vmem>> -> memref<128x64xf32, #tpu.memory_space<vmem>>
        %dma_wait3A_210 = arith.constant 0 : i32
        %dma_wait3A_211 = tpu.memref_slice %arg7[%add3A_205, %dma_wait3A_210] : memref<128x128xi32, #tpu.memory_space<vmem>> -> memref<1x128xi32, #tpu.memory_space<vmem>>
        %dma_wait3A_212 = tpu.memref_squeeze %dma_wait3A_211 : memref<1x128xi32, #tpu.memory_space<vmem>> -> memref<128xi32, #tpu.memory_space<vmem>>
        %dma_wait3A_213 = arith.constant 0 : i32
        %dma_wait3A_214 = arith.constant 0 : i32
        %dma_wait3A_215 = tpu.memref_slice %arg2[%dma_wait3A_213, %dma_wait3A_214] : memref<10240x64xf32, #tpu.memory_space<hbm>> -> memref<10240x64xf32, #tpu.memory_space<hbm>>
        tpu.wait_indirect_dma semaphore(%arg13 : memref<!tpu.dma_semaphore, #tpu.memory_space<semaphore_mem>>) src(%dma_wait3A_215 : memref<10240x64xf32, #tpu.memory_space<hbm>>) dst(%dma_wait3A_209 : memref<128x64xf32, #tpu.memory_space<vmem>>)
        %add3A_216 = arith.constant 3 : i32
        %add3A_217 = arith.addi %mul3A_131, %add3A_216 : i32
        %dma_start3A_218 = arith.constant 0 : i32
        %dma_start3A_219 = arith.constant 0 : i32
        %dma_start3A_220 = tpu.memref_slice %arg9[%cond3A_23, %dma_start3A_218, %dma_start3A_219] : memref<4x128x64xf32, #tpu.memory_space<vmem>> -> memref<1x128x64xf32, #tpu.memory_space<vmem>>
        %dma_start3A_221 = tpu.memref_squeeze %dma_start3A_220 : memref<1x128x64xf32, #tpu.memory_space<vmem>> -> memref<128x64xf32, #tpu.memory_space<vmem>>
        %dma_start3A_222 = arith.constant 0 : i32
        %dma_start3A_223 = tpu.memref_slice %arg8[%add3A_217, %dma_start3A_222] : memref<128x128xi32, #tpu.memory_space<vmem>> -> memref<1x128xi32, #tpu.memory_space<vmem>>
        %dma_start3A_224 = tpu.memref_squeeze %dma_start3A_223 : memref<1x128xi32, #tpu.memory_space<vmem>> -> memref<128xi32, #tpu.memory_space<vmem>>
        %dma_start3A_225 = arith.constant 0 : i32
        %dma_start3A_226 = arith.constant 0 : i32
        %dma_start3A_227 = tpu.memref_slice %arg18[%dma_start3A_225, %dma_start3A_226] : memref<10240x64xf32, #tpu.memory_space<vmem_shared>> -> memref<10240x64xf32, #tpu.memory_space<vmem_shared>>
        tpu.enqueue_indirect_dma source(%dma_start3A_221 : memref<128x64xf32, #tpu.memory_space<vmem>>) target(%dma_start3A_227 : memref<10240x64xf32, #tpu.memory_space<vmem_shared>>) offsets(%dma_start3A_224 : memref<128xi32, #tpu.memory_space<vmem>>) semaphore(%arg17 : memref<!tpu.dma_semaphore, #tpu.memory_space<semaphore_mem>>) {add = true}
        %add3A_228 = arith.constant 4 : i32
        %add3A_229 = arith.addi %mul3A_131, %add3A_228 : i32
        %add3A_230 = arith.constant 0 : i32
        %add3A_231 = arith.addi %add3A_229, %add3A_230 : i32
        %lt3A = arith.constant 128 : i32
        %lt3A_232 = arith.cmpi slt, %add3A_231, %lt3A : i32
        %convert_element_type3A_233 = arith.extui %lt3A_232 : i1 to i32
        %cond3A_234 = arith.constant 0 : i32
        %cond3A_235 = arith.cmpi ne, %convert_element_type3A_233, %cond3A_234 : i32
        scf.if %cond3A_235 {
          %sub3A = arith.constant 4 : i32
          %sub3A_263 = arith.subi %add3A_231, %sub3A : i32
          %dma_wait3A_264 = arith.constant 0 : i32
          %dma_wait3A_265 = arith.constant 0 : i32
          %dma_wait3A_266 = tpu.memref_slice %arg9[%cond3A_20, %dma_wait3A_264, %dma_wait3A_265] : memref<4x128x64xf32, #tpu.memory_space<vmem>> -> memref<1x128x64xf32, #tpu.memory_space<vmem>>
          %dma_wait3A_267 = tpu.memref_squeeze %dma_wait3A_266 : memref<1x128x64xf32, #tpu.memory_space<vmem>> -> memref<128x64xf32, #tpu.memory_space<vmem>>
          %dma_wait3A_268 = arith.constant 0 : i32
          %dma_wait3A_269 = tpu.memref_slice %arg8[%sub3A_263, %dma_wait3A_268] : memref<128x128xi32, #tpu.memory_space<vmem>> -> memref<1x128xi32, #tpu.memory_space<vmem>>
          %dma_wait3A_270 = tpu.memref_squeeze %dma_wait3A_269 : memref<1x128xi32, #tpu.memory_space<vmem>> -> memref<128xi32, #tpu.memory_space<vmem>>
          %dma_wait3A_271 = arith.constant 0 : i32
          %dma_wait3A_272 = arith.constant 0 : i32
          %dma_wait3A_273 = tpu.memref_slice %arg18[%dma_wait3A_271, %dma_wait3A_272] : memref<10240x64xf32, #tpu.memory_space<vmem_shared>> -> memref<10240x64xf32, #tpu.memory_space<vmem_shared>>
          tpu.wait_indirect_dma semaphore(%arg14 : memref<!tpu.dma_semaphore, #tpu.memory_space<semaphore_mem>>) src(%dma_wait3A_267 : memref<128x64xf32, #tpu.memory_space<vmem>>) dst(%dma_wait3A_273 : memref<10240x64xf32, #tpu.memory_space<vmem_shared>>)
          %dma_start3A_274 = arith.constant 0 : i32
          %dma_start3A_275 = arith.constant 0 : i32
          %dma_start3A_276 = tpu.memref_slice %arg9[%cond3A_20, %dma_start3A_274, %dma_start3A_275] : memref<4x128x64xf32, #tpu.memory_space<vmem>> -> memref<1x128x64xf32, #tpu.memory_space<vmem>>
          %dma_start3A_277 = tpu.memref_squeeze %dma_start3A_276 : memref<1x128x64xf32, #tpu.memory_space<vmem>> -> memref<128x64xf32, #tpu.memory_space<vmem>>
          %dma_start3A_278 = arith.constant 0 : i32
          %dma_start3A_279 = tpu.memref_slice %arg7[%add3A_231, %dma_start3A_278] : memref<128x128xi32, #tpu.memory_space<vmem>> -> memref<1x128xi32, #tpu.memory_space<vmem>>
          %dma_start3A_280 = tpu.memref_squeeze %dma_start3A_279 : memref<1x128xi32, #tpu.memory_space<vmem>> -> memref<128xi32, #tpu.memory_space<vmem>>
          %dma_start3A_281 = arith.constant 0 : i32
          %dma_start3A_282 = arith.constant 0 : i32
          %dma_start3A_283 = tpu.memref_slice %arg2[%dma_start3A_281, %dma_start3A_282] : memref<10240x64xf32, #tpu.memory_space<hbm>> -> memref<10240x64xf32, #tpu.memory_space<hbm>>
          tpu.enqueue_indirect_dma source(%dma_start3A_283 : memref<10240x64xf32, #tpu.memory_space<hbm>>) target(%dma_start3A_277 : memref<128x64xf32, #tpu.memory_space<vmem>>) offsets(%dma_start3A_280 : memref<128xi32, #tpu.memory_space<vmem>>) semaphore(%arg10 : memref<!tpu.dma_semaphore, #tpu.memory_space<semaphore_mem>>)
        } else {
        }
        %add3A_236 = arith.constant 4 : i32
        %add3A_237 = arith.addi %mul3A_131, %add3A_236 : i32
        %add3A_238 = arith.constant 1 : i32
        %add3A_239 = arith.addi %add3A_237, %add3A_238 : i32
        %lt3A_240 = arith.constant 128 : i32
        %lt3A_241 = arith.cmpi slt, %add3A_239, %lt3A_240 : i32
        %convert_element_type3A_242 = arith.extui %lt3A_241 : i1 to i32
        %cond3A_243 = arith.constant 0 : i32
        %cond3A_244 = arith.cmpi ne, %convert_element_type3A_242, %cond3A_243 : i32
        scf.if %cond3A_244 {
          %sub3A = arith.constant 4 : i32
          %sub3A_263 = arith.subi %add3A_239, %sub3A : i32
          %dma_wait3A_264 = arith.constant 0 : i32
          %dma_wait3A_265 = arith.constant 0 : i32
          %dma_wait3A_266 = tpu.memref_slice %arg9[%cond3A_21, %dma_wait3A_264, %dma_wait3A_265] : memref<4x128x64xf32, #tpu.memory_space<vmem>> -> memref<1x128x64xf32, #tpu.memory_space<vmem>>
          %dma_wait3A_267 = tpu.memref_squeeze %dma_wait3A_266 : memref<1x128x64xf32, #tpu.memory_space<vmem>> -> memref<128x64xf32, #tpu.memory_space<vmem>>
          %dma_wait3A_268 = arith.constant 0 : i32
          %dma_wait3A_269 = tpu.memref_slice %arg8[%sub3A_263, %dma_wait3A_268] : memref<128x128xi32, #tpu.memory_space<vmem>> -> memref<1x128xi32, #tpu.memory_space<vmem>>
          %dma_wait3A_270 = tpu.memref_squeeze %dma_wait3A_269 : memref<1x128xi32, #tpu.memory_space<vmem>> -> memref<128xi32, #tpu.memory_space<vmem>>
          %dma_wait3A_271 = arith.constant 0 : i32
          %dma_wait3A_272 = arith.constant 0 : i32
          %dma_wait3A_273 = tpu.memref_slice %arg18[%dma_wait3A_271, %dma_wait3A_272] : memref<10240x64xf32, #tpu.memory_space<vmem_shared>> -> memref<10240x64xf32, #tpu.memory_space<vmem_shared>>
          tpu.wait_indirect_dma semaphore(%arg15 : memref<!tpu.dma_semaphore, #tpu.memory_space<semaphore_mem>>) src(%dma_wait3A_267 : memref<128x64xf32, #tpu.memory_space<vmem>>) dst(%dma_wait3A_273 : memref<10240x64xf32, #tpu.memory_space<vmem_shared>>)
          %dma_start3A_274 = arith.constant 0 : i32
          %dma_start3A_275 = arith.constant 0 : i32
          %dma_start3A_276 = tpu.memref_slice %arg9[%cond3A_21, %dma_start3A_274, %dma_start3A_275] : memref<4x128x64xf32, #tpu.memory_space<vmem>> -> memref<1x128x64xf32, #tpu.memory_space<vmem>>
          %dma_start3A_277 = tpu.memref_squeeze %dma_start3A_276 : memref<1x128x64xf32, #tpu.memory_space<vmem>> -> memref<128x64xf32, #tpu.memory_space<vmem>>
          %dma_start3A_278 = arith.constant 0 : i32
          %dma_start3A_279 = tpu.memref_slice %arg7[%add3A_239, %dma_start3A_278] : memref<128x128xi32, #tpu.memory_space<vmem>> -> memref<1x128xi32, #tpu.memory_space<vmem>>
          %dma_start3A_280 = tpu.memref_squeeze %dma_start3A_279 : memref<1x128xi32, #tpu.memory_space<vmem>> -> memref<128xi32, #tpu.memory_space<vmem>>
          %dma_start3A_281 = arith.constant 0 : i32
          %dma_start3A_282 = arith.constant 0 : i32
          %dma_start3A_283 = tpu.memref_slice %arg2[%dma_start3A_281, %dma_start3A_282] : memref<10240x64xf32, #tpu.memory_space<hbm>> -> memref<10240x64xf32, #tpu.memory_space<hbm>>
          tpu.enqueue_indirect_dma source(%dma_start3A_283 : memref<10240x64xf32, #tpu.memory_space<hbm>>) target(%dma_start3A_277 : memref<128x64xf32, #tpu.memory_space<vmem>>) offsets(%dma_start3A_280 : memref<128xi32, #tpu.memory_space<vmem>>) semaphore(%arg11 : memref<!tpu.dma_semaphore, #tpu.memory_space<semaphore_mem>>)
        } else {
        }
        %add3A_245 = arith.constant 4 : i32
        %add3A_246 = arith.addi %mul3A_131, %add3A_245 : i32
        %add3A_247 = arith.constant 2 : i32
        %add3A_248 = arith.addi %add3A_246, %add3A_247 : i32
        %lt3A_249 = arith.constant 128 : i32
        %lt3A_250 = arith.cmpi slt, %add3A_248, %lt3A_249 : i32
        %convert_element_type3A_251 = arith.extui %lt3A_250 : i1 to i32
        %cond3A_252 = arith.constant 0 : i32
        %cond3A_253 = arith.cmpi ne, %convert_element_type3A_251, %cond3A_252 : i32
        scf.if %cond3A_253 {
          %sub3A = arith.constant 4 : i32
          %sub3A_263 = arith.subi %add3A_248, %sub3A : i32
          %dma_wait3A_264 = arith.constant 0 : i32
          %dma_wait3A_265 = arith.constant 0 : i32
          %dma_wait3A_266 = tpu.memref_slice %arg9[%cond3A_22, %dma_wait3A_264, %dma_wait3A_265] : memref<4x128x64xf32, #tpu.memory_space<vmem>> -> memref<1x128x64xf32, #tpu.memory_space<vmem>>
          %dma_wait3A_267 = tpu.memref_squeeze %dma_wait3A_266 : memref<1x128x64xf32, #tpu.memory_space<vmem>> -> memref<128x64xf32, #tpu.memory_space<vmem>>
          %dma_wait3A_268 = arith.constant 0 : i32
          %dma_wait3A_269 = tpu.memref_slice %arg8[%sub3A_263, %dma_wait3A_268] : memref<128x128xi32, #tpu.memory_space<vmem>> -> memref<1x128xi32, #tpu.memory_space<vmem>>
          %dma_wait3A_270 = tpu.memref_squeeze %dma_wait3A_269 : memref<1x128xi32, #tpu.memory_space<vmem>> -> memref<128xi32, #tpu.memory_space<vmem>>
          %dma_wait3A_271 = arith.constant 0 : i32
          %dma_wait3A_272 = arith.constant 0 : i32
          %dma_wait3A_273 = tpu.memref_slice %arg18[%dma_wait3A_271, %dma_wait3A_272] : memref<10240x64xf32, #tpu.memory_space<vmem_shared>> -> memref<10240x64xf32, #tpu.memory_space<vmem_shared>>
          tpu.wait_indirect_dma semaphore(%arg16 : memref<!tpu.dma_semaphore, #tpu.memory_space<semaphore_mem>>) src(%dma_wait3A_267 : memref<128x64xf32, #tpu.memory_space<vmem>>) dst(%dma_wait3A_273 : memref<10240x64xf32, #tpu.memory_space<vmem_shared>>)
          %dma_start3A_274 = arith.constant 0 : i32
          %dma_start3A_275 = arith.constant 0 : i32
          %dma_start3A_276 = tpu.memref_slice %arg9[%cond3A_22, %dma_start3A_274, %dma_start3A_275] : memref<4x128x64xf32, #tpu.memory_space<vmem>> -> memref<1x128x64xf32, #tpu.memory_space<vmem>>
          %dma_start3A_277 = tpu.memref_squeeze %dma_start3A_276 : memref<1x128x64xf32, #tpu.memory_space<vmem>> -> memref<128x64xf32, #tpu.memory_space<vmem>>
          %dma_start3A_278 = arith.constant 0 : i32
          %dma_start3A_279 = tpu.memref_slice %arg7[%add3A_248, %dma_start3A_278] : memref<128x128xi32, #tpu.memory_space<vmem>> -> memref<1x128xi32, #tpu.memory_space<vmem>>
          %dma_start3A_280 = tpu.memref_squeeze %dma_start3A_279 : memref<1x128xi32, #tpu.memory_space<vmem>> -> memref<128xi32, #tpu.memory_space<vmem>>
          %dma_start3A_281 = arith.constant 0 : i32
          %dma_start3A_282 = arith.constant 0 : i32
          %dma_start3A_283 = tpu.memref_slice %arg2[%dma_start3A_281, %dma_start3A_282] : memref<10240x64xf32, #tpu.memory_space<hbm>> -> memref<10240x64xf32, #tpu.memory_space<hbm>>
          tpu.enqueue_indirect_dma source(%dma_start3A_283 : memref<10240x64xf32, #tpu.memory_space<hbm>>) target(%dma_start3A_277 : memref<128x64xf32, #tpu.memory_space<vmem>>) offsets(%dma_start3A_280 : memref<128xi32, #tpu.memory_space<vmem>>) semaphore(%arg12 : memref<!tpu.dma_semaphore, #tpu.memory_space<semaphore_mem>>)
        } else {
        }
        %add3A_254 = arith.constant 4 : i32
        %add3A_255 = arith.addi %mul3A_131, %add3A_254 : i32
        %add3A_256 = arith.constant 3 : i32
        %add3A_257 = arith.addi %add3A_255, %add3A_256 : i32
        %lt3A_258 = arith.constant 128 : i32
        %lt3A_259 = arith.cmpi slt, %add3A_257, %lt3A_258 : i32
        %convert_element_type3A_260 = arith.extui %lt3A_259 : i1 to i32
        %cond3A_261 = arith.constant 0 : i32
        %cond3A_262 = arith.cmpi ne, %convert_element_type3A_260, %cond3A_261 : i32
        scf.if %cond3A_262 {
          %sub3A = arith.constant 4 : i32
          %sub3A_263 = arith.subi %add3A_257, %sub3A : i32
          %dma_wait3A_264 = arith.constant 0 : i32
          %dma_wait3A_265 = arith.constant 0 : i32
          %dma_wait3A_266 = tpu.memref_slice %arg9[%cond3A_23, %dma_wait3A_264, %dma_wait3A_265] : memref<4x128x64xf32, #tpu.memory_space<vmem>> -> memref<1x128x64xf32, #tpu.memory_space<vmem>>
          %dma_wait3A_267 = tpu.memref_squeeze %dma_wait3A_266 : memref<1x128x64xf32, #tpu.memory_space<vmem>> -> memref<128x64xf32, #tpu.memory_space<vmem>>
          %dma_wait3A_268 = arith.constant 0 : i32
          %dma_wait3A_269 = tpu.memref_slice %arg8[%sub3A_263, %dma_wait3A_268] : memref<128x128xi32, #tpu.memory_space<vmem>> -> memref<1x128xi32, #tpu.memory_space<vmem>>
          %dma_wait3A_270 = tpu.memref_squeeze %dma_wait3A_269 : memref<1x128xi32, #tpu.memory_space<vmem>> -> memref<128xi32, #tpu.memory_space<vmem>>
          %dma_wait3A_271 = arith.constant 0 : i32
          %dma_wait3A_272 = arith.constant 0 : i32
          %dma_wait3A_273 = tpu.memref_slice %arg18[%dma_wait3A_271, %dma_wait3A_272] : memref<10240x64xf32, #tpu.memory_space<vmem_shared>> -> memref<10240x64xf32, #tpu.memory_space<vmem_shared>>
          tpu.wait_indirect_dma semaphore(%arg17 : memref<!tpu.dma_semaphore, #tpu.memory_space<semaphore_mem>>) src(%dma_wait3A_267 : memref<128x64xf32, #tpu.memory_space<vmem>>) dst(%dma_wait3A_273 : memref<10240x64xf32, #tpu.memory_space<vmem_shared>>)
          %dma_start3A_274 = arith.constant 0 : i32
          %dma_start3A_275 = arith.constant 0 : i32
          %dma_start3A_276 = tpu.memref_slice %arg9[%cond3A_23, %dma_start3A_274, %dma_start3A_275] : memref<4x128x64xf32, #tpu.memory_space<vmem>> -> memref<1x128x64xf32, #tpu.memory_space<vmem>>
          %dma_start3A_277 = tpu.memref_squeeze %dma_start3A_276 : memref<1x128x64xf32, #tpu.memory_space<vmem>> -> memref<128x64xf32, #tpu.memory_space<vmem>>
          %dma_start3A_278 = arith.constant 0 : i32
          %dma_start3A_279 = tpu.memref_slice %arg7[%add3A_257, %dma_start3A_278] : memref<128x128xi32, #tpu.memory_space<vmem>> -> memref<1x128xi32, #tpu.memory_space<vmem>>
          %dma_start3A_280 = tpu.memref_squeeze %dma_start3A_279 : memref<1x128xi32, #tpu.memory_space<vmem>> -> memref<128xi32, #tpu.memory_space<vmem>>
          %dma_start3A_281 = arith.constant 0 : i32
          %dma_start3A_282 = arith.constant 0 : i32
          %dma_start3A_283 = tpu.memref_slice %arg2[%dma_start3A_281, %dma_start3A_282] : memref<10240x64xf32, #tpu.memory_space<hbm>> -> memref<10240x64xf32, #tpu.memory_space<hbm>>
          tpu.enqueue_indirect_dma source(%dma_start3A_283 : memref<10240x64xf32, #tpu.memory_space<hbm>>) target(%dma_start3A_277 : memref<128x64xf32, #tpu.memory_space<vmem>>) offsets(%dma_start3A_280 : memref<128xi32, #tpu.memory_space<vmem>>) semaphore(%arg13 : memref<!tpu.dma_semaphore, #tpu.memory_space<semaphore_mem>>)
        } else {
        }
      }
      %scan3A_85 = arith.constant 32 : i32
      %dma_wait3A = arith.constant 0 : i32
      %dma_wait3A_86 = arith.constant 0 : i32
      %dma_wait3A_87 = arith.constant 0 : i32
      %dma_wait3A_88 = tpu.memref_slice %arg9[%cond3A_20, %dma_wait3A_86, %dma_wait3A_87] : memref<4x128x64xf32, #tpu.memory_space<vmem>> -> memref<1x128x64xf32, #tpu.memory_space<vmem>>
      %dma_wait3A_89 = tpu.memref_squeeze %dma_wait3A_88 : memref<1x128x64xf32, #tpu.memory_space<vmem>> -> memref<128x64xf32, #tpu.memory_space<vmem>>
      %dma_wait3A_90 = arith.constant 0 : i32
      %dma_wait3A_91 = tpu.memref_slice %arg8[%dma_wait3A, %dma_wait3A_90] : memref<128x128xi32, #tpu.memory_space<vmem>> -> memref<1x128xi32, #tpu.memory_space<vmem>>
      %dma_wait3A_92 = tpu.memref_squeeze %dma_wait3A_91 : memref<1x128xi32, #tpu.memory_space<vmem>> -> memref<128xi32, #tpu.memory_space<vmem>>
      %dma_wait3A_93 = arith.constant 0 : i32
      %dma_wait3A_94 = arith.constant 0 : i32
      %dma_wait3A_95 = tpu.memref_slice %arg18[%dma_wait3A_93, %dma_wait3A_94] : memref<10240x64xf32, #tpu.memory_space<vmem_shared>> -> memref<10240x64xf32, #tpu.memory_space<vmem_shared>>
      tpu.wait_indirect_dma semaphore(%arg14 : memref<!tpu.dma_semaphore, #tpu.memory_space<semaphore_mem>>) src(%dma_wait3A_89 : memref<128x64xf32, #tpu.memory_space<vmem>>) dst(%dma_wait3A_95 : memref<10240x64xf32, #tpu.memory_space<vmem_shared>>)
      %dma_wait3A_96 = arith.constant 0 : i32
      %dma_wait3A_97 = arith.constant 0 : i32
      %dma_wait3A_98 = arith.constant 0 : i32
      %dma_wait3A_99 = tpu.memref_slice %arg9[%cond3A_21, %dma_wait3A_97, %dma_wait3A_98] : memref<4x128x64xf32, #tpu.memory_space<vmem>> -> memref<1x128x64xf32, #tpu.memory_space<vmem>>
      %dma_wait3A_100 = tpu.memref_squeeze %dma_wait3A_99 : memref<1x128x64xf32, #tpu.memory_space<vmem>> -> memref<128x64xf32, #tpu.memory_space<vmem>>
      %dma_wait3A_101 = arith.constant 0 : i32
      %dma_wait3A_102 = tpu.memref_slice %arg8[%dma_wait3A_96, %dma_wait3A_101] : memref<128x128xi32, #tpu.memory_space<vmem>> -> memref<1x128xi32, #tpu.memory_space<vmem>>
      %dma_wait3A_103 = tpu.memref_squeeze %dma_wait3A_102 : memref<1x128xi32, #tpu.memory_space<vmem>> -> memref<128xi32, #tpu.memory_space<vmem>>
      %dma_wait3A_104 = arith.constant 0 : i32
      %dma_wait3A_105 = arith.constant 0 : i32
      %dma_wait3A_106 = tpu.memref_slice %arg18[%dma_wait3A_104, %dma_wait3A_105] : memref<10240x64xf32, #tpu.memory_space<vmem_shared>> -> memref<10240x64xf32, #tpu.memory_space<vmem_shared>>
      tpu.wait_indirect_dma semaphore(%arg15 : memref<!tpu.dma_semaphore, #tpu.memory_space<semaphore_mem>>) src(%dma_wait3A_100 : memref<128x64xf32, #tpu.memory_space<vmem>>) dst(%dma_wait3A_106 : memref<10240x64xf32, #tpu.memory_space<vmem_shared>>)
      %dma_wait3A_107 = arith.constant 0 : i32
      %dma_wait3A_108 = arith.constant 0 : i32
      %dma_wait3A_109 = arith.constant 0 : i32
      %dma_wait3A_110 = tpu.memref_slice %arg9[%cond3A_22, %dma_wait3A_108, %dma_wait3A_109] : memref<4x128x64xf32, #tpu.memory_space<vmem>> -> memref<1x128x64xf32, #tpu.memory_space<vmem>>
      %dma_wait3A_111 = tpu.memref_squeeze %dma_wait3A_110 : memref<1x128x64xf32, #tpu.memory_space<vmem>> -> memref<128x64xf32, #tpu.memory_space<vmem>>
      %dma_wait3A_112 = arith.constant 0 : i32
      %dma_wait3A_113 = tpu.memref_slice %arg8[%dma_wait3A_107, %dma_wait3A_112] : memref<128x128xi32, #tpu.memory_space<vmem>> -> memref<1x128xi32, #tpu.memory_space<vmem>>
      %dma_wait3A_114 = tpu.memref_squeeze %dma_wait3A_113 : memref<1x128xi32, #tpu.memory_space<vmem>> -> memref<128xi32, #tpu.memory_space<vmem>>
      %dma_wait3A_115 = arith.constant 0 : i32
      %dma_wait3A_116 = arith.constant 0 : i32
      %dma_wait3A_117 = tpu.memref_slice %arg18[%dma_wait3A_115, %dma_wait3A_116] : memref<10240x64xf32, #tpu.memory_space<vmem_shared>> -> memref<10240x64xf32, #tpu.memory_space<vmem_shared>>
      tpu.wait_indirect_dma semaphore(%arg16 : memref<!tpu.dma_semaphore, #tpu.memory_space<semaphore_mem>>) src(%dma_wait3A_111 : memref<128x64xf32, #tpu.memory_space<vmem>>) dst(%dma_wait3A_117 : memref<10240x64xf32, #tpu.memory_space<vmem_shared>>)
      %dma_wait3A_118 = arith.constant 0 : i32
      %dma_wait3A_119 = arith.constant 0 : i32
      %dma_wait3A_120 = arith.constant 0 : i32
      %dma_wait3A_121 = tpu.memref_slice %arg9[%cond3A_23, %dma_wait3A_119, %dma_wait3A_120] : memref<4x128x64xf32, #tpu.memory_space<vmem>> -> memref<1x128x64xf32, #tpu.memory_space<vmem>>
      %dma_wait3A_122 = tpu.memref_squeeze %dma_wait3A_121 : memref<1x128x64xf32, #tpu.memory_space<vmem>> -> memref<128x64xf32, #tpu.memory_space<vmem>>
      %dma_wait3A_123 = arith.constant 0 : i32
      %dma_wait3A_124 = tpu.memref_slice %arg8[%dma_wait3A_118, %dma_wait3A_123] : memref<128x128xi32, #tpu.memory_space<vmem>> -> memref<1x128xi32, #tpu.memory_space<vmem>>
      %dma_wait3A_125 = tpu.memref_squeeze %dma_wait3A_124 : memref<1x128xi32, #tpu.memory_space<vmem>> -> memref<128xi32, #tpu.memory_space<vmem>>
      %dma_wait3A_126 = arith.constant 0 : i32
      %dma_wait3A_127 = arith.constant 0 : i32
      %dma_wait3A_128 = tpu.memref_slice %arg18[%dma_wait3A_126, %dma_wait3A_127] : memref<10240x64xf32, #tpu.memory_space<vmem_shared>> -> memref<10240x64xf32, #tpu.memory_space<vmem_shared>>
      tpu.wait_indirect_dma semaphore(%arg17 : memref<!tpu.dma_semaphore, #tpu.memory_space<semaphore_mem>>) src(%dma_wait3A_122 : memref<128x64xf32, #tpu.memory_space<vmem>>) dst(%dma_wait3A_128 : memref<10240x64xf32, #tpu.memory_space<vmem_shared>>)
    } else {
    }
    %eq3A_26 = arith.constant 1 : i32
    %eq3A_27 = arith.cmpi eq, %arg0, %eq3A_26 : i32
    %convert_element_type3A_28 = arith.extui %eq3A_27 : i1 to i32
    %cond3A_29 = arith.constant 0 : i32
    %cond3A_30 = arith.constant 1 : i32
    %cond3A_31 = arith.constant 0 : i32
    %cond3A_32 = arith.cmpi ne, %convert_element_type3A_28, %cond3A_31 : i32
    scf.if %cond3A_32 {
      %dma_start3A = arith.constant 0 : i32
      %dma_start3A_38 = arith.constant 0 : i32
      %dma_start3A_39 = arith.constant 0 : i32
      %dma_start3A_40 = tpu.memref_slice %arg9[%cond3A_29, %dma_start3A_38, %dma_start3A_39] : memref<4x128x64xf32, #tpu.memory_space<vmem>> -> memref<1x128x64xf32, #tpu.memory_space<vmem>>
      %dma_start3A_41 = tpu.memref_squeeze %dma_start3A_40 : memref<1x128x64xf32, #tpu.memory_space<vmem>> -> memref<128x64xf32, #tpu.memory_space<vmem>>
      %dma_start3A_42 = arith.constant 0 : i32
      %dma_start3A_43 = tpu.memref_slice %arg7[%dma_start3A, %dma_start3A_42] : memref<128x128xi32, #tpu.memory_space<vmem>> -> memref<1x128xi32, #tpu.memory_space<vmem>>
      %dma_start3A_44 = tpu.memref_squeeze %dma_start3A_43 : memref<1x128xi32, #tpu.memory_space<vmem>> -> memref<128xi32, #tpu.memory_space<vmem>>
      %dma_start3A_45 = arith.constant 0 : i32
      %dma_start3A_46 = arith.constant 0 : i32
      %dma_start3A_47 = tpu.memref_slice %arg2[%dma_start3A_45, %dma_start3A_46] : memref<10240x64xf32, #tpu.memory_space<hbm>> -> memref<10240x64xf32, #tpu.memory_space<hbm>>
      tpu.enqueue_indirect_dma source(%dma_start3A_47 : memref<10240x64xf32, #tpu.memory_space<hbm>>) target(%dma_start3A_41 : memref<128x64xf32, #tpu.memory_space<vmem>>) offsets(%dma_start3A_44 : memref<128xi32, #tpu.memory_space<vmem>>) semaphore(%arg10 : memref<!tpu.dma_semaphore, #tpu.memory_space<semaphore_mem>>)
      %scan3A = arith.constant 0 : i32
      %scan3A_48 = arith.constant 0 : i32
      %scan3A_49 = arith.constant 16 : i32
      %scan3A_50 = arith.addi %scan3A_48, %scan3A_49 : i32
      %scan3A_51 = arith.constant 1 : i32
      scf.for %scan3A_53 = %scan3A_48 to %scan3A_50 step %scan3A_51  : i32 {
        %mul3A_54 = arith.constant 2 : i32
        %mul3A_55 = arith.muli %mul3A_54, %scan3A_53 : i32
        %add3A_56 = arith.constant 1 : i32
        %add3A_57 = arith.addi %mul3A_55, %add3A_56 : i32
        %dma_start3A_58 = arith.constant 0 : i32
        %dma_start3A_59 = arith.constant 0 : i32
        %dma_start3A_60 = tpu.memref_slice %arg9[%cond3A_30, %dma_start3A_58, %dma_start3A_59] : memref<4x128x64xf32, #tpu.memory_space<vmem>> -> memref<1x128x64xf32, #tpu.memory_space<vmem>>
        %dma_start3A_61 = tpu.memref_squeeze %dma_start3A_60 : memref<1x128x64xf32, #tpu.memory_space<vmem>> -> memref<128x64xf32, #tpu.memory_space<vmem>>
        %dma_start3A_62 = arith.constant 0 : i32
        %dma_start3A_63 = tpu.memref_slice %arg7[%add3A_57, %dma_start3A_62] : memref<128x128xi32, #tpu.memory_space<vmem>> -> memref<1x128xi32, #tpu.memory_space<vmem>>
        %dma_start3A_64 = tpu.memref_squeeze %dma_start3A_63 : memref<1x128xi32, #tpu.memory_space<vmem>> -> memref<128xi32, #tpu.memory_space<vmem>>
        %dma_start3A_65 = arith.constant 0 : i32
        %dma_start3A_66 = arith.constant 0 : i32
        %dma_start3A_67 = tpu.memref_slice %arg2[%dma_start3A_65, %dma_start3A_66] : memref<10240x64xf32, #tpu.memory_space<hbm>> -> memref<10240x64xf32, #tpu.memory_space<hbm>>
        tpu.enqueue_indirect_dma source(%dma_start3A_67 : memref<10240x64xf32, #tpu.memory_space<hbm>>) target(%dma_start3A_61 : memref<128x64xf32, #tpu.memory_space<vmem>>) offsets(%dma_start3A_64 : memref<128xi32, #tpu.memory_space<vmem>>) semaphore(%arg11 : memref<!tpu.dma_semaphore, #tpu.memory_space<semaphore_mem>>)
        %dma_wait3A = arith.constant 0 : i32
        %dma_wait3A_68 = arith.constant 0 : i32
        %dma_wait3A_69 = tpu.memref_slice %arg9[%cond3A_29, %dma_wait3A, %dma_wait3A_68] : memref<4x128x64xf32, #tpu.memory_space<vmem>> -> memref<1x128x64xf32, #tpu.memory_space<vmem>>
        %dma_wait3A_70 = tpu.memref_squeeze %dma_wait3A_69 : memref<1x128x64xf32, #tpu.memory_space<vmem>> -> memref<128x64xf32, #tpu.memory_space<vmem>>
        %dma_wait3A_71 = arith.constant 0 : i32
        %dma_wait3A_72 = tpu.memref_slice %arg7[%mul3A_55, %dma_wait3A_71] : memref<128x128xi32, #tpu.memory_space<vmem>> -> memref<1x128xi32, #tpu.memory_space<vmem>>
        %dma_wait3A_73 = tpu.memref_squeeze %dma_wait3A_72 : memref<1x128xi32, #tpu.memory_space<vmem>> -> memref<128xi32, #tpu.memory_space<vmem>>
        %dma_wait3A_74 = arith.constant 0 : i32
        %dma_wait3A_75 = arith.constant 0 : i32
        %dma_wait3A_76 = tpu.memref_slice %arg2[%dma_wait3A_74, %dma_wait3A_75] : memref<10240x64xf32, #tpu.memory_space<hbm>> -> memref<10240x64xf32, #tpu.memory_space<hbm>>
        tpu.wait_indirect_dma semaphore(%arg10 : memref<!tpu.dma_semaphore, #tpu.memory_space<semaphore_mem>>) src(%dma_wait3A_76 : memref<10240x64xf32, #tpu.memory_space<hbm>>) dst(%dma_wait3A_70 : memref<128x64xf32, #tpu.memory_space<vmem>>)
        "tpu.region"() ({
          %run_scoped3A = tpu.sem_alloc : memref<!tpu.dma_semaphore, #tpu.memory_space<semaphore_mem>>
          %dma_start3A_97 = arith.constant 0 : i32
          %dma_start3A_98 = arith.constant 0 : i32
          %dma_start3A_99 = tpu.memref_slice %arg9[%cond3A_29, %dma_start3A_97, %dma_start3A_98] : memref<4x128x64xf32, #tpu.memory_space<vmem>> -> memref<1x128x64xf32, #tpu.memory_space<vmem>>
          %dma_start3A_100 = tpu.memref_squeeze %dma_start3A_99 : memref<1x128x64xf32, #tpu.memory_space<vmem>> -> memref<128x64xf32, #tpu.memory_space<vmem>>
          %dma_start3A_101 = arith.constant 0 : i32
          %dma_start3A_102 = tpu.memref_slice %arg8[%mul3A_55, %dma_start3A_101] : memref<128x128xi32, #tpu.memory_space<vmem>> -> memref<1x128xi32, #tpu.memory_space<vmem>>
          %dma_start3A_103 = tpu.memref_squeeze %dma_start3A_102 : memref<1x128xi32, #tpu.memory_space<vmem>> -> memref<128xi32, #tpu.memory_space<vmem>>
          %dma_start3A_104 = arith.constant 0 : i32
          %dma_start3A_105 = arith.constant 0 : i32
          %dma_start3A_106 = tpu.memref_slice %arg18[%dma_start3A_104, %dma_start3A_105] : memref<10240x64xf32, #tpu.memory_space<vmem_shared>> -> memref<10240x64xf32, #tpu.memory_space<vmem_shared>>
          tpu.enqueue_indirect_dma source(%dma_start3A_100 : memref<128x64xf32, #tpu.memory_space<vmem>>) target(%dma_start3A_106 : memref<10240x64xf32, #tpu.memory_space<vmem_shared>>) offsets(%dma_start3A_103 : memref<128xi32, #tpu.memory_space<vmem>>) semaphore(%run_scoped3A : memref<!tpu.dma_semaphore, #tpu.memory_space<semaphore_mem>>) {add = true}
          %dma_wait3A_107 = arith.constant 0 : i32
          %dma_wait3A_108 = arith.constant 0 : i32
          %dma_wait3A_109 = tpu.memref_slice %arg9[%cond3A_29, %dma_wait3A_107, %dma_wait3A_108] : memref<4x128x64xf32, #tpu.memory_space<vmem>> -> memref<1x128x64xf32, #tpu.memory_space<vmem>>
          %dma_wait3A_110 = tpu.memref_squeeze %dma_wait3A_109 : memref<1x128x64xf32, #tpu.memory_space<vmem>> -> memref<128x64xf32, #tpu.memory_space<vmem>>
          %dma_wait3A_111 = arith.constant 0 : i32
          %dma_wait3A_112 = tpu.memref_slice %arg8[%mul3A_55, %dma_wait3A_111] : memref<128x128xi32, #tpu.memory_space<vmem>> -> memref<1x128xi32, #tpu.memory_space<vmem>>
          %dma_wait3A_113 = tpu.memref_squeeze %dma_wait3A_112 : memref<1x128xi32, #tpu.memory_space<vmem>> -> memref<128xi32, #tpu.memory_space<vmem>>
          %dma_wait3A_114 = arith.constant 0 : i32
          %dma_wait3A_115 = arith.constant 0 : i32
          %dma_wait3A_116 = tpu.memref_slice %arg18[%dma_wait3A_114, %dma_wait3A_115] : memref<10240x64xf32, #tpu.memory_space<vmem_shared>> -> memref<10240x64xf32, #tpu.memory_space<vmem_shared>>
          tpu.wait_indirect_dma semaphore(%run_scoped3A : memref<!tpu.dma_semaphore, #tpu.memory_space<semaphore_mem>>) src(%dma_wait3A_110 : memref<128x64xf32, #tpu.memory_space<vmem>>) dst(%dma_wait3A_116 : memref<10240x64xf32, #tpu.memory_space<vmem_shared>>)
          tpu.yield
        }) : () -> ()
        %add3A_77 = arith.constant 2 : i32
        %add3A_78 = arith.addi %mul3A_55, %add3A_77 : i32
        %lt3A = arith.constant 32 : i32
        %lt3A_79 = arith.cmpi slt, %add3A_78, %lt3A : i32
        %convert_element_type3A_80 = arith.extui %lt3A_79 : i1 to i32
        %cond3A_81 = arith.constant 0 : i32
        %cond3A_82 = arith.cmpi ne, %convert_element_type3A_80, %cond3A_81 : i32
        scf.if %cond3A_82 {
          %add3A_97 = arith.constant 2 : i32
          %add3A_98 = arith.addi %mul3A_55, %add3A_97 : i32
          %dma_start3A_99 = arith.constant 0 : i32
          %dma_start3A_100 = arith.constant 0 : i32
          %dma_start3A_101 = tpu.memref_slice %arg9[%cond3A_29, %dma_start3A_99, %dma_start3A_100] : memref<4x128x64xf32, #tpu.memory_space<vmem>> -> memref<1x128x64xf32, #tpu.memory_space<vmem>>
          %dma_start3A_102 = tpu.memref_squeeze %dma_start3A_101 : memref<1x128x64xf32, #tpu.memory_space<vmem>> -> memref<128x64xf32, #tpu.memory_space<vmem>>
          %dma_start3A_103 = arith.constant 0 : i32
          %dma_start3A_104 = tpu.memref_slice %arg7[%add3A_98, %dma_start3A_103] : memref<128x128xi32, #tpu.memory_space<vmem>> -> memref<1x128xi32, #tpu.memory_space<vmem>>
          %dma_start3A_105 = tpu.memref_squeeze %dma_start3A_104 : memref<1x128xi32, #tpu.memory_space<vmem>> -> memref<128xi32, #tpu.memory_space<vmem>>
          %dma_start3A_106 = arith.constant 0 : i32
          %dma_start3A_107 = arith.constant 0 : i32
          %dma_start3A_108 = tpu.memref_slice %arg2[%dma_start3A_106, %dma_start3A_107] : memref<10240x64xf32, #tpu.memory_space<hbm>> -> memref<10240x64xf32, #tpu.memory_space<hbm>>
          tpu.enqueue_indirect_dma source(%dma_start3A_108 : memref<10240x64xf32, #tpu.memory_space<hbm>>) target(%dma_start3A_102 : memref<128x64xf32, #tpu.memory_space<vmem>>) offsets(%dma_start3A_105 : memref<128xi32, #tpu.memory_space<vmem>>) semaphore(%arg10 : memref<!tpu.dma_semaphore, #tpu.memory_space<semaphore_mem>>)
        } else {
        }
        %add3A_83 = arith.constant 1 : i32
        %add3A_84 = arith.addi %mul3A_55, %add3A_83 : i32
        %dma_wait3A_85 = arith.constant 0 : i32
        %dma_wait3A_86 = arith.constant 0 : i32
        %dma_wait3A_87 = tpu.memref_slice %arg9[%cond3A_30, %dma_wait3A_85, %dma_wait3A_86] : memref<4x128x64xf32, #tpu.memory_space<vmem>> -> memref<1x128x64xf32, #tpu.memory_space<vmem>>
        %dma_wait3A_88 = tpu.memref_squeeze %dma_wait3A_87 : memref<1x128x64xf32, #tpu.memory_space<vmem>> -> memref<128x64xf32, #tpu.memory_space<vmem>>
        %dma_wait3A_89 = arith.constant 0 : i32
        %dma_wait3A_90 = tpu.memref_slice %arg7[%add3A_84, %dma_wait3A_89] : memref<128x128xi32, #tpu.memory_space<vmem>> -> memref<1x128xi32, #tpu.memory_space<vmem>>
        %dma_wait3A_91 = tpu.memref_squeeze %dma_wait3A_90 : memref<1x128xi32, #tpu.memory_space<vmem>> -> memref<128xi32, #tpu.memory_space<vmem>>
        %dma_wait3A_92 = arith.constant 0 : i32
        %dma_wait3A_93 = arith.constant 0 : i32
        %dma_wait3A_94 = tpu.memref_slice %arg2[%dma_wait3A_92, %dma_wait3A_93] : memref<10240x64xf32, #tpu.memory_space<hbm>> -> memref<10240x64xf32, #tpu.memory_space<hbm>>
        tpu.wait_indirect_dma semaphore(%arg11 : memref<!tpu.dma_semaphore, #tpu.memory_space<semaphore_mem>>) src(%dma_wait3A_94 : memref<10240x64xf32, #tpu.memory_space<hbm>>) dst(%dma_wait3A_88 : memref<128x64xf32, #tpu.memory_space<vmem>>)
        %add3A_95 = arith.constant 1 : i32
        %add3A_96 = arith.addi %mul3A_55, %add3A_95 : i32
        "tpu.region"() ({
          %run_scoped3A = tpu.sem_alloc : memref<!tpu.dma_semaphore, #tpu.memory_space<semaphore_mem>>
          %dma_start3A_97 = arith.constant 0 : i32
          %dma_start3A_98 = arith.constant 0 : i32
          %dma_start3A_99 = tpu.memref_slice %arg9[%cond3A_30, %dma_start3A_97, %dma_start3A_98] : memref<4x128x64xf32, #tpu.memory_space<vmem>> -> memref<1x128x64xf32, #tpu.memory_space<vmem>>
          %dma_start3A_100 = tpu.memref_squeeze %dma_start3A_99 : memref<1x128x64xf32, #tpu.memory_space<vmem>> -> memref<128x64xf32, #tpu.memory_space<vmem>>
          %dma_start3A_101 = arith.constant 0 : i32
          %dma_start3A_102 = tpu.memref_slice %arg8[%add3A_96, %dma_start3A_101] : memref<128x128xi32, #tpu.memory_space<vmem>> -> memref<1x128xi32, #tpu.memory_space<vmem>>
          %dma_start3A_103 = tpu.memref_squeeze %dma_start3A_102 : memref<1x128xi32, #tpu.memory_space<vmem>> -> memref<128xi32, #tpu.memory_space<vmem>>
          %dma_start3A_104 = arith.constant 0 : i32
          %dma_start3A_105 = arith.constant 0 : i32
          %dma_start3A_106 = tpu.memref_slice %arg18[%dma_start3A_104, %dma_start3A_105] : memref<10240x64xf32, #tpu.memory_space<vmem_shared>> -> memref<10240x64xf32, #tpu.memory_space<vmem_shared>>
          tpu.enqueue_indirect_dma source(%dma_start3A_100 : memref<128x64xf32, #tpu.memory_space<vmem>>) target(%dma_start3A_106 : memref<10240x64xf32, #tpu.memory_space<vmem_shared>>) offsets(%dma_start3A_103 : memref<128xi32, #tpu.memory_space<vmem>>) semaphore(%run_scoped3A : memref<!tpu.dma_semaphore, #tpu.memory_space<semaphore_mem>>) {add = true}
          %dma_wait3A_107 = arith.constant 0 : i32
          %dma_wait3A_108 = arith.constant 0 : i32
          %dma_wait3A_109 = tpu.memref_slice %arg9[%cond3A_30, %dma_wait3A_107, %dma_wait3A_108] : memref<4x128x64xf32, #tpu.memory_space<vmem>> -> memref<1x128x64xf32, #tpu.memory_space<vmem>>
          %dma_wait3A_110 = tpu.memref_squeeze %dma_wait3A_109 : memref<1x128x64xf32, #tpu.memory_space<vmem>> -> memref<128x64xf32, #tpu.memory_space<vmem>>
          %dma_wait3A_111 = arith.constant 0 : i32
          %dma_wait3A_112 = tpu.memref_slice %arg8[%add3A_96, %dma_wait3A_111] : memref<128x128xi32, #tpu.memory_space<vmem>> -> memref<1x128xi32, #tpu.memory_space<vmem>>
          %dma_wait3A_113 = tpu.memref_squeeze %dma_wait3A_112 : memref<1x128xi32, #tpu.memory_space<vmem>> -> memref<128xi32, #tpu.memory_space<vmem>>
          %dma_wait3A_114 = arith.constant 0 : i32
          %dma_wait3A_115 = arith.constant 0 : i32
          %dma_wait3A_116 = tpu.memref_slice %arg18[%dma_wait3A_114, %dma_wait3A_115] : memref<10240x64xf32, #tpu.memory_space<vmem_shared>> -> memref<10240x64xf32, #tpu.memory_space<vmem_shared>>
          tpu.wait_indirect_dma semaphore(%run_scoped3A : memref<!tpu.dma_semaphore, #tpu.memory_space<semaphore_mem>>) src(%dma_wait3A_110 : memref<128x64xf32, #tpu.memory_space<vmem>>) dst(%dma_wait3A_116 : memref<10240x64xf32, #tpu.memory_space<vmem_shared>>)
          tpu.yield
        }) : () -> ()
      }
      %scan3A_52 = arith.constant 16 : i32
    } else {
    }
    %barrier3A_33 = arith.constant 0 : index
    tpu.barrier barrier_id(%barrier3A_33)
    %mul3A_34 = arith.constant 640 : i32
    %mul3A_35 = arith.muli %arg1, %mul3A_34 : i32
    %mul3A_36 = arith.constant 640 : i32
    %mul3A_37 = arith.muli %arg1, %mul3A_36 : i32
    "tpu.region"() ({
      %run_scoped3A = tpu.sem_alloc : memref<!tpu.dma_semaphore, #tpu.memory_space<semaphore_mem>>
      %dma_start3A = arith.constant 0 : i32
      %dma_start3A_38 = tpu.memref_slice %arg6[%arg0, %mul3A_37, %dma_start3A] : memref<2x10240x64xf32, #tpu.memory_space<hbm>> -> memref<1x640x64xf32, #tpu.memory_space<hbm>>
      %dma_start3A_39 = tpu.memref_squeeze %dma_start3A_38 : memref<1x640x64xf32, #tpu.memory_space<hbm>> -> memref<640x64xf32, #tpu.memory_space<hbm>>
      %dma_start3A_40 = arith.constant 0 : i32
      %dma_start3A_41 = tpu.memref_slice %arg18[%mul3A_35, %dma_start3A_40] : memref<10240x64xf32, #tpu.memory_space<vmem_shared>> -> memref<640x64xf32, #tpu.memory_space<vmem_shared>>
      tpu.enqueue_dma source(%dma_start3A_41 : memref<640x64xf32, #tpu.memory_space<vmem_shared>>) target(%dma_start3A_39 : memref<640x64xf32, #tpu.memory_space<hbm>>) target_semaphore(%run_scoped3A : memref<!tpu.dma_semaphore, #tpu.memory_space<semaphore_mem>>)
      %dma_wait3A = arith.constant 0 : i32
      %dma_wait3A_42 = tpu.memref_slice %arg6[%arg0, %mul3A_37, %dma_wait3A] : memref<2x10240x64xf32, #tpu.memory_space<hbm>> -> memref<1x640x64xf32, #tpu.memory_space<hbm>>
      %dma_wait3A_43 = tpu.memref_squeeze %dma_wait3A_42 : memref<1x640x64xf32, #tpu.memory_space<hbm>> -> memref<640x64xf32, #tpu.memory_space<hbm>>
      %dma_wait3A_44 = arith.constant 0 : i32
      %dma_wait3A_45 = tpu.memref_slice %arg18[%mul3A_35, %dma_wait3A_44] : memref<10240x64xf32, #tpu.memory_space<vmem_shared>> -> memref<640x64xf32, #tpu.memory_space<vmem_shared>>
      tpu.wait_dma2 semaphore(%run_scoped3A : memref<!tpu.dma_semaphore, #tpu.memory_space<semaphore_mem>>) src(%dma_wait3A_45 : memref<640x64xf32, #tpu.memory_space<vmem_shared>>) dst(%dma_wait3A_43 : memref<640x64xf32, #tpu.memory_space<hbm>>)
      tpu.yield
    }) : () -> ()
    return
  }
}

module attributes {stable_mosaic.version = 14 : i64} {
  func.func @_scale_body(%arg0: i32, %arg1: memref<2x640x8xf32, #tpu.memory_space<vmem>>, %arg2: memref<640x128xf32, #tpu.memory_space<vmem>>, %arg3: memref<128x64xf32, #tpu.memory_space<vmem>>, %arg4: memref<640x64xf32, #tpu.memory_space<vmem>>, %arg5: memref<640x64xf32, #tpu.memory_space<vmem>>) attributes {dimension_semantics = [#tpu.dimension_semantics<arbitrary>], iteration_bounds = array<i64: 16>, scalar_prefetch = 0 : i64, scratch_operands = 0 : i64, tpu.core_type = #tpu.core_type<tc>, window_params = [{transform_indices = @transform_0, window_bounds = array<i64: 2, 640, 8>}, {transform_indices = @transform_1, window_bounds = array<i64: 640, 128>}, {pipeline_mode = #tpu.pipeline_mode<synchronous>, transform_indices = @transform_2, window_bounds = array<i64: 128, 64>}, {transform_indices = @transform_3, window_bounds = array<i64: 640, 64>}, {transform_indices = @transform_4, window_bounds = array<i64: 640, 64>}]} {
    %get3A = arith.constant 0 : index
    %get3A_0 = arith.constant 0 : index
    %get3A_1 = arith.constant 0 : index
    %get3A_2 = vector.load %arg1[%get3A, %get3A_0, %get3A_1] : memref<2x640x8xf32, #tpu.memory_space<vmem>>, vector<1x640x1xf32>
    %get3A_3 = vector.shape_cast %get3A_2 : vector<1x640x1xf32> to vector<640x1xf32>
    %get3A_4 = arith.constant 1 : index
    %get3A_5 = arith.constant 0 : index
    %get3A_6 = arith.constant 0 : index
    %get3A_7 = vector.load %arg1[%get3A_4, %get3A_5, %get3A_6] : memref<2x640x8xf32, #tpu.memory_space<vmem>>, vector<1x640x1xf32>
    %get3A_8 = vector.shape_cast %get3A_7 : vector<1x640x1xf32> to vector<640x1xf32>
    %add3A = arith.addf %get3A_3, %get3A_8 : vector<640x1xf32>
    %add3A_9 = arith.constant 1.000000e+00 : f32
    %add3A_10 = vector.broadcast %add3A_9 : f32 to vector<640x1xf32>
    %add3A_11 = arith.addf %add3A, %add3A_10 : vector<640x1xf32>
    %rsqrt3A = math.rsqrt %add3A_11 : vector<640x1xf32>
    %get3A_12 = arith.constant 0 : index
    %get3A_13 = arith.constant 0 : index
    %get3A_14 = vector.load %arg2[%get3A_12, %get3A_13] : memref<640x128xf32, #tpu.memory_space<vmem>>, vector<640x128xf32>
    %get3A_15 = arith.constant 0 : index
    %get3A_16 = arith.constant 0 : index
    %get3A_17 = vector.load %arg3[%get3A_15, %get3A_16] : memref<128x64xf32, #tpu.memory_space<vmem>>, vector<128x64xf32>
    %dot_general3A = arith.constant dense<0.000000e+00> : vector<640x64xf32>
    %dot_general3A_18 = tpu.matmul %get3A_14, %get3A_17, %dot_general3A {dimension_numbers = #tpu.dot_dimension_numbers<[1], [0], [0], [1], [0, 0, 1, 1], [], []>, transpose_lhs_hint = false} : vector<640x128xf32>, vector<128x64xf32>, vector<640x64xf32> -> vector<640x64xf32>
    %mul3A = vector.broadcast %rsqrt3A : vector<640x1xf32> to vector<640x64xf32>
    %mul3A_19 = arith.mulf %dot_general3A_18, %mul3A : vector<640x64xf32>
    %swap3A = arith.constant 0 : index
    %swap3A_20 = arith.constant 0 : index
    %swap3A_21 = vector.load %arg4[%swap3A, %swap3A_20] : memref<640x64xf32, #tpu.memory_space<vmem>>, vector<640x64xf32>
    tpu.vector_store %arg4[%swap3A, %swap3A_20], %mul3A_19 {strides = array<i32>} : memref<640x64xf32, #tpu.memory_space<vmem>>, vector<640x64xf32>,
    %broadcast_in_dim3A = vector.shape_cast %rsqrt3A : vector<640x1xf32> to vector<640x1xf32>
    %broadcast_in_dim3A_22 = vector.broadcast %broadcast_in_dim3A : vector<640x1xf32> to vector<640x64xf32>
    %swap3A_23 = arith.constant 0 : index
    %swap3A_24 = arith.constant 0 : index
    %swap3A_25 = vector.load %arg5[%swap3A_23, %swap3A_24] : memref<640x64xf32, #tpu.memory_space<vmem>>, vector<640x64xf32>
    tpu.vector_store %arg5[%swap3A_23, %swap3A_24], %broadcast_in_dim3A_22 {strides = array<i32>} : memref<640x64xf32, #tpu.memory_space<vmem>>, vector<640x64xf32>,
    return
  }
  func.func @transform_0(%arg0: i32) -> (i32, i32, i32) {
    %c0_i32 = arith.constant 0 : i32
    %c0_i32_0 = arith.constant 0 : i32
    %c0_i32_1 = arith.constant 0 : i32
    return %c0_i32, %arg0, %c0_i32_0 : i32, i32, i32
  }
  func.func @transform_1(%arg0: i32) -> (i32, i32) {
    %c0_i32 = arith.constant 0 : i32
    %c0_i32_0 = arith.constant 0 : i32
    return %arg0, %c0_i32 : i32, i32
  }
  func.func @transform_2(%arg0: i32) -> (i32, i32) {
    %c0_i32 = arith.constant 0 : i32
    %c0_i32_0 = arith.constant 0 : i32
    %c0_i32_1 = arith.constant 0 : i32
    return %c0_i32, %c0_i32_0 : i32, i32
  }
  func.func @transform_3(%arg0: i32) -> (i32, i32) {
    %c0_i32 = arith.constant 0 : i32
    %c0_i32_0 = arith.constant 0 : i32
    return %arg0, %c0_i32 : i32, i32
  }
  func.func @transform_4(%arg0: i32) -> (i32, i32) {
    %c0_i32 = arith.constant 0 : i32
    %c0_i32_0 = arith.constant 0 : i32
    return %arg0, %c0_i32 : i32, i32
  }
}

module attributes {stable_mosaic.version = 14 : i64} {
  func.func @_combine_body(%arg0: i32, %arg1: memref<2x640x64xf32, #tpu.memory_space<vmem>>, %arg2: memref<640x64xf32, #tpu.memory_space<vmem>>, %arg3: memref<640x64xf32, #tpu.memory_space<vmem>>, %arg4: memref<640x64xf32, #tpu.memory_space<vmem>>) attributes {dimension_semantics = [#tpu.dimension_semantics<arbitrary>], iteration_bounds = array<i64: 16>, scalar_prefetch = 0 : i64, scratch_operands = 0 : i64, tpu.core_type = #tpu.core_type<tc>, window_params = [{transform_indices = @transform_0, window_bounds = array<i64: 2, 640, 64>}, {transform_indices = @transform_1, window_bounds = array<i64: 640, 64>}, {transform_indices = @transform_2, window_bounds = array<i64: 640, 64>}, {transform_indices = @transform_3, window_bounds = array<i64: 640, 64>}]} {
    %get3A = arith.constant 0 : index
    %get3A_0 = arith.constant 0 : index
    %get3A_1 = arith.constant 0 : index
    %get3A_2 = vector.load %arg1[%get3A, %get3A_0, %get3A_1] : memref<2x640x64xf32, #tpu.memory_space<vmem>>, vector<1x640x64xf32>
    %get3A_3 = vector.shape_cast %get3A_2 : vector<1x640x64xf32> to vector<640x64xf32>
    %get3A_4 = arith.constant 1 : index
    %get3A_5 = arith.constant 0 : index
    %get3A_6 = arith.constant 0 : index
    %get3A_7 = vector.load %arg1[%get3A_4, %get3A_5, %get3A_6] : memref<2x640x64xf32, #tpu.memory_space<vmem>>, vector<1x640x64xf32>
    %get3A_8 = vector.shape_cast %get3A_7 : vector<1x640x64xf32> to vector<640x64xf32>
    %add3A = arith.addf %get3A_3, %get3A_8 : vector<640x64xf32>
    %get3A_9 = arith.constant 0 : index
    %get3A_10 = arith.constant 0 : index
    %get3A_11 = vector.load %arg2[%get3A_9, %get3A_10] : memref<640x64xf32, #tpu.memory_space<vmem>>, vector<640x64xf32>
    %add3A_12 = arith.addf %add3A, %get3A_11 : vector<640x64xf32>
    %get3A_13 = arith.constant 0 : index
    %get3A_14 = arith.constant 0 : index
    %get3A_15 = vector.load %arg3[%get3A_13, %get3A_14] : memref<640x64xf32, #tpu.memory_space<vmem>>, vector<640x64xf32>
    %mul3A = arith.mulf %get3A_15, %get3A_15 : vector<640x64xf32>
    %mul3A_16 = arith.mulf %mul3A, %add3A_12 : vector<640x64xf32>
    %swap3A = arith.constant 0 : index
    %swap3A_17 = arith.constant 0 : index
    %swap3A_18 = vector.load %arg4[%swap3A, %swap3A_17] : memref<640x64xf32, #tpu.memory_space<vmem>>, vector<640x64xf32>
    tpu.vector_store %arg4[%swap3A, %swap3A_17], %mul3A_16 {strides = array<i32>} : memref<640x64xf32, #tpu.memory_space<vmem>>, vector<640x64xf32>,
    return
  }
  func.func @transform_0(%arg0: i32) -> (i32, i32, i32) {
    %c0_i32 = arith.constant 0 : i32
    %c0_i32_0 = arith.constant 0 : i32
    %c0_i32_1 = arith.constant 0 : i32
    return %c0_i32, %arg0, %c0_i32_0 : i32, i32, i32
  }
  func.func @transform_1(%arg0: i32) -> (i32, i32) {
    %c0_i32 = arith.constant 0 : i32
    %c0_i32_0 = arith.constant 0 : i32
    return %arg0, %c0_i32 : i32, i32
  }
  func.func @transform_2(%arg0: i32) -> (i32, i32) {
    %c0_i32 = arith.constant 0 : i32
    %c0_i32_0 = arith.constant 0 : i32
    return %arg0, %c0_i32 : i32, i32
  }
  func.func @transform_3(%arg0: i32) -> (i32, i32) {
    %c0_i32 = arith.constant 0 : i32
    %c0_i32_0 = arith.constant 0 : i32
    return %arg0, %c0_i32 : i32, i32
  }
}

module attributes {stable_mosaic.version = 14 : i64} {
  func.func @_final_body(%arg0: i32, %arg1: memref<2x400x64xf32, #tpu.memory_space<vmem>>, %arg2: memref<400x64xf32, #tpu.memory_space<vmem>>, %arg3: memref<400x64xf32, #tpu.memory_space<vmem>>, %arg4: memref<1x64xf32, #tpu.memory_space<vmem>>, %arg5: memref<400x64xf32, #tpu.memory_space<vmem>>) attributes {dimension_semantics = [#tpu.dimension_semantics<arbitrary>], iteration_bounds = array<i64: 25>, scalar_prefetch = 0 : i64, scratch_operands = 0 : i64, tpu.core_type = #tpu.core_type<tc>, window_params = [{transform_indices = @transform_0, window_bounds = array<i64: 2, 400, 64>}, {transform_indices = @transform_1, window_bounds = array<i64: 400, 64>}, {transform_indices = @transform_2, window_bounds = array<i64: 400, 64>}, {pipeline_mode = #tpu.pipeline_mode<synchronous>, transform_indices = @transform_3, window_bounds = array<i64: 1, 64>}, {transform_indices = @transform_4, window_bounds = array<i64: 400, 64>}]} {
    %get3A = arith.constant 0 : index
    %get3A_0 = arith.constant 0 : index
    %get3A_1 = vector.load %arg3[%get3A, %get3A_0] : memref<400x64xf32, #tpu.memory_space<vmem>>, vector<400x64xf32>
    %get3A_2 = arith.constant 0 : index
    %get3A_3 = arith.constant 0 : index
    %get3A_4 = arith.constant 0 : index
    %get3A_5 = vector.load %arg1[%get3A_2, %get3A_3, %get3A_4] : memref<2x400x64xf32, #tpu.memory_space<vmem>>, vector<1x400x64xf32>
    %get3A_6 = vector.shape_cast %get3A_5 : vector<1x400x64xf32> to vector<400x64xf32>
    %get3A_7 = arith.constant 1 : index
    %get3A_8 = arith.constant 0 : index
    %get3A_9 = arith.constant 0 : index
    %get3A_10 = vector.load %arg1[%get3A_7, %get3A_8, %get3A_9] : memref<2x400x64xf32, #tpu.memory_space<vmem>>, vector<1x400x64xf32>
    %get3A_11 = vector.shape_cast %get3A_10 : vector<1x400x64xf32> to vector<400x64xf32>
    %add3A = arith.addf %get3A_6, %get3A_11 : vector<400x64xf32>
    %get3A_12 = arith.constant 0 : index
    %get3A_13 = arith.constant 0 : index
    %get3A_14 = vector.load %arg2[%get3A_12, %get3A_13] : memref<400x64xf32, #tpu.memory_space<vmem>>, vector<400x64xf32>
    %add3A_15 = arith.addf %add3A, %get3A_14 : vector<400x64xf32>
    %mul3A = arith.mulf %get3A_1, %add3A_15 : vector<400x64xf32>
    %get3A_16 = arith.constant 0 : index
    %get3A_17 = arith.constant 0 : index
    %get3A_18 = vector.load %arg4[%get3A_16, %get3A_17] : memref<1x64xf32, #tpu.memory_space<vmem>>, vector<1x64xf32>
    %add3A_19 = vector.broadcast %get3A_18 : vector<1x64xf32> to vector<400x64xf32>
    %add3A_20 = arith.addf %mul3A, %add3A_19 : vector<400x64xf32>
    %reduce_max3A = arith.constant dense<0xFF800000> : vector<400xf32>
    %reduce_max3A_21 = vector.multi_reduction <maximumf>, %add3A_20, %reduce_max3A [1] : vector<400x64xf32> to vector<400xf32>
    %broadcast_in_dim3A = vector.shape_cast %reduce_max3A_21 : vector<400xf32> to vector<400x1xf32>
    %sub3A = vector.broadcast %broadcast_in_dim3A : vector<400x1xf32> to vector<400x64xf32>
    %sub3A_22 = arith.subf %add3A_20, %sub3A : vector<400x64xf32>
    %exp3A = math.exp %sub3A_22 : vector<400x64xf32>
    %sub3A_23 = vector.broadcast %broadcast_in_dim3A : vector<400x1xf32> to vector<400x64xf32>
    %sub3A_24 = arith.subf %add3A_20, %sub3A_23 : vector<400x64xf32>
    %reduce_sum3A = arith.constant dense<0.000000e+00> : vector<400xf32>
    %reduce_sum3A_25 = vector.multi_reduction <add>, %exp3A, %reduce_sum3A [1] : vector<400x64xf32> to vector<400xf32>
    %broadcast_in_dim3A_26 = vector.shape_cast %reduce_sum3A_25 : vector<400xf32> to vector<400x1xf32>
    %log3A = math.log %broadcast_in_dim3A_26 : vector<400x1xf32>
    %sub3A_27 = vector.broadcast %log3A : vector<400x1xf32> to vector<400x64xf32>
    %sub3A_28 = arith.subf %sub3A_24, %sub3A_27 : vector<400x64xf32>
    %swap3A = arith.constant 0 : index
    %swap3A_29 = arith.constant 0 : index
    %swap3A_30 = vector.load %arg5[%swap3A, %swap3A_29] : memref<400x64xf32, #tpu.memory_space<vmem>>, vector<400x64xf32>
    tpu.vector_store %arg5[%swap3A, %swap3A_29], %sub3A_28 {strides = array<i32>} : memref<400x64xf32, #tpu.memory_space<vmem>>, vector<400x64xf32>,
    return
  }
  func.func @transform_0(%arg0: i32) -> (i32, i32, i32) {
    %c0_i32 = arith.constant 0 : i32
    %c0_i32_0 = arith.constant 0 : i32
    %c0_i32_1 = arith.constant 0 : i32
    return %c0_i32, %arg0, %c0_i32_0 : i32, i32, i32
  }
  func.func @transform_1(%arg0: i32) -> (i32, i32) {
    %c0_i32 = arith.constant 0 : i32
    %c0_i32_0 = arith.constant 0 : i32
    return %arg0, %c0_i32 : i32, i32
  }
  func.func @transform_2(%arg0: i32) -> (i32, i32) {
    %c0_i32 = arith.constant 0 : i32
    %c0_i32_0 = arith.constant 0 : i32
    return %arg0, %c0_i32 : i32, i32
  }
  func.func @transform_3(%arg0: i32) -> (i32, i32) {
    %c0_i32 = arith.constant 0 : i32
    %c0_i32_0 = arith.constant 0 : i32
    %c0_i32_1 = arith.constant 0 : i32
    return %c0_i32, %c0_i32_0 : i32, i32
  }
  func.func @transform_4(%arg0: i32) -> (i32, i32) {
    %c0_i32 = arith.constant 0 : i32
    %c0_i32_0 = arith.constant 0 : i32
    return %arg0, %c0_i32 : i32, i32
  }
}

</mosaic_0001>

<sc_bundles>
// kernel: kernel.11.cloned.1.call-start
scs
__scs_entry_jumppad:
0x0: {  	(pc) =	sbr.rel $0x88, $3  }
0x1: {  	(tag) =	ssettag $0x0;
	lr =	simm.s32 $0x1  }
0x2: {  	[smem:$0x3F9D] =	sst lr;
	_ =	strace $0xD0000000  }
0x3: {  	_ = 	snop  }
0x4: {  	_ = 	snop  }
0x5: {  	_ = 	snop  }
0x6: {  	_ = 	snop  }
0x7: {  	_ = 	snop  }
__scs_overlays_trampoline_lowered:
0x8: {  	[smem:$0x3FAC] =	sst s0  }
0x9: {  	[smem:$0x3FAD] =	sst s1  }
0xa: {  	[smem:$0x3FAE] =	sst s2  }
0xb: {  	[smem:$0x3FAF] =	sst s3  }
0xc: {  	[smem:$0x3FB0] =	sst s4  }
0xd: {  	[smem:$0x3FB1] =	sst s5  }
0xe: {  	[smem:$0x3FB2] =	sst s6  }
0xf: {  	[smem:$0x3FB3] =	sst s7  }
0x10: {  	[smem:$0x3FB4] =	sst s8  }
0x11: {  	[smem:$0x3FB5] =	sst s9;
	s0 =	simm.s32 @!p0 $0x0  }
0x12: {  	s1 =	sld [smem:$0x3F9B];
	s0 =	simm.s32 @p0 $0x1  }
0x13: {  	[smem:$0x3FB6] =	sst s0;
	s0 =	simm.s32 @!p1 $0x0  }
0x14: {  	s2 =	sld [smem:$0x3F9A];
	s0 =	simm.s32 @p1 $0x1  }
0x15: {  	[smem:$0x3FB7] =	sst s0;
	s0 =	simm.s32 @!p2 $0x0  }
0x16: {  	s3 =	sld [smem:$0x3FDB];
	s0 =	simm.s32 @p2 $0x1  }
0x17: {  	s4 =	simm.s32 $0x1BF5;
	[smem:$0x3FB9] =	sst s0  }
0x18: {  	s0 =	sld [smem:$0x3F9C];
	_ =	swait.ge [sflag:s4], $0x0  }
0x19: {  	s7 =	sld [smem:$0x3F9D]  }
0x1a: {  	s8 =	sadd.s32 $0xFFFFE003, lr  }
0x1b: {  	s9 =	sadd.s32 $0xFFFFFEF7, lr;
	s5 =	simm.s32 $0xFFFFFFFF;
	p2 =	slt.u32 s8, $0xFFFFF086  }
0x1c: {  	p1 =	slt.u32 s9, $0xF7A;
	s5 =	simm.s32 @!p2 $0x0  }
0x1d: {  	s5 =	simm.s32 @p1 $0x1;
	p0 =	seq.s32 s7, s2  }
0x1e: {  	s7 =	smul.u32 @!p0 $0xF7A, s2;
	p2 =	seq.s32 @!p0 s5, $0x0  }
0x1f: {  	s9 =	smul.u32 $0xF7A, s1;
	s8 =	simm.s32 @!p0 $0x1BF5;
	p2 =	por !p2, p0  }
0x20: {  	[sflag:s8] =	ssyncset.s32 @!p0 $0xFFFFF086;
	s6 =	sadd.s32 @!p0 s3, s7;
	s7 =	simm.s32 @!p0 $0x108  }
0x21: {  	s3 =	sadd.s32 s3, s9;
	s6 =	sadd.s32 @!p0 $0x88, s6;
	s7 =	simm.s32 @p2 $0x1082  }
0x22: {  	[simem:s7], [sflag:s8] =	dma.local @!p0 [hbm:s6], $0xF7A  }
0x23: {  	s9 =	sor.u32 $0xD0000000, s2;
	s6 =	simm.s32 $0x108;
	_ =	swait.ge @!p0 [sflag:s8], $0x0  }
0x24: {  	s3 =	sadd.s32 $0x88, s3;
	s6 =	simm.s32 @!p1 $0x1082;
	[sflag:s4] =	ssyncset.s32 $0xFFFFF086  }
0x25: {  	[simem:s6], [sflag:s4] =	dma.local [hbm:s3], $0xF7A  }
0x26: {  	[smem:$0x3F9D] =	sst s1;
	(tag) =	ssettag s2;
	_ =	strace s9  }
0x27: {  	s1 =	sld [smem:$0x3FAD]  }
0x28: {  	s2 =	sld [smem:$0x3FAE]  }
0x29: {  	s4 =	sld [smem:$0x3FB0]  }
0x2a: {  	p0 =	seq.s32 s5, $0x0;
	s5 =	sld [smem:$0x3FB1]  }
0x2b: {  	s6 =	sld [smem:$0x3FB2]  }
0x2c: {  	s7 =	sld [smem:$0x3FB3]  }
0x2d: {  	s3 =	simm.s32 $0x108;
	s8 =	sld [smem:$0x3FB4]  }
0x2e: {  	s3 =	simm.s32 @!p0 $0x1082;
	s9 =	sld [smem:$0x3FB5]  }
0x2f: {  	lr =	sadd.s32 s0, s3;
	s0 =	sld [smem:$0x3FAC]  }
0x30: {  	s3 =	sld [smem:$0x3FAF]  }
0x31: {  	[smem:$0x3FB8] =	sst s10  }
0x32: {  	s10 =	sld [smem:$0x3FB6];
	_ =	sdelay $0x3  }
0x33: {  	p0 =	seq.s32 s10, $0x1;
	s10 =	sld [smem:$0x3FB8];
	_ =	sdelay $0x3  }
0x34: {  	[smem:$0x3FB8] =	sst s10  }
0x35: {  	s10 =	sld [smem:$0x3FB7];
	_ =	sdelay $0x3  }
0x36: {  	p1 =	seq.s32 s10, $0x1;
	s10 =	sld [smem:$0x3FB8];
	_ =	sdelay $0x3  }
0x37: {  	[smem:$0x3FB8] =	sst s10  }
0x38: {  	s10 =	sld [smem:$0x3FB9]  }
0x39: {  	_ = 	snop;
	(pc) =	sbr.ind lr, $3  }
0x3a: {  	_ = 	snop  }
0x3b: {  	_ = 	snop  }
0x3c: {  	p2 =	seq.s32 s10, $0x1;
	s10 =	sld [smem:$0x3FB8]  }
0x3d: {  	_ =	shalt  }
0x3e: {  	_ =	shalt  }
0x3f: {  	_ =	shalt  }
0x40: {  	_ =	shalt  }
0x41: {  	_ =	shalt  }
0x42: {  	_ =	shalt  }
0x43: {  	_ =	shalt  }
0x44: {  	_ =	shalt  }
0x45: {  	_ =	shalt  }
0x46: {  	_ =	shalt  }
0x47: {  	_ =	shalt  }
0x48: {  	_ =	shalt  }
0x49: {  	_ =	shalt  }
0x4a: {  	_ =	shalt  }
0x4b: {  	_ =	shalt  }
0x4c: {  	_ =	shalt  }
0x4d: {  	_ =	shalt  }
0x4e: {  	_ =	shalt  }
0x4f: {  	_ =	shalt  }
0x50: {  	_ =	shalt  }
0x51: {  	_ =	shalt  }
0x52: {  	_ =	shalt  }
0x53: {  	_ =	shalt  }
0x54: {  	_ =	shalt  }
0x55: {  	_ =	shalt  }
0x56: {  	_ =	shalt  }
0x57: {  	_ =	shalt  }
0x58: {  	_ =	shalt  }
0x59: {  	_ =	shalt  }
0x5a: {  	_ =	shalt  }
0x5b: {  	_ =	shalt  }
0x5c: {  	_ =	shalt  }
0x5d: {  	_ =	shalt  }
0x5e: {  	_ =	shalt  }
0x5f: {  	_ =	shalt  }
0x60: {  	_ =	shalt  }
0x61: {  	_ =	shalt  }
0x62: {  	_ =	shalt  }
0x63: {  	_ =	shalt  }
0x64: {  	_ =	shalt  }
0x65: {  	_ =	shalt  }
0x66: {  	_ =	shalt  }
0x67: {  	_ =	shalt  }
0x68: {  	_ =	shalt  }
0x69: {  	_ =	shalt  }
0x6a: {  	_ =	shalt  }
0x6b: {  	_ =	shalt  }
0x6c: {  	_ =	shalt  }
0x6d: {  	_ =	shalt  }
0x6e: {  	_ =	shalt  }
0x6f: {  	_ =	shalt  }
0x70: {  	_ =	shalt  }
0x71: {  	_ =	shalt  }
0x72: {  	_ =	shalt  }
0x73: {  	_ =	shalt  }
0x74: {  	_ =	shalt  }
0x75: {  	_ =	shalt  }
0x76: {  	_ =	shalt  }
0x77: {  	_ =	shalt  }
0x78: {  	_ =	shalt  }
0x79: {  	_ =	shalt  }
0x7a: {  	_ =	shalt  }
0x7b: {  	_ =	shalt  }
0x7c: {  	_ =	shalt  }
0x7d: {  	_ =	shalt  }
0x7e: {  	_ =	shalt  }
0x7f: {  	_ =	shalt  }
0x80: {  	_ =	shalt  }
0x81: {  	_ =	shalt  }
0x82: {  	_ =	shalt  }
0x83: {  	_ =	shalt  }
0x84: {  	_ =	shalt  }
0x85: {  	_ =	shalt  }
0x86: {  	_ =	shalt  }
0x87: {  	_ =	shalt  }
.Lfunc_end0:
.L_simem_size_0:
called_computation.1_lowered:
.L_overlay_start_0:
0x88: {  	s2 =	sld [smem:$0x3FD9]  }
0x89: {  	s3 =	sld [smem:$0x3FFE];
	_ =	sdelay $0x1  }
0x8a: {  	s1 =	srdreg.scid  }
0x8b: {  	s0 =	sand.u32 $0x1, s1  }
0x8c: {  	s17 =	sshll.u32 s0, $0xA;
	s2 =	sadd.s32 s3, s2  }
0x8d: {  	s2 =	sadd.s32 s2, s17  }
0x8e: {  	[smem:$0x3FC4] =	sst s2  }
0x8f: {  	_ = 	snop  }
0x90: {  	s2 =	sld [smem:$0x3FD0];
	(tm) =	ssettm $0x1  }
0x91: {  	s18 =	sld [smem:$0x3FFB];
	_ =	sdelay $0x3  }
0x92: {  	_ =	strace s18  }
0x93: {  	s3 =	sld [smem:$0x3FFC];
	_ =	sdelay $0x3  }
0x94: {  	_ =	strace s3  }
0x95: {  	s3 =	sld [smem:$0x3FFD];
	_ =	sdelay $0x3  }
0x96: {  	_ =	strace s3  }
0x97: {  	_ =	strace $0x8FFFFFFF  }
0x98: {  	s19 =	sld [smem:$0x3FDB];
	_ =	sdelay $0x1  }
0x99: {  	s4 =	simm.s32 $_scs_section_size  }
0x9a: {  	s5 =	simm.s32 $_size__tile_overlayer_lowered;
	s6 =	simm.s32 $_tile_overlayer_lowered  }
0x9b: {  	s22 =	simm.s32 $0x1BFF;
	s21 =	sshll.u32 s6, $0x1;
	s3 =	sadd.s32 s4, s19  }
0x9c: {  	s7 =	simm.s32 $0x0;
	s20 =	sshll.u32 s5, $0x1;
	s5 =	sadd.s32 s21, s3  }
0x9d: {  	[timem:s7], [sflag:s22] =	dma.local [hbm:s5], s20  }
0x9e: {  	_ =	swait.ge [sflag:s22], s20  }
0x9f: {  	s4 =	ssub.s32 $0x0, s20;
	[sflag:s22] =	ssyncset.done $0x0  }
0xa0: {  	[sflag:s22] =	ssyncadd.s32 s4;
	_ =	sdelay $0x1  }
0xa1: {  	s23 =	simm.s32 $0x1B8B  }
0xa2: {  	_ =	swait.ge [sflag:s23], $0x1  }
0xa3: {  	[sflag:s23] =	ssyncset.done $0x0  }
0xa4: {  	s25 =	simm.s32 $0x1B8E;
	s24 =	sld [smem:$0x3FFE];
	[sflag:s23] =	ssyncadd.s32 $0xFFFFFFFF  }
0xa5: {  	s26 =	simm.s32 $execute0_lowered;
	[smem:$0x3FD2] =	sst s25  }
0xa6: {  	s5 =	sshll.u32 s26, $0x1;
	_ =	strace $0x80000049;
	[dreg:$0x1] =	wrdreg $0xFFFFFFFF  }
0xa7: {  	s28 =	simm.s32 $_size_execute0_lowered;
	s3 =	sadd.s32 s3, s5;
	[dreg:$0x0] =	wrdreg $0x0  }
0xa8: {  	s5 =	sshll.u32 s28, $0x1;
	[dreg:$0x2] =	wrdreg s3  }
0xa9: {  	[dreg:$0x3] =	wrdreg s5  }
0xaa: {  	[dreg:$0x4] =	wrdreg $0xC0  }
0xab: {  	_ =	task [dreg:s7], $0x5FFFF  }
0xac: {  	[dreg:$0x1] =	wrdreg $0xFFFFFFFF  }
0xad: {  	[dreg:$0x0] =	wrdreg $0x60  }
0xae: {  	[dreg:$0x2] =	wrdreg s24  }
0xaf: {  	[dreg:$0x3] =	wrdreg s2  }
0xb0: {  	[dreg:$0x4] =	wrdreg $0x100000  }
0xb1: {  	[dreg:$0x5] =	wrdreg $0x9  }
0xb2: {  	_ =	task.clear_ibuf [dreg:s7], $0x6FFFF;
	_ =	strace $0x90000049  }
0xb3: {  	s29 =	simm.s32 $0x9;
	_ =	strace $0x8000004B  }
0xb4: {  	_ =	swait.ge [sflag:s29], $0x1  }
0xb5: {  	[sflag:s29] =	ssyncadd.s32 $0xFFFFFFFF  }
0xb6: {  	_ =	strace $0x9000004B  }
0xb7: {  	_ =	sfence  }
0xb8: {  	s30 =	sld [smem:$0x0];
	_ =	sdelay $0x2  }
0xb9: {  	s31 =	sshll.u32 s1, $0xD;
	s1 =	sshrl.u32 s1, $0x2  }
0xba: {  	s3 =	sand.u32 $0x4000, s31;
	s1 =	sadd.s32 s1, s30  }
0xbb: {  	s0 =	sor.u32 s3, s0;
	s1 =	sshll.u32 s1, $0x11  }
0xbc: {  	s0 =	sor.u32 s1, s0  }
0xbd: {  	s0 =	sadd.s32 $0x8F2B, s0  }
0xbe: {  	[sflag:s0] =	ssyncadd.remote.s32 $0x1  }
0xbf: {  	_ =	sfence.sel $0xFFFF  }
0xc0: {  	[dreg:$0x0] =	wrdreg $0xFFFFFFFF;
	(pc) =	sbr.abs _section_cstart, $3  }
0xc1: {  	[dreg:$0x1] =	wrdreg $0xFFFFFFFF  }
0xc2: {  	_ =	task.clear_ibuf [dreg:s7], $0x2FFFF;
	_ =	strace $0x9FFFFFFF  }
0xc3: {  	(tm) =	ssettm $0x7FFFFFFF  }
tec
execute0_lowered:
.L_overlay_start_1:
0x0: {  	(tag) =	ssettag $0x1  }
0x1: {  	s0 =	rddreg [dreg:$0x0]  }
0x2: {  	s1 =	rddreg [dreg:$0x1]  }
0x3: {  	s2 =	rddreg [dreg:$0x2];
	s11 =	stileid.u32  }
0x4: {  	s4 =	srdreg.scid;
	s3 =	simm.s32 $0x0;
	s15 =	simm.s32 $0x4000  }
0x5: {  	s16 =	simm.s32 $0x80;
	s17 =	simm.s32 $0x8000;
	s18 =	simm.s32 $0xA000  }
0x6: {  	s20 =	simm.s32 $0xC000;
	s22 =	simm.s32 $0xE000;
	s28 =	simm.s32 $0x5  }
0x7: {  	s29 =	simm.s32 $0x6;
	s30 =	simm.s32 $0x7;
	s31 =	simm.s32 $0x8  }
0x8: {  	s5 =	smul.u32 $0xA000, s11;
	s13 =	sand.u32 $0x1, s4;
	[smem:$0x7FF] =	sst s3  }
0x9: {  	s4 =	sadd.s32 $0x12C00, s0;
	s9 =	sadd.s32 $0x8C00, s0;
	s23 =	sshll.u32 s11, $0x6  }
0xa: {  	s24 =	sshll.u32 s11, $0x9;
	s26 =	sshll.u32 s11, $0xB;
	s6 =	smul.u32 $0xA0000, s13  }
0xb: {  	_ =	strace $0x8000004A;
	s7 =	ssub.s32 $0x2, s13;
	s25 =	sor.u32 $0x8000, s24  }
0xc: {  	p0 =	seq.s32 s13, $0x0;
	s24 =	simm.s32 $0x2;
	s8 =	sshrl.u32 s5, $0x3  }
0xd: {  	s10 =	sshrl.u32 s7, $0x1;
	s14 =	sadd.s32 s5, s2;
	s6 =	sadd.s32 s5, s6  }
0xe: {  	s8 =	sadd.s32 s8, s0;
	s12 =	ssub.s32 s7, s10;
	s7 =	sadd.s32 s9, s25  }
.Ltmp0:
0xf: {  	s9 =	sadd.s32 s9, s26;
	s10 =	sadd.s32 s1, s26;
	(pc) =	sbr.rel .LBB2_1-.Ltmp0, $4  }
0x10: {  	s13 =	sshrl.u32 s14, $0x3;
	s14 =	simm.s32 $0x9;
	s26 =	simm.s32 $0x4  }
0x11: {  	s6 =	sshrl.u32 s6, $0x3;
	s5 =	sadd.s32 $0x26C00, s8;
	s8 =	sadd.s32 s1, s25  }
0x12: {  	s12 =	smax.u32 s12, $0x1;
	s25 =	simm.s32 $0x3;
	s0 =	sadd.s32 s6, s0  }
0x13: {  	s6 =	sor.u32 $0x1C09, s23;
	s23 =	simm.s32 $0x1;
	s11 =	sadd.s32 $0x3AC00, s0  }
.LBB2_7:
0x14: {  	[tilespmem:s22], [sflag:$0x4] =	stream.indirect.gather [hbm4b:s4+s16], $0x40, s0, s16, $0xb8;
	[tilespmem:$0x1A000] =	vst v63  }
0x15: {  	_ =	swait.ge [sflag:s23], $0x2000  }
0x16: {  	[sflag:s23] =	ssyncset.done $0x0  }
0x17: {  	s21 =	simm.s32 $0x7E00;
	[sflag:s23] =	ssyncadd.s32 $0xFFFFE000  }
0x18: {  	[spmem:s2] =	stream.indirect.scatter.add.f32 [tilespmem:s17], [sflag:$0x5], $0x40, s21, s16, $0xb8;
	[tilespmem:$0x1A000] =	vst v63  }
0x19: {  	_ =	swait.ge [sflag:s24], $0x2000  }
0x1a: {  	[sflag:s24] =	ssyncset.done $0x0  }
0x1b: {  	s1 =	simm.s32 $0x7E80;
	[sflag:s24] =	ssyncadd.s32 $0xFFFFE000  }
0x1c: {  	[spmem:s2] =	stream.indirect.scatter.add.f32 [tilespmem:s18], [sflag:$0x6], $0x40, s1, s16, $0xb8;
	[tilespmem:$0x1A000] =	vst v63  }
0x1d: {  	_ =	swait.ge [sflag:s25], $0x2000  }
0x1e: {  	[sflag:s25] =	ssyncset.done $0x0  }
0x1f: {  	s19 =	simm.s32 $0x7F00;
	[sflag:s25] =	ssyncadd.s32 $0xFFFFE000  }
0x20: {  	[spmem:s2] =	stream.indirect.scatter.add.f32 [tilespmem:s20], [sflag:$0x7], $0x40, s19, s16, $0xb8;
	[tilespmem:$0x1A000] =	vst v63  }
0x21: {  	_ =	swait.ge [sflag:s26], $0x2000  }
0x22: {  	[sflag:s26] =	ssyncset.done $0x0  }
0x23: {  	s21 =	simm.s32 $0x7F80;
	[sflag:s26] =	ssyncadd.s32 $0xFFFFE000  }
0x24: {  	[spmem:s2] =	stream.indirect.scatter.add.f32 [tilespmem:s22], [sflag:$0x8], $0x40, s21, s16, $0xb8;
	[tilespmem:$0x1A000] =	vst v63  }
0x25: {  	_ =	swait.ge [sflag:s28], $0x2000  }
0x26: {  	[sflag:s28] =	ssyncset.done $0x0  }
0x27: {  	[sflag:s28] =	ssyncadd.s32 $0xFFFFE000  }
0x28: {  	_ =	swait.ge [sflag:s29], $0x2000  }
0x29: {  	[sflag:s29] =	ssyncset.done $0x0  }
0x2a: {  	[sflag:s29] =	ssyncadd.s32 $0xFFFFE000  }
0x2b: {  	_ =	swait.ge [sflag:s30], $0x2000  }
0x2c: {  	[sflag:s30] =	ssyncset.done $0x0  }
0x2d: {  	s0 =	simm.s32 $0x8;
	[sflag:s30] =	ssyncadd.s32 $0xFFFFE000  }
.LBB2_8:
0x2e: {  	_ =	swait.ge [sflag:s0], $0x2000  }
0x2f: {  	s3 =	sadd.s32 $0x1, s3;
	[sflag:s0] =	ssyncset.done $0x0  }
0x30: {  	p1 =	sne.s32 s3, s12;
	[sflag:s0] =	ssyncadd.s32 $0xFFFFE000  }
.Ltmp1:
0x31: {  	[bflag:$0x0] =	sbarrier.arrive $0xFFFF;
	(pc) =	sbr.rel @!p1 .LBB2_9-.Ltmp1, $4  }
0x32: {  	[hbm:s11], [sflag:s6] =	dma.local [spmem:s13], $0x1400  }
0x33: {  	_ =	swait.ge [sflag:s14], $0x1400  }
0x34: {  	[sflag:s14] =	ssyncset.done $0x0  }
0x35: {  	[sflag:s14] =	ssyncadd.s32 $0xFFFFEC00  }
.LBB2_1:
.Ltmp2:
0x36: {  	(pc) =	sbr.rel @!p0 .LBB2_2-.Ltmp2, $4  }
0x37: {  	[spmem:s13], [sflag:s6] =	dma.local [hbm:s5], $0x1400  }
0x38: {  	_ =	swait.ge [sflag:s14], $0x1400  }
0x39: {  	[sflag:s14] =	ssyncset.done $0x0  }
0x3a: {  	s0 =	simm.s32 $0x0;
	[sflag:s14] =	ssyncadd.s32 $0xFFFFEC00  }
0x3b: {  	[tilespmem:s0], [sflag:$0x9] =	stream.linear.gather [hbm4b:s9+s0], $0x4000, $0x38;
	[tilespmem:$0x1A000] =	vst v63  }
0x3c: {  	_ =	swait.ge [sflag:s14], $0x4000  }
0x3d: {  	[sflag:s14] =	ssyncset.done $0x0  }
0x3e: {  	[sflag:s14] =	ssyncadd.s32 $0xFFFFC000  }
0x3f: {  	[tilespmem:s15], [sflag:$0x9] =	stream.linear.gather [hbm4b:s10+s0], $0x4000, $0x38;
	[tilespmem:$0x1A000] =	vst v63  }
0x40: {  	_ =	swait.ge [sflag:s14], $0x4000  }
0x41: {  	[sflag:s14] =	ssyncset.done $0x0  }
0x42: {  	[sflag:s14] =	ssyncadd.s32 $0xFFFFC000  }
0x43: {  	[bflag:$0x0] =	sbarrier.arrive $0xFFFF  }
0x44: {  	[tilespmem:s17], [sflag:$0x1] =	stream.indirect.gather [hbm4b:s4+s16], $0x40, s0, s16, $0xb8;
	[tilespmem:$0x1A000] =	vst v63  }
0x45: {  	_ = 	snop  }
0x46: {  	[tilespmem:s18], [sflag:$0x2] =	stream.indirect.gather [hbm4b:s4+s16], $0x40, s16, s16, $0xb8;
	[tilespmem:$0x1A000] =	vst v63  }
0x47: {  	s1 =	simm.s32 $0x100  }
0x48: {  	[tilespmem:s20], [sflag:$0x3] =	stream.indirect.gather [hbm4b:s4+s16], $0x40, s1, s16, $0xb8;
	[tilespmem:$0x1A000] =	vst v63  }
0x49: {  	s19 =	simm.s32 $0x180  }
0x4a: {  	[tilespmem:s22], [sflag:$0x4] =	stream.indirect.gather [hbm4b:s4+s16], $0x40, s19, s16, $0xb8;
	[tilespmem:$0x1A000] =	vst v63  }
0x4b: {  	_ =	swait.ge [sflag:s23], $0x2000  }
0x4c: {  	[sflag:s23] =	ssyncset.done $0x0  }
0x4d: {  	s21 =	simm.s32 $0x4000;
	[sflag:s23] =	ssyncadd.s32 $0xFFFFE000  }
0x4e: {  	[spmem:s2] =	stream.indirect.scatter.add.f32 [tilespmem:s17], [sflag:$0x5], $0x40, s21, s16, $0xb8;
	[tilespmem:$0x1A000] =	vst v63  }
0x4f: {  	_ =	swait.ge [sflag:s24], $0x2000  }
0x50: {  	[sflag:s24] =	ssyncset.done $0x0  }
0x51: {  	s1 =	simm.s32 $0x4080;
	[sflag:s24] =	ssyncadd.s32 $0xFFFFE000  }
0x52: {  	[spmem:s2] =	stream.indirect.scatter.add.f32 [tilespmem:s18], [sflag:$0x6], $0x40, s1, s16, $0xb8;
	[tilespmem:$0x1A000] =	vst v63  }
0x53: {  	_ =	swait.ge [sflag:s25], $0x2000  }
0x54: {  	[sflag:s25] =	ssyncset.done $0x0  }
0x55: {  	s19 =	simm.s32 $0x4100;
	[sflag:s25] =	ssyncadd.s32 $0xFFFFE000  }
0x56: {  	[spmem:s2] =	stream.indirect.scatter.add.f32 [tilespmem:s20], [sflag:$0x7], $0x40, s19, s16, $0xb8;
	[tilespmem:$0x1A000] =	vst v63  }
0x57: {  	_ =	swait.ge [sflag:s26], $0x2000  }
0x58: {  	[sflag:s26] =	ssyncset.done $0x0  }
0x59: {  	s21 =	simm.s32 $0x4180;
	[sflag:s26] =	ssyncadd.s32 $0xFFFFE000  }
0x5a: {  	[spmem:s2] =	stream.indirect.scatter.add.f32 [tilespmem:s22], [sflag:$0x8], $0x40, s21, s16, $0xb8;
	[tilespmem:$0x1A000] =	vst v63  }
0x5b: {  	_ =	swait.ge [sflag:s28], $0x2000  }
0x5c: {  	[sflag:s28] =	ssyncset.done $0x0  }
0x5d: {  	s1 =	simm.s32 $0x200;
	[sflag:s28] =	ssyncadd.s32 $0xFFFFE000  }
0x5e: {  	[tilespmem:s17], [sflag:$0x1] =	stream.indirect.gather [hbm4b:s4+s16], $0x40, s1, s16, $0xb8;
	[tilespmem:$0x1A000] =	vst v63  }
0x5f: {  	_ =	swait.ge [sflag:s29], $0x2000  }
0x60: {  	[sflag:s29] =	ssyncset.done $0x0  }
0x61: {  	s19 =	simm.s32 $0x280;
	[sflag:s29] =	ssyncadd.s32 $0xFFFFE000  }
0x62: {  	[tilespmem:s18], [sflag:$0x2] =	stream.indirect.gather [hbm4b:s4+s16], $0x40, s19, s16, $0xb8;
	[tilespmem:$0x1A000] =	vst v63  }
0x63: {  	_ =	swait.ge [sflag:s30], $0x2000  }
0x64: {  	[sflag:s30] =	ssyncset.done $0x0  }
0x65: {  	s21 =	simm.s32 $0x300;
	[sflag:s30] =	ssyncadd.s32 $0xFFFFE000  }
0x66: {  	[tilespmem:s20], [sflag:$0x3] =	stream.indirect.gather [hbm4b:s4+s16], $0x40, s21, s16, $0xb8;
	[tilespmem:$0x1A000] =	vst v63  }
0x67: {  	_ =	swait.ge [sflag:s31], $0x2000  }
0x68: {  	[sflag:s31] =	ssyncset.done $0x0  }
0x69: {  	s0 =	simm.s32 $0x380;
	s21 =	simm.s32 $0x800;
	[sflag:s31] =	ssyncadd.s32 $0xFFFFE000  }
.LBB2_6:
0x6a: {  	[tilespmem:s22], [sflag:$0x4] =	stream.indirect.gather [hbm4b:s4+s16], $0x40, s0, s16, $0xb8;
	[tilespmem:$0x1A000] =	vst v63  }
0x6b: {  	s0 =	smov.u32 s21  }
0x6c: {  	p1 =	sne.s32 s21, $0xF000;
	s21 =	sadd.s32 $0x800, s21;
	_ =	swait.ge [sflag:s23], $0x2000  }
0x6d: {  	s0 =	sshra.s32 s0, $0x2;
	[sflag:s23] =	ssyncset.done $0x0  }
0x6e: {  	s1 =	sadd.s32 $0x4000, s0;
	[sflag:s23] =	ssyncadd.s32 $0xFFFFE000  }
0x6f: {  	[spmem:s2] =	stream.indirect.scatter.add.f32 [tilespmem:s17], [sflag:$0x5], $0x40, s1, s16, $0xb8;
	[tilespmem:$0x1A000] =	vst v63  }
0x70: {  	_ =	swait.ge [sflag:s24], $0x2000  }
0x71: {  	[sflag:s24] =	ssyncset.done $0x0  }
0x72: {  	s1 =	sadd.s32 $0x4080, s0;
	[sflag:s24] =	ssyncadd.s32 $0xFFFFE000  }
0x73: {  	[spmem:s2] =	stream.indirect.scatter.add.f32 [tilespmem:s18], [sflag:$0x6], $0x40, s1, s16, $0xb8;
	[tilespmem:$0x1A000] =	vst v63  }
0x74: {  	_ =	swait.ge [sflag:s25], $0x2000  }
0x75: {  	[sflag:s25] =	ssyncset.done $0x0  }
0x76: {  	s1 =	sadd.s32 $0x4100, s0;
	[sflag:s25] =	ssyncadd.s32 $0xFFFFE000  }
0x77: {  	[spmem:s2] =	stream.indirect.scatter.add.f32 [tilespmem:s20], [sflag:$0x7], $0x40, s1, s16, $0xb8;
	[tilespmem:$0x1A000] =	vst v63  }
0x78: {  	_ =	swait.ge [sflag:s26], $0x2000  }
0x79: {  	[sflag:s26] =	ssyncset.done $0x0  }
0x7a: {  	s1 =	sadd.s32 $0x4180, s0;
	[sflag:s26] =	ssyncadd.s32 $0xFFFFE000  }
0x7b: {  	[spmem:s2] =	stream.indirect.scatter.add.f32 [tilespmem:s22], [sflag:$0x8], $0x40, s1, s16, $0xb8;
	[tilespmem:$0x1A000] =	vst v63  }
0x7c: {  	_ =	swait.ge [sflag:s28], $0x2000  }
0x7d: {  	[sflag:s28] =	ssyncset.done $0x0  }
0x7e: {  	s1 =	sadd.s32 $0x200, s0;
	[sflag:s28] =	ssyncadd.s32 $0xFFFFE000  }
0x7f: {  	[tilespmem:s17], [sflag:$0x1] =	stream.indirect.gather [hbm4b:s4+s16], $0x40, s1, s16, $0xb8;
	[tilespmem:$0x1A000] =	vst v63  }
0x80: {  	_ =	swait.ge [sflag:s29], $0x2000  }
0x81: {  	[sflag:s29] =	ssyncset.done $0x0  }
0x82: {  	s1 =	sadd.s32 $0x280, s0;
	[sflag:s29] =	ssyncadd.s32 $0xFFFFE000  }
0x83: {  	[tilespmem:s18], [sflag:$0x2] =	stream.indirect.gather [hbm4b:s4+s16], $0x40, s1, s16, $0xb8;
	[tilespmem:$0x1A000] =	vst v63  }
0x84: {  	_ =	swait.ge [sflag:s30], $0x2000  }
0x85: {  	[sflag:s30] =	ssyncset.done $0x0  }
.Ltmp3:
0x86: {  	s1 =	sadd.s32 $0x300, s0;
	[sflag:s30] =	ssyncadd.s32 $0xFFFFE000;
	(pc) =	sbr.rel @p1 .LBB2_6-.Ltmp3, $4  }
0x87: {  	[tilespmem:s20], [sflag:$0x3] =	stream.indirect.gather [hbm4b:s4+s16], $0x40, s1, s16, $0xb8;
	[tilespmem:$0x1A000] =	vst v63  }
0x88: {  	_ =	swait.ge [sflag:s31], $0x2000  }
0x89: {  	[sflag:s31] =	ssyncset.done $0x0  }
0x8a: {  	s0 =	sadd.s32 $0x380, s0;
	[sflag:s31] =	ssyncadd.s32 $0xFFFFE000  }
.Ltmp4:
0x8b: {  	_ = 	snop;
	(pc) =	sbr.rel .LBB2_7-.Ltmp4, $1  }
0x8c: {  	_ =	sdelay $0x3  }
.LBB2_2:
0x8d: {  	[tilespmem:s0], [sflag:$0x9] =	stream.linear.gather [hbm4b:s7+s0], $0x1000, $0x38;
	[tilespmem:$0x1A000] =	vst v63  }
0x8e: {  	_ =	swait.ge [sflag:s14], $0x1000  }
0x8f: {  	[sflag:s14] =	ssyncset.done $0x0  }
0x90: {  	[sflag:s14] =	ssyncadd.s32 $0xFFFFF000  }
0x91: {  	[tilespmem:s15], [sflag:$0x9] =	stream.linear.gather [hbm4b:s8+s0], $0x1000, $0x38;
	[tilespmem:$0x1A000] =	vst v63  }
0x92: {  	_ =	swait.ge [sflag:s14], $0x1000  }
0x93: {  	[sflag:s14] =	ssyncset.done $0x0  }
0x94: {  	[sflag:s14] =	ssyncadd.s32 $0xFFFFF000  }
0x95: {  	[bflag:$0x0] =	sbarrier.arrive $0xFFFF  }
0x96: {  	[tilespmem:s17], [sflag:$0x1] =	stream.indirect.gather [hbm4b:s4+s16], $0x40, s0, s16, $0xb8;
	[tilespmem:$0x1A000] =	vst v63  }
0x97: {  	s1 =	simm.s32 $0x80  }
0x98: {  	[tilespmem:s18], [sflag:$0x2] =	stream.indirect.gather [hbm4b:s4+s16], $0x40, s1, s16, $0xb8;
	[tilespmem:$0x1A000] =	vst v63  }
0x99: {  	_ =	swait.ge [sflag:s23], $0x2000  }
0x9a: {  	[sflag:s23] =	ssyncset.done $0x0  }
0x9b: {  	s15 =	simm.s32 $0x4000;
	[sflag:s23] =	ssyncadd.s32 $0xFFFFE000  }
0x9c: {  	[spmem:s2] =	stream.indirect.scatter.add.f32 [tilespmem:s17], [sflag:$0x9], $0x40, s15, s16, $0xb8;
	[tilespmem:$0x1A000] =	vst v63  }
0x9d: {  	_ =	swait.ge [sflag:s14], $0x2000  }
0x9e: {  	[sflag:s14] =	ssyncset.done $0x0  }
0x9f: {  	s19 =	simm.s32 $0x100;
	[sflag:s14] =	ssyncadd.s32 $0xFFFFE000  }
0xa0: {  	[tilespmem:s17], [sflag:$0x1] =	stream.indirect.gather [hbm4b:s4+s16], $0x40, s19, s16, $0xb8;
	[tilespmem:$0x1A000] =	vst v63  }
0xa1: {  	_ =	swait.ge [sflag:s24], $0x2000  }
0xa2: {  	[sflag:s24] =	ssyncset.done $0x0  }
0xa3: {  	s21 =	simm.s32 $0x4080;
	[sflag:s24] =	ssyncadd.s32 $0xFFFFE000  }
0xa4: {  	[spmem:s2] =	stream.indirect.scatter.add.f32 [tilespmem:s18], [sflag:$0x9], $0x40, s21, s16, $0xb8;
	[tilespmem:$0x1A000] =	vst v63  }
0xa5: {  	_ =	swait.ge [sflag:s14], $0x2000  }
0xa6: {  	s0 =	simm.s32 $0x100;
	s21 =	simm.s32 $0x800;
	[sflag:s14] =	ssyncset.done $0x0  }
.LBB2_3:
0xa7: {  	s1 =	sadd.s32 $0x80, s0  }
0xa8: {  	[sflag:s14] =	ssyncadd.s32 $0xFFFFE000;
	s19 =	smov.u32 s21;
	s15 =	sadd.s32 $0x400, s21  }
0xa9: {  	[tilespmem:s18], [sflag:$0x2] =	stream.indirect.gather [hbm4b:s4+s16], $0x40, s1, s16, $0xb8;
	[tilespmem:$0x1A000] =	vst v63  }
0xaa: {  	p1 =	sne.s32 s21, $0x3800;
	_ =	swait.ge [sflag:s23], $0x2000  }
0xab: {  	[sflag:s23] =	ssyncset.done $0x0  }
0xac: {  	s1 =	sadd.s32 $0x4000, s0;
	[sflag:s23] =	ssyncadd.s32 $0xFFFFE000  }
0xad: {  	[spmem:s2] =	stream.indirect.scatter.add.f32 [tilespmem:s17], [sflag:$0x9], $0x40, s1, s16, $0xb8;
	[tilespmem:$0x1A000] =	vst v63  }
0xae: {  	_ =	swait.ge [sflag:s14], $0x2000  }
0xaf: {  	[sflag:s14] =	ssyncset.done $0x0  }
0xb0: {  	s1 =	sadd.s32 $0x100, s0;
	[sflag:s14] =	ssyncadd.s32 $0xFFFFE000  }
0xb1: {  	[tilespmem:s17], [sflag:$0x1] =	stream.indirect.gather [hbm4b:s4+s16], $0x40, s1, s16, $0xb8;
	[tilespmem:$0x1A000] =	vst v63  }
0xb2: {  	_ =	swait.ge [sflag:s24], $0x2000  }
.Ltmp5:
0xb3: {  	[sflag:s24] =	ssyncset.done $0x0;
	(pc) =	sbr.rel @p1 .LBB2_3-.Ltmp5, $4  }
0xb4: {  	s0 =	sadd.s32 $0x4080, s0;
	[sflag:s24] =	ssyncadd.s32 $0xFFFFE000  }
0xb5: {  	[spmem:s2] =	stream.indirect.scatter.add.f32 [tilespmem:s18], [sflag:$0x9], $0x40, s0, s16, $0xb8;
	[tilespmem:$0x1A000] =	vst v63  }
0xb6: {  	_ =	swait.ge [sflag:s14], $0x2000  }
0xb7: {  	s21 =	smov.u32 s15;
	s0 =	sshra.s32 s19, $0x2;
	[sflag:s14] =	ssyncset.done $0x0  }
0xb8: {  	s1 =	sadd.s32 $0x80, s0;
	[sflag:s14] =	ssyncadd.s32 $0xFFFFE000  }
0xb9: {  	[tilespmem:s18], [sflag:$0x2] =	stream.indirect.gather [hbm4b:s4+s16], $0x40, s1, s16, $0xb8;
	[tilespmem:$0x1A000] =	vst v63  }
0xba: {  	_ =	swait.ge [sflag:s23], $0x2000  }
0xbb: {  	[sflag:s23] =	ssyncset.done $0x0  }
0xbc: {  	s19 =	sadd.s32 $0x4000, s0;
	[sflag:s23] =	ssyncadd.s32 $0xFFFFE000  }
0xbd: {  	[spmem:s2] =	stream.indirect.scatter.add.f32 [tilespmem:s17], [sflag:$0x9], $0x40, s19, s16, $0xb8;
	[tilespmem:$0x1A000] =	vst v63  }
0xbe: {  	_ =	swait.ge [sflag:s14], $0x2000  }
0xbf: {  	[sflag:s14] =	ssyncset.done $0x0  }
0xc0: {  	s21 =	sadd.s32 $0x100, s0;
	[sflag:s14] =	ssyncadd.s32 $0xFFFFE000  }
0xc1: {  	[tilespmem:s17], [sflag:$0x1] =	stream.indirect.gather [hbm4b:s4+s16], $0x40, s21, s16, $0xb8;
	[tilespmem:$0x1A000] =	vst v63  }
0xc2: {  	_ =	swait.ge [sflag:s24], $0x2000  }
0xc3: {  	[sflag:s24] =	ssyncset.done $0x0  }
0xc4: {  	s1 =	sadd.s32 $0x4080, s0;
	[sflag:s24] =	ssyncadd.s32 $0xFFFFE000  }
0xc5: {  	[spmem:s2] =	stream.indirect.scatter.add.f32 [tilespmem:s18], [sflag:$0x9], $0x40, s1, s16, $0xb8;
	[tilespmem:$0x1A000] =	vst v63  }
0xc6: {  	_ =	swait.ge [sflag:s14], $0x2000  }
0xc7: {  	[sflag:s14] =	ssyncset.done $0x0  }
0xc8: {  	s15 =	simm.s32 $0xF80;
	[sflag:s14] =	ssyncadd.s32 $0xFFFFE000  }
0xc9: {  	[tilespmem:s18], [sflag:$0x2] =	stream.indirect.gather [hbm4b:s4+s16], $0x40, s15, s16, $0xb8;
	[tilespmem:$0x1A000] =	vst v63  }
0xca: {  	_ =	swait.ge [sflag:s23], $0x2000  }
0xcb: {  	[sflag:s23] =	ssyncset.done $0x0  }
0xcc: {  	s0 =	simm.s32 $0x9;
	s19 =	simm.s32 $0x4F00;
	[sflag:s23] =	ssyncadd.s32 $0xFFFFE000  }
0xcd: {  	[spmem:s2] =	stream.indirect.scatter.add.f32 [tilespmem:s17], [sflag:$0x9], $0x40, s19, s16, $0xb8;
	[tilespmem:$0x1A000] =	vst v63  }
0xce: {  	_ =	swait.ge [sflag:s0], $0x2000  }
0xcf: {  	[sflag:s0] =	ssyncset.done $0x0  }
.Ltmp6:
0xd0: {  	[sflag:s0] =	ssyncadd.s32 $0xFFFFE000;
	(pc) =	sbr.rel .LBB2_8-.Ltmp6, $4  }
0xd1: {  	_ =	swait.ge [sflag:s24], $0x2000  }
0xd2: {  	[sflag:s24] =	ssyncset.done $0x0  }
0xd3: {  	s21 =	simm.s32 $0x4F80;
	s15 =	simm.s32 $0x4000;
	[sflag:s24] =	ssyncadd.s32 $0xFFFFE000  }
0xd4: {  	[spmem:s2] =	stream.indirect.scatter.add.f32 [tilespmem:s18], [sflag:$0x9], $0x40, s21, s16, $0xb8;
	[tilespmem:$0x1A000] =	vst v63  }
.LBB2_9:
0xd5: {  	_ =	sfence.sel $0x180000  }
0xd6: {  	[bflag:$0x0] =	sbarrier.arrive $0xFFFF  }
0xd7: {  	_ =	strace $0x9000004A  }
0xd8: {  	s0 =	stileid.u32;
	[bflag:$0x2] =	sbarrier.arrive $0xFFFF  }
0xd9: {  	p0 =	sne.s32 s0, $0x0;
	s0 =	rddreg [dreg:$0x3]  }
0xda: {  	s0 =	sadd.s32 @!p0 $0x100000, s0  }
0xdb: {  	[sflag:s0] =	ssyncadd.tile.s32 @!p0 $0x1;
	_ =	shalt  }
.Lfunc_end2:
_tile_overlayer_lowered:
.L_overlay_start_2:
0xdc: {  	(tag) =	ssettag $0x2  }
0xdd: {  	s0 =	rddreg [dreg:$0x0];
	s2 =	stileid.u32  }
0xde: {  	s1 =	rddreg [dreg:$0x1];
	p0 =	sne.s32 s2, $0x0  }
0xdf: {  	s3 =	rddreg [dreg:$0x2];
	[bflag:$0x3] =	sbarrier.arrive $0xFFFF;
	s2 =	simm.s32 @!p0 $0x1C09  }
0xe0: {  	[timem:s3], [sflag:s2] =	dma.local @!p0 [hbm:s0], s1  }
0xe1: {  	s0 =	simm.s32 @!p0 $0x9  }
0xe2: {  	_ =	swait.ge @!p0 [sflag:s0], s1  }
0xe3: {  	s1 =	ssub.s32 @!p0 $0x0, s1;
	[sflag:s0] =	ssyncset.done @!p0 $0x0  }
0xe4: {  	[sflag:s0] =	ssyncadd.s32 @!p0 s1  }
0xe5: {  	[bflag:$0x3] =	sbarrier.arrive $0xFFFF  }
0xe6: {  	_ =	shalt  }

// kernel: kernel.14.cloned.1.call-start
scs
__scs_entry_jumppad:
0x0: {  	(pc) =	sbr.rel $0x88, $3  }
0x1: {  	(tag) =	ssettag $0x0;
	lr =	simm.s32 $0x1  }
0x2: {  	[smem:$0x3F9D] =	sst lr;
	_ =	strace $0xD0000000  }
0x3: {  	_ = 	snop  }
0x4: {  	_ = 	snop  }
0x5: {  	_ = 	snop  }
0x6: {  	_ = 	snop  }
0x7: {  	_ = 	snop  }
__scs_overlays_trampoline_lowered:
0x8: {  	[smem:$0x3FAC] =	sst s0  }
0x9: {  	[smem:$0x3FAD] =	sst s1  }
0xa: {  	[smem:$0x3FAE] =	sst s2  }
0xb: {  	[smem:$0x3FAF] =	sst s3  }
0xc: {  	[smem:$0x3FB0] =	sst s4  }
0xd: {  	[smem:$0x3FB1] =	sst s5  }
0xe: {  	[smem:$0x3FB2] =	sst s6  }
0xf: {  	[smem:$0x3FB3] =	sst s7  }
0x10: {  	[smem:$0x3FB4] =	sst s8  }
0x11: {  	[smem:$0x3FB5] =	sst s9;
	s0 =	simm.s32 @!p0 $0x0  }
0x12: {  	s1 =	sld [smem:$0x3F9B];
	s0 =	simm.s32 @p0 $0x1  }
0x13: {  	[smem:$0x3FB6] =	sst s0;
	s0 =	simm.s32 @!p1 $0x0  }
0x14: {  	s2 =	sld [smem:$0x3F9A];
	s0 =	simm.s32 @p1 $0x1  }
0x15: {  	[smem:$0x3FB7] =	sst s0;
	s0 =	simm.s32 @!p2 $0x0  }
0x16: {  	s3 =	sld [smem:$0x3FDB];
	s0 =	simm.s32 @p2 $0x1  }
0x17: {  	s4 =	simm.s32 $0x1BF5;
	[smem:$0x3FB9] =	sst s0  }
0x18: {  	s0 =	sld [smem:$0x3F9C];
	_ =	swait.ge [sflag:s4], $0x0  }
0x19: {  	s7 =	sld [smem:$0x3F9D]  }
0x1a: {  	s8 =	sadd.s32 $0xFFFFE003, lr  }
0x1b: {  	s9 =	sadd.s32 $0xFFFFFEF7, lr;
	s5 =	simm.s32 $0xFFFFFFFF;
	p2 =	slt.u32 s8, $0xFFFFF086  }
0x1c: {  	p1 =	slt.u32 s9, $0xF7A;
	s5 =	simm.s32 @!p2 $0x0  }
0x1d: {  	s5 =	simm.s32 @p1 $0x1;
	p0 =	seq.s32 s7, s2  }
0x1e: {  	s7 =	smul.u32 @!p0 $0xF7A, s2;
	p2 =	seq.s32 @!p0 s5, $0x0  }
0x1f: {  	s9 =	smul.u32 $0xF7A, s1;
	s8 =	simm.s32 @!p0 $0x1BF5;
	p2 =	por !p2, p0  }
0x20: {  	[sflag:s8] =	ssyncset.s32 @!p0 $0xFFFFF086;
	s6 =	sadd.s32 @!p0 s3, s7;
	s7 =	simm.s32 @!p0 $0x108  }
0x21: {  	s3 =	sadd.s32 s3, s9;
	s6 =	sadd.s32 @!p0 $0x88, s6;
	s7 =	simm.s32 @p2 $0x1082  }
0x22: {  	[simem:s7], [sflag:s8] =	dma.local @!p0 [hbm:s6], $0xF7A  }
0x23: {  	s9 =	sor.u32 $0xD0000000, s2;
	s6 =	simm.s32 $0x108;
	_ =	swait.ge @!p0 [sflag:s8], $0x0  }
0x24: {  	s3 =	sadd.s32 $0x88, s3;
	s6 =	simm.s32 @!p1 $0x1082;
	[sflag:s4] =	ssyncset.s32 $0xFFFFF086  }
0x25: {  	[simem:s6], [sflag:s4] =	dma.local [hbm:s3], $0xF7A  }
0x26: {  	[smem:$0x3F9D] =	sst s1;
	(tag) =	ssettag s2;
	_ =	strace s9  }
0x27: {  	s1 =	sld [smem:$0x3FAD]  }
0x28: {  	s2 =	sld [smem:$0x3FAE]  }
0x29: {  	s4 =	sld [smem:$0x3FB0]  }
0x2a: {  	p0 =	seq.s32 s5, $0x0;
	s5 =	sld [smem:$0x3FB1]  }
0x2b: {  	s6 =	sld [smem:$0x3FB2]  }
0x2c: {  	s7 =	sld [smem:$0x3FB3]  }
0x2d: {  	s3 =	simm.s32 $0x108;
	s8 =	sld [smem:$0x3FB4]  }
0x2e: {  	s3 =	simm.s32 @!p0 $0x1082;
	s9 =	sld [smem:$0x3FB5]  }
0x2f: {  	lr =	sadd.s32 s0, s3;
	s0 =	sld [smem:$0x3FAC]  }
0x30: {  	s3 =	sld [smem:$0x3FAF]  }
0x31: {  	[smem:$0x3FB8] =	sst s10  }
0x32: {  	s10 =	sld [smem:$0x3FB6];
	_ =	sdelay $0x3  }
0x33: {  	p0 =	seq.s32 s10, $0x1;
	s10 =	sld [smem:$0x3FB8];
	_ =	sdelay $0x3  }
0x34: {  	[smem:$0x3FB8] =	sst s10  }
0x35: {  	s10 =	sld [smem:$0x3FB7];
	_ =	sdelay $0x3  }
0x36: {  	p1 =	seq.s32 s10, $0x1;
	s10 =	sld [smem:$0x3FB8];
	_ =	sdelay $0x3  }
0x37: {  	[smem:$0x3FB8] =	sst s10  }
0x38: {  	s10 =	sld [smem:$0x3FB9]  }
0x39: {  	_ = 	snop;
	(pc) =	sbr.ind lr, $3  }
0x3a: {  	_ = 	snop  }
0x3b: {  	_ = 	snop  }
0x3c: {  	p2 =	seq.s32 s10, $0x1;
	s10 =	sld [smem:$0x3FB8]  }
0x3d: {  	_ =	shalt  }
0x3e: {  	_ =	shalt  }
0x3f: {  	_ =	shalt  }
0x40: {  	_ =	shalt  }
0x41: {  	_ =	shalt  }
0x42: {  	_ =	shalt  }
0x43: {  	_ =	shalt  }
0x44: {  	_ =	shalt  }
0x45: {  	_ =	shalt  }
0x46: {  	_ =	shalt  }
0x47: {  	_ =	shalt  }
0x48: {  	_ =	shalt  }
0x49: {  	_ =	shalt  }
0x4a: {  	_ =	shalt  }
0x4b: {  	_ =	shalt  }
0x4c: {  	_ =	shalt  }
0x4d: {  	_ =	shalt  }
0x4e: {  	_ =	shalt  }
0x4f: {  	_ =	shalt  }
0x50: {  	_ =	shalt  }
0x51: {  	_ =	shalt  }
0x52: {  	_ =	shalt  }
0x53: {  	_ =	shalt  }
0x54: {  	_ =	shalt  }
0x55: {  	_ =	shalt  }
0x56: {  	_ =	shalt  }
0x57: {  	_ =	shalt  }
0x58: {  	_ =	shalt  }
0x59: {  	_ =	shalt  }
0x5a: {  	_ =	shalt  }
0x5b: {  	_ =	shalt  }
0x5c: {  	_ =	shalt  }
0x5d: {  	_ =	shalt  }
0x5e: {  	_ =	shalt  }
0x5f: {  	_ =	shalt  }
0x60: {  	_ =	shalt  }
0x61: {  	_ =	shalt  }
0x62: {  	_ =	shalt  }
0x63: {  	_ =	shalt  }
0x64: {  	_ =	shalt  }
0x65: {  	_ =	shalt  }
0x66: {  	_ =	shalt  }
0x67: {  	_ =	shalt  }
0x68: {  	_ =	shalt  }
0x69: {  	_ =	shalt  }
0x6a: {  	_ =	shalt  }
0x6b: {  	_ =	shalt  }
0x6c: {  	_ =	shalt  }
0x6d: {  	_ =	shalt  }
0x6e: {  	_ =	shalt  }
0x6f: {  	_ =	shalt  }
0x70: {  	_ =	shalt  }
0x71: {  	_ =	shalt  }
0x72: {  	_ =	shalt  }
0x73: {  	_ =	shalt  }
0x74: {  	_ =	shalt  }
0x75: {  	_ =	shalt  }
0x76: {  	_ =	shalt  }
0x77: {  	_ =	shalt  }
0x78: {  	_ =	shalt  }
0x79: {  	_ =	shalt  }
0x7a: {  	_ =	shalt  }
0x7b: {  	_ =	shalt  }
0x7c: {  	_ =	shalt  }
0x7d: {  	_ =	shalt  }
0x7e: {  	_ =	shalt  }
0x7f: {  	_ =	shalt  }
0x80: {  	_ =	shalt  }
0x81: {  	_ =	shalt  }
0x82: {  	_ =	shalt  }
0x83: {  	_ =	shalt  }
0x84: {  	_ =	shalt  }
0x85: {  	_ =	shalt  }
0x86: {  	_ =	shalt  }
0x87: {  	_ =	shalt  }
.Lfunc_end0:
.L_simem_size_0:
called_computation.2_lowered:
.L_overlay_start_0:
0x88: {  	s2 =	sld [smem:$0x3FD9]  }
0x89: {  	s3 =	sld [smem:$0x3FFE];
	_ =	sdelay $0x1  }
0x8a: {  	s1 =	srdreg.scid  }
0x8b: {  	s0 =	sand.u32 $0x1, s1  }
0x8c: {  	s17 =	sshll.u32 s0, $0xA;
	s2 =	sadd.s32 s3, s2  }
0x8d: {  	s2 =	sadd.s32 s2, s17  }
0x8e: {  	[smem:$0x3FC4] =	sst s2  }
0x8f: {  	_ = 	snop  }
0x90: {  	s2 =	sld [smem:$0x3FD0];
	(tm) =	ssettm $0x1  }
0x91: {  	s18 =	sld [smem:$0x3FFB];
	_ =	sdelay $0x3  }
0x92: {  	_ =	strace s18  }
0x93: {  	s3 =	sld [smem:$0x3FFC];
	_ =	sdelay $0x3  }
0x94: {  	_ =	strace s3  }
0x95: {  	s3 =	sld [smem:$0x3FFD];
	_ =	sdelay $0x3  }
0x96: {  	_ =	strace s3  }
0x97: {  	_ =	strace $0x8FFFFFFF  }
0x98: {  	s19 =	sld [smem:$0x3FDB];
	_ =	sdelay $0x1  }
0x99: {  	s4 =	simm.s32 $_scs_section_size  }
0x9a: {  	s5 =	simm.s32 $_size__tile_overlayer_lowered;
	s6 =	simm.s32 $_tile_overlayer_lowered  }
0x9b: {  	s22 =	simm.s32 $0x1BFF;
	s21 =	sshll.u32 s6, $0x1;
	s3 =	sadd.s32 s4, s19  }
0x9c: {  	s7 =	simm.s32 $0x0;
	s20 =	sshll.u32 s5, $0x1;
	s5 =	sadd.s32 s21, s3  }
0x9d: {  	[timem:s7], [sflag:s22] =	dma.local [hbm:s5], s20  }
0x9e: {  	_ =	swait.ge [sflag:s22], s20  }
0x9f: {  	s4 =	ssub.s32 $0x0, s20;
	[sflag:s22] =	ssyncset.done $0x0  }
0xa0: {  	[sflag:s22] =	ssyncadd.s32 s4;
	_ =	sdelay $0x1  }
0xa1: {  	s23 =	simm.s32 $0x1B8B  }
0xa2: {  	_ =	swait.ge [sflag:s23], $0x1  }
0xa3: {  	[sflag:s23] =	ssyncset.done $0x0  }
0xa4: {  	s25 =	simm.s32 $0x1B8E;
	s24 =	sld [smem:$0x3FFE];
	[sflag:s23] =	ssyncadd.s32 $0xFFFFFFFF  }
0xa5: {  	s26 =	simm.s32 $execute0_lowered;
	[smem:$0x3FD2] =	sst s25  }
0xa6: {  	s5 =	sshll.u32 s26, $0x1;
	_ =	strace $0x8000004C;
	[dreg:$0x1] =	wrdreg $0xFFFFFFFF  }
0xa7: {  	s28 =	simm.s32 $_size_execute0_lowered;
	s3 =	sadd.s32 s3, s5;
	[dreg:$0x0] =	wrdreg $0x0  }
0xa8: {  	s5 =	sshll.u32 s28, $0x1;
	[dreg:$0x2] =	wrdreg s3  }
0xa9: {  	[dreg:$0x3] =	wrdreg s5  }
0xaa: {  	[dreg:$0x4] =	wrdreg $0xC0  }
0xab: {  	_ =	task [dreg:s7], $0x5FFFF  }
0xac: {  	[dreg:$0x1] =	wrdreg $0xFFFFFFFF  }
0xad: {  	[dreg:$0x0] =	wrdreg $0x60  }
0xae: {  	[dreg:$0x2] =	wrdreg s24  }
0xaf: {  	[dreg:$0x3] =	wrdreg s2  }
0xb0: {  	[dreg:$0x4] =	wrdreg $0x100000  }
0xb1: {  	[dreg:$0x5] =	wrdreg $0x9  }
0xb2: {  	_ =	task.clear_ibuf [dreg:s7], $0x6FFFF;
	_ =	strace $0x9000004C  }
0xb3: {  	s29 =	simm.s32 $0x9;
	_ =	strace $0x8000004E  }
0xb4: {  	_ =	swait.ge [sflag:s29], $0x1  }
0xb5: {  	[sflag:s29] =	ssyncadd.s32 $0xFFFFFFFF  }
0xb6: {  	_ =	strace $0x9000004E  }
0xb7: {  	_ =	sfence  }
0xb8: {  	s30 =	sld [smem:$0x0];
	_ =	sdelay $0x2  }
0xb9: {  	s31 =	sshll.u32 s1, $0xD;
	s1 =	sshrl.u32 s1, $0x2  }
0xba: {  	s3 =	sand.u32 $0x4000, s31;
	s1 =	sadd.s32 s1, s30  }
0xbb: {  	s0 =	sor.u32 s3, s0;
	s1 =	sshll.u32 s1, $0x11  }
0xbc: {  	s0 =	sor.u32 s1, s0  }
0xbd: {  	s0 =	sadd.s32 $0x8F2B, s0  }
0xbe: {  	[sflag:s0] =	ssyncadd.remote.s32 $0x1  }
0xbf: {  	_ =	sfence.sel $0xFFFF  }
0xc0: {  	[dreg:$0x0] =	wrdreg $0xFFFFFFFF;
	(pc) =	sbr.abs _section_cstart, $3  }
0xc1: {  	[dreg:$0x1] =	wrdreg $0xFFFFFFFF  }
0xc2: {  	_ =	task.clear_ibuf [dreg:s7], $0x2FFFF;
	_ =	strace $0x9FFFFFFF  }
0xc3: {  	(tm) =	ssettm $0x7FFFFFFF  }
tec
execute0_lowered:
.L_overlay_start_1:
0x0: {  	(tag) =	ssettag $0x1  }
0x1: {  	s0 =	rddreg [dreg:$0x0]  }
0x2: {  	s1 =	rddreg [dreg:$0x1]  }
0x3: {  	s2 =	rddreg [dreg:$0x2];
	s11 =	stileid.u32  }
0x4: {  	s4 =	srdreg.scid;
	s3 =	simm.s32 $0x0;
	s15 =	simm.s32 $0x4000  }
0x5: {  	s16 =	simm.s32 $0x80;
	s17 =	simm.s32 $0x8000;
	s18 =	simm.s32 $0xA000  }
0x6: {  	s20 =	simm.s32 $0xC000;
	s22 =	simm.s32 $0xE000;
	s28 =	simm.s32 $0x5  }
0x7: {  	s29 =	simm.s32 $0x6;
	s30 =	simm.s32 $0x7;
	s31 =	simm.s32 $0x8  }
0x8: {  	s5 =	smul.u32 $0xA000, s11;
	s13 =	sand.u32 $0x1, s4;
	[smem:$0x7FF] =	sst s3  }
0x9: {  	s4 =	sadd.s32 $0x12C00, s0;
	s9 =	sadd.s32 $0x8C00, s0;
	s23 =	sshll.u32 s11, $0x6  }
0xa: {  	s24 =	sshll.u32 s11, $0x9;
	s26 =	sshll.u32 s11, $0xB;
	s6 =	smul.u32 $0xA0000, s13  }
0xb: {  	_ =	strace $0x8000004D;
	s7 =	ssub.s32 $0x2, s13;
	s25 =	sor.u32 $0x8000, s24  }
0xc: {  	p0 =	seq.s32 s13, $0x0;
	s24 =	simm.s32 $0x2;
	s8 =	sshrl.u32 s5, $0x3  }
0xd: {  	s10 =	sshrl.u32 s7, $0x1;
	s14 =	sadd.s32 s5, s2;
	s6 =	sadd.s32 s5, s6  }
0xe: {  	s8 =	sadd.s32 s8, s0;
	s12 =	ssub.s32 s7, s10;
	s7 =	sadd.s32 s9, s25  }
.Ltmp0:
0xf: {  	s9 =	sadd.s32 s9, s26;
	s10 =	sadd.s32 s1, s26;
	(pc) =	sbr.rel .LBB2_1-.Ltmp0, $4  }
0x10: {  	s13 =	sshrl.u32 s14, $0x3;
	s14 =	simm.s32 $0x9;
	s26 =	simm.s32 $0x4  }
0x11: {  	s6 =	sshrl.u32 s6, $0x3;
	s5 =	sadd.s32 $0x26C00, s8;
	s8 =	sadd.s32 s1, s25  }
0x12: {  	s12 =	smax.u32 s12, $0x1;
	s25 =	simm.s32 $0x3;
	s0 =	sadd.s32 s6, s0  }
0x13: {  	s6 =	sor.u32 $0x1C09, s23;
	s23 =	simm.s32 $0x1;
	s11 =	sadd.s32 $0x3AC00, s0  }
.LBB2_7:
0x14: {  	[tilespmem:s22], [sflag:$0x4] =	stream.indirect.gather [hbm4b:s4+s16], $0x40, s0, s16, $0xb8;
	[tilespmem:$0x1A000] =	vst v63  }
0x15: {  	_ =	swait.ge [sflag:s23], $0x2000  }
0x16: {  	[sflag:s23] =	ssyncset.done $0x0  }
0x17: {  	s21 =	simm.s32 $0x7E00;
	[sflag:s23] =	ssyncadd.s32 $0xFFFFE000  }
0x18: {  	[spmem:s2] =	stream.indirect.scatter.add.f32 [tilespmem:s17], [sflag:$0x5], $0x40, s21, s16, $0xb8;
	[tilespmem:$0x1A000] =	vst v63  }
0x19: {  	_ =	swait.ge [sflag:s24], $0x2000  }
0x1a: {  	[sflag:s24] =	ssyncset.done $0x0  }
0x1b: {  	s1 =	simm.s32 $0x7E80;
	[sflag:s24] =	ssyncadd.s32 $0xFFFFE000  }
0x1c: {  	[spmem:s2] =	stream.indirect.scatter.add.f32 [tilespmem:s18], [sflag:$0x6], $0x40, s1, s16, $0xb8;
	[tilespmem:$0x1A000] =	vst v63  }
0x1d: {  	_ =	swait.ge [sflag:s25], $0x2000  }
0x1e: {  	[sflag:s25] =	ssyncset.done $0x0  }
0x1f: {  	s19 =	simm.s32 $0x7F00;
	[sflag:s25] =	ssyncadd.s32 $0xFFFFE000  }
0x20: {  	[spmem:s2] =	stream.indirect.scatter.add.f32 [tilespmem:s20], [sflag:$0x7], $0x40, s19, s16, $0xb8;
	[tilespmem:$0x1A000] =	vst v63  }
0x21: {  	_ =	swait.ge [sflag:s26], $0x2000  }
0x22: {  	[sflag:s26] =	ssyncset.done $0x0  }
0x23: {  	s21 =	simm.s32 $0x7F80;
	[sflag:s26] =	ssyncadd.s32 $0xFFFFE000  }
0x24: {  	[spmem:s2] =	stream.indirect.scatter.add.f32 [tilespmem:s22], [sflag:$0x8], $0x40, s21, s16, $0xb8;
	[tilespmem:$0x1A000] =	vst v63  }
0x25: {  	_ =	swait.ge [sflag:s28], $0x2000  }
0x26: {  	[sflag:s28] =	ssyncset.done $0x0  }
0x27: {  	[sflag:s28] =	ssyncadd.s32 $0xFFFFE000  }
0x28: {  	_ =	swait.ge [sflag:s29], $0x2000  }
0x29: {  	[sflag:s29] =	ssyncset.done $0x0  }
0x2a: {  	[sflag:s29] =	ssyncadd.s32 $0xFFFFE000  }
0x2b: {  	_ =	swait.ge [sflag:s30], $0x2000  }
0x2c: {  	[sflag:s30] =	ssyncset.done $0x0  }
0x2d: {  	s0 =	simm.s32 $0x8;
	[sflag:s30] =	ssyncadd.s32 $0xFFFFE000  }
.LBB2_8:
0x2e: {  	_ =	swait.ge [sflag:s0], $0x2000  }
0x2f: {  	s3 =	sadd.s32 $0x1, s3;
	[sflag:s0] =	ssyncset.done $0x0  }
0x30: {  	p1 =	sne.s32 s3, s12;
	[sflag:s0] =	ssyncadd.s32 $0xFFFFE000  }
.Ltmp1:
0x31: {  	[bflag:$0x0] =	sbarrier.arrive $0xFFFF;
	(pc) =	sbr.rel @!p1 .LBB2_9-.Ltmp1, $4  }
0x32: {  	[hbm:s11], [sflag:s6] =	dma.local [spmem:s13], $0x1400  }
0x33: {  	_ =	swait.ge [sflag:s14], $0x1400  }
0x34: {  	[sflag:s14] =	ssyncset.done $0x0  }
0x35: {  	[sflag:s14] =	ssyncadd.s32 $0xFFFFEC00  }
.LBB2_1:
.Ltmp2:
0x36: {  	(pc) =	sbr.rel @!p0 .LBB2_2-.Ltmp2, $4  }
0x37: {  	[spmem:s13], [sflag:s6] =	dma.local [hbm:s5], $0x1400  }
0x38: {  	_ =	swait.ge [sflag:s14], $0x1400  }
0x39: {  	[sflag:s14] =	ssyncset.done $0x0  }
0x3a: {  	s0 =	simm.s32 $0x0;
	[sflag:s14] =	ssyncadd.s32 $0xFFFFEC00  }
0x3b: {  	[tilespmem:s0], [sflag:$0x9] =	stream.linear.gather [hbm4b:s9+s0], $0x4000, $0x38;
	[tilespmem:$0x1A000] =	vst v63  }
0x3c: {  	_ =	swait.ge [sflag:s14], $0x4000  }
0x3d: {  	[sflag:s14] =	ssyncset.done $0x0  }
0x3e: {  	[sflag:s14] =	ssyncadd.s32 $0xFFFFC000  }
0x3f: {  	[tilespmem:s15], [sflag:$0x9] =	stream.linear.gather [hbm4b:s10+s0], $0x4000, $0x38;
	[tilespmem:$0x1A000] =	vst v63  }
0x40: {  	_ =	swait.ge [sflag:s14], $0x4000  }
0x41: {  	[sflag:s14] =	ssyncset.done $0x0  }
0x42: {  	[sflag:s14] =	ssyncadd.s32 $0xFFFFC000  }
0x43: {  	[bflag:$0x0] =	sbarrier.arrive $0xFFFF  }
0x44: {  	[tilespmem:s17], [sflag:$0x1] =	stream.indirect.gather [hbm4b:s4+s16], $0x40, s0, s16, $0xb8;
	[tilespmem:$0x1A000] =	vst v63  }
0x45: {  	_ = 	snop  }
0x46: {  	[tilespmem:s18], [sflag:$0x2] =	stream.indirect.gather [hbm4b:s4+s16], $0x40, s16, s16, $0xb8;
	[tilespmem:$0x1A000] =	vst v63  }
0x47: {  	s1 =	simm.s32 $0x100  }
0x48: {  	[tilespmem:s20], [sflag:$0x3] =	stream.indirect.gather [hbm4b:s4+s16], $0x40, s1, s16, $0xb8;
	[tilespmem:$0x1A000] =	vst v63  }
0x49: {  	s19 =	simm.s32 $0x180  }
0x4a: {  	[tilespmem:s22], [sflag:$0x4] =	stream.indirect.gather [hbm4b:s4+s16], $0x40, s19, s16, $0xb8;
	[tilespmem:$0x1A000] =	vst v63  }
0x4b: {  	_ =	swait.ge [sflag:s23], $0x2000  }
0x4c: {  	[sflag:s23] =	ssyncset.done $0x0  }
0x4d: {  	s21 =	simm.s32 $0x4000;
	[sflag:s23] =	ssyncadd.s32 $0xFFFFE000  }
0x4e: {  	[spmem:s2] =	stream.indirect.scatter.add.f32 [tilespmem:s17], [sflag:$0x5], $0x40, s21, s16, $0xb8;
	[tilespmem:$0x1A000] =	vst v63  }
0x4f: {  	_ =	swait.ge [sflag:s24], $0x2000  }
0x50: {  	[sflag:s24] =	ssyncset.done $0x0  }
0x51: {  	s1 =	simm.s32 $0x4080;
	[sflag:s24] =	ssyncadd.s32 $0xFFFFE000  }
0x52: {  	[spmem:s2] =	stream.indirect.scatter.add.f32 [tilespmem:s18], [sflag:$0x6], $0x40, s1, s16, $0xb8;
	[tilespmem:$0x1A000] =	vst v63  }
0x53: {  	_ =	swait.ge [sflag:s25], $0x2000  }
0x54: {  	[sflag:s25] =	ssyncset.done $0x0  }
0x55: {  	s19 =	simm.s32 $0x4100;
	[sflag:s25] =	ssyncadd.s32 $0xFFFFE000  }
0x56: {  	[spmem:s2] =	stream.indirect.scatter.add.f32 [tilespmem:s20], [sflag:$0x7], $0x40, s19, s16, $0xb8;
	[tilespmem:$0x1A000] =	vst v63  }
0x57: {  	_ =	swait.ge [sflag:s26], $0x2000  }
0x58: {  	[sflag:s26] =	ssyncset.done $0x0  }
0x59: {  	s21 =	simm.s32 $0x4180;
	[sflag:s26] =	ssyncadd.s32 $0xFFFFE000  }
0x5a: {  	[spmem:s2] =	stream.indirect.scatter.add.f32 [tilespmem:s22], [sflag:$0x8], $0x40, s21, s16, $0xb8;
	[tilespmem:$0x1A000] =	vst v63  }
0x5b: {  	_ =	swait.ge [sflag:s28], $0x2000  }
0x5c: {  	[sflag:s28] =	ssyncset.done $0x0  }
0x5d: {  	s1 =	simm.s32 $0x200;
	[sflag:s28] =	ssyncadd.s32 $0xFFFFE000  }
0x5e: {  	[tilespmem:s17], [sflag:$0x1] =	stream.indirect.gather [hbm4b:s4+s16], $0x40, s1, s16, $0xb8;
	[tilespmem:$0x1A000] =	vst v63  }
0x5f: {  	_ =	swait.ge [sflag:s29], $0x2000  }
0x60: {  	[sflag:s29] =	ssyncset.done $0x0  }
0x61: {  	s19 =	simm.s32 $0x280;
	[sflag:s29] =	ssyncadd.s32 $0xFFFFE000  }
0x62: {  	[tilespmem:s18], [sflag:$0x2] =	stream.indirect.gather [hbm4b:s4+s16], $0x40, s19, s16, $0xb8;
	[tilespmem:$0x1A000] =	vst v63  }
0x63: {  	_ =	swait.ge [sflag:s30], $0x2000  }
0x64: {  	[sflag:s30] =	ssyncset.done $0x0  }
0x65: {  	s21 =	simm.s32 $0x300;
	[sflag:s30] =	ssyncadd.s32 $0xFFFFE000  }
0x66: {  	[tilespmem:s20], [sflag:$0x3] =	stream.indirect.gather [hbm4b:s4+s16], $0x40, s21, s16, $0xb8;
	[tilespmem:$0x1A000] =	vst v63  }
0x67: {  	_ =	swait.ge [sflag:s31], $0x2000  }
0x68: {  	[sflag:s31] =	ssyncset.done $0x0  }
0x69: {  	s0 =	simm.s32 $0x380;
	s21 =	simm.s32 $0x800;
	[sflag:s31] =	ssyncadd.s32 $0xFFFFE000  }
.LBB2_6:
0x6a: {  	[tilespmem:s22], [sflag:$0x4] =	stream.indirect.gather [hbm4b:s4+s16], $0x40, s0, s16, $0xb8;
	[tilespmem:$0x1A000] =	vst v63  }
0x6b: {  	s0 =	smov.u32 s21  }
0x6c: {  	p1 =	sne.s32 s21, $0xF000;
	s21 =	sadd.s32 $0x800, s21;
	_ =	swait.ge [sflag:s23], $0x2000  }
0x6d: {  	s0 =	sshra.s32 s0, $0x2;
	[sflag:s23] =	ssyncset.done $0x0  }
0x6e: {  	s1 =	sadd.s32 $0x4000, s0;
	[sflag:s23] =	ssyncadd.s32 $0xFFFFE000  }
0x6f: {  	[spmem:s2] =	stream.indirect.scatter.add.f32 [tilespmem:s17], [sflag:$0x5], $0x40, s1, s16, $0xb8;
	[tilespmem:$0x1A000] =	vst v63  }
0x70: {  	_ =	swait.ge [sflag:s24], $0x2000  }
0x71: {  	[sflag:s24] =	ssyncset.done $0x0  }
0x72: {  	s1 =	sadd.s32 $0x4080, s0;
	[sflag:s24] =	ssyncadd.s32 $0xFFFFE000  }
0x73: {  	[spmem:s2] =	stream.indirect.scatter.add.f32 [tilespmem:s18], [sflag:$0x6], $0x40, s1, s16, $0xb8;
	[tilespmem:$0x1A000] =	vst v63  }
0x74: {  	_ =	swait.ge [sflag:s25], $0x2000  }
0x75: {  	[sflag:s25] =	ssyncset.done $0x0  }
0x76: {  	s1 =	sadd.s32 $0x4100, s0;
	[sflag:s25] =	ssyncadd.s32 $0xFFFFE000  }
0x77: {  	[spmem:s2] =	stream.indirect.scatter.add.f32 [tilespmem:s20], [sflag:$0x7], $0x40, s1, s16, $0xb8;
	[tilespmem:$0x1A000] =	vst v63  }
0x78: {  	_ =	swait.ge [sflag:s26], $0x2000  }
0x79: {  	[sflag:s26] =	ssyncset.done $0x0  }
0x7a: {  	s1 =	sadd.s32 $0x4180, s0;
	[sflag:s26] =	ssyncadd.s32 $0xFFFFE000  }
0x7b: {  	[spmem:s2] =	stream.indirect.scatter.add.f32 [tilespmem:s22], [sflag:$0x8], $0x40, s1, s16, $0xb8;
	[tilespmem:$0x1A000] =	vst v63  }
0x7c: {  	_ =	swait.ge [sflag:s28], $0x2000  }
0x7d: {  	[sflag:s28] =	ssyncset.done $0x0  }
0x7e: {  	s1 =	sadd.s32 $0x200, s0;
	[sflag:s28] =	ssyncadd.s32 $0xFFFFE000  }
0x7f: {  	[tilespmem:s17], [sflag:$0x1] =	stream.indirect.gather [hbm4b:s4+s16], $0x40, s1, s16, $0xb8;
	[tilespmem:$0x1A000] =	vst v63  }
0x80: {  	_ =	swait.ge [sflag:s29], $0x2000  }
0x81: {  	[sflag:s29] =	ssyncset.done $0x0  }
0x82: {  	s1 =	sadd.s32 $0x280, s0;
	[sflag:s29] =	ssyncadd.s32 $0xFFFFE000  }
0x83: {  	[tilespmem:s18], [sflag:$0x2] =	stream.indirect.gather [hbm4b:s4+s16], $0x40, s1, s16, $0xb8;
	[tilespmem:$0x1A000] =	vst v63  }
0x84: {  	_ =	swait.ge [sflag:s30], $0x2000  }
0x85: {  	[sflag:s30] =	ssyncset.done $0x0  }
.Ltmp3:
0x86: {  	s1 =	sadd.s32 $0x300, s0;
	[sflag:s30] =	ssyncadd.s32 $0xFFFFE000;
	(pc) =	sbr.rel @p1 .LBB2_6-.Ltmp3, $4  }
0x87: {  	[tilespmem:s20], [sflag:$0x3] =	stream.indirect.gather [hbm4b:s4+s16], $0x40, s1, s16, $0xb8;
	[tilespmem:$0x1A000] =	vst v63  }
0x88: {  	_ =	swait.ge [sflag:s31], $0x2000  }
0x89: {  	[sflag:s31] =	ssyncset.done $0x0  }
0x8a: {  	s0 =	sadd.s32 $0x380, s0;
	[sflag:s31] =	ssyncadd.s32 $0xFFFFE000  }
.Ltmp4:
0x8b: {  	_ = 	snop;
	(pc) =	sbr.rel .LBB2_7-.Ltmp4, $1  }
0x8c: {  	_ =	sdelay $0x3  }
.LBB2_2:
0x8d: {  	[tilespmem:s0], [sflag:$0x9] =	stream.linear.gather [hbm4b:s7+s0], $0x1000, $0x38;
	[tilespmem:$0x1A000] =	vst v63  }
0x8e: {  	_ =	swait.ge [sflag:s14], $0x1000  }
0x8f: {  	[sflag:s14] =	ssyncset.done $0x0  }
0x90: {  	[sflag:s14] =	ssyncadd.s32 $0xFFFFF000  }
0x91: {  	[tilespmem:s15], [sflag:$0x9] =	stream.linear.gather [hbm4b:s8+s0], $0x1000, $0x38;
	[tilespmem:$0x1A000] =	vst v63  }
0x92: {  	_ =	swait.ge [sflag:s14], $0x1000  }
0x93: {  	[sflag:s14] =	ssyncset.done $0x0  }
0x94: {  	[sflag:s14] =	ssyncadd.s32 $0xFFFFF000  }
0x95: {  	[bflag:$0x0] =	sbarrier.arrive $0xFFFF  }
0x96: {  	[tilespmem:s17], [sflag:$0x1] =	stream.indirect.gather [hbm4b:s4+s16], $0x40, s0, s16, $0xb8;
	[tilespmem:$0x1A000] =	vst v63  }
0x97: {  	s1 =	simm.s32 $0x80  }
0x98: {  	[tilespmem:s18], [sflag:$0x2] =	stream.indirect.gather [hbm4b:s4+s16], $0x40, s1, s16, $0xb8;
	[tilespmem:$0x1A000] =	vst v63  }
0x99: {  	_ =	swait.ge [sflag:s23], $0x2000  }
0x9a: {  	[sflag:s23] =	ssyncset.done $0x0  }
0x9b: {  	s15 =	simm.s32 $0x4000;
	[sflag:s23] =	ssyncadd.s32 $0xFFFFE000  }
0x9c: {  	[spmem:s2] =	stream.indirect.scatter.add.f32 [tilespmem:s17], [sflag:$0x9], $0x40, s15, s16, $0xb8;
	[tilespmem:$0x1A000] =	vst v63  }
0x9d: {  	_ =	swait.ge [sflag:s14], $0x2000  }
0x9e: {  	[sflag:s14] =	ssyncset.done $0x0  }
0x9f: {  	s19 =	simm.s32 $0x100;
	[sflag:s14] =	ssyncadd.s32 $0xFFFFE000  }
0xa0: {  	[tilespmem:s17], [sflag:$0x1] =	stream.indirect.gather [hbm4b:s4+s16], $0x40, s19, s16, $0xb8;
	[tilespmem:$0x1A000] =	vst v63  }
0xa1: {  	_ =	swait.ge [sflag:s24], $0x2000  }
0xa2: {  	[sflag:s24] =	ssyncset.done $0x0  }
0xa3: {  	s21 =	simm.s32 $0x4080;
	[sflag:s24] =	ssyncadd.s32 $0xFFFFE000  }
0xa4: {  	[spmem:s2] =	stream.indirect.scatter.add.f32 [tilespmem:s18], [sflag:$0x9], $0x40, s21, s16, $0xb8;
	[tilespmem:$0x1A000] =	vst v63  }
0xa5: {  	_ =	swait.ge [sflag:s14], $0x2000  }
0xa6: {  	s0 =	simm.s32 $0x100;
	s21 =	simm.s32 $0x800;
	[sflag:s14] =	ssyncset.done $0x0  }
.LBB2_3:
0xa7: {  	s1 =	sadd.s32 $0x80, s0  }
0xa8: {  	[sflag:s14] =	ssyncadd.s32 $0xFFFFE000;
	s19 =	smov.u32 s21;
	s15 =	sadd.s32 $0x400, s21  }
0xa9: {  	[tilespmem:s18], [sflag:$0x2] =	stream.indirect.gather [hbm4b:s4+s16], $0x40, s1, s16, $0xb8;
	[tilespmem:$0x1A000] =	vst v63  }
0xaa: {  	p1 =	sne.s32 s21, $0x3800;
	_ =	swait.ge [sflag:s23], $0x2000  }
0xab: {  	[sflag:s23] =	ssyncset.done $0x0  }
0xac: {  	s1 =	sadd.s32 $0x4000, s0;
	[sflag:s23] =	ssyncadd.s32 $0xFFFFE000  }
0xad: {  	[spmem:s2] =	stream.indirect.scatter.add.f32 [tilespmem:s17], [sflag:$0x9], $0x40, s1, s16, $0xb8;
	[tilespmem:$0x1A000] =	vst v63  }
0xae: {  	_ =	swait.ge [sflag:s14], $0x2000  }
0xaf: {  	[sflag:s14] =	ssyncset.done $0x0  }
0xb0: {  	s1 =	sadd.s32 $0x100, s0;
	[sflag:s14] =	ssyncadd.s32 $0xFFFFE000  }
0xb1: {  	[tilespmem:s17], [sflag:$0x1] =	stream.indirect.gather [hbm4b:s4+s16], $0x40, s1, s16, $0xb8;
	[tilespmem:$0x1A000] =	vst v63  }
0xb2: {  	_ =	swait.ge [sflag:s24], $0x2000  }
.Ltmp5:
0xb3: {  	[sflag:s24] =	ssyncset.done $0x0;
	(pc) =	sbr.rel @p1 .LBB2_3-.Ltmp5, $4  }
0xb4: {  	s0 =	sadd.s32 $0x4080, s0;
	[sflag:s24] =	ssyncadd.s32 $0xFFFFE000  }
0xb5: {  	[spmem:s2] =	stream.indirect.scatter.add.f32 [tilespmem:s18], [sflag:$0x9], $0x40, s0, s16, $0xb8;
	[tilespmem:$0x1A000] =	vst v63  }
0xb6: {  	_ =	swait.ge [sflag:s14], $0x2000  }
0xb7: {  	s21 =	smov.u32 s15;
	s0 =	sshra.s32 s19, $0x2;
	[sflag:s14] =	ssyncset.done $0x0  }
0xb8: {  	s1 =	sadd.s32 $0x80, s0;
	[sflag:s14] =	ssyncadd.s32 $0xFFFFE000  }
0xb9: {  	[tilespmem:s18], [sflag:$0x2] =	stream.indirect.gather [hbm4b:s4+s16], $0x40, s1, s16, $0xb8;
	[tilespmem:$0x1A000] =	vst v63  }
0xba: {  	_ =	swait.ge [sflag:s23], $0x2000  }
0xbb: {  	[sflag:s23] =	ssyncset.done $0x0  }
0xbc: {  	s19 =	sadd.s32 $0x4000, s0;
	[sflag:s23] =	ssyncadd.s32 $0xFFFFE000  }
0xbd: {  	[spmem:s2] =	stream.indirect.scatter.add.f32 [tilespmem:s17], [sflag:$0x9], $0x40, s19, s16, $0xb8;
	[tilespmem:$0x1A000] =	vst v63  }
0xbe: {  	_ =	swait.ge [sflag:s14], $0x2000  }
0xbf: {  	[sflag:s14] =	ssyncset.done $0x0  }
0xc0: {  	s21 =	sadd.s32 $0x100, s0;
	[sflag:s14] =	ssyncadd.s32 $0xFFFFE000  }
0xc1: {  	[tilespmem:s17], [sflag:$0x1] =	stream.indirect.gather [hbm4b:s4+s16], $0x40, s21, s16, $0xb8;
	[tilespmem:$0x1A000] =	vst v63  }
0xc2: {  	_ =	swait.ge [sflag:s24], $0x2000  }
0xc3: {  	[sflag:s24] =	ssyncset.done $0x0  }
0xc4: {  	s1 =	sadd.s32 $0x4080, s0;
	[sflag:s24] =	ssyncadd.s32 $0xFFFFE000  }
0xc5: {  	[spmem:s2] =	stream.indirect.scatter.add.f32 [tilespmem:s18], [sflag:$0x9], $0x40, s1, s16, $0xb8;
	[tilespmem:$0x1A000] =	vst v63  }
0xc6: {  	_ =	swait.ge [sflag:s14], $0x2000  }
0xc7: {  	[sflag:s14] =	ssyncset.done $0x0  }
0xc8: {  	s15 =	simm.s32 $0xF80;
	[sflag:s14] =	ssyncadd.s32 $0xFFFFE000  }
0xc9: {  	[tilespmem:s18], [sflag:$0x2] =	stream.indirect.gather [hbm4b:s4+s16], $0x40, s15, s16, $0xb8;
	[tilespmem:$0x1A000] =	vst v63  }
0xca: {  	_ =	swait.ge [sflag:s23], $0x2000  }
0xcb: {  	[sflag:s23] =	ssyncset.done $0x0  }
0xcc: {  	s0 =	simm.s32 $0x9;
	s19 =	simm.s32 $0x4F00;
	[sflag:s23] =	ssyncadd.s32 $0xFFFFE000  }
0xcd: {  	[spmem:s2] =	stream.indirect.scatter.add.f32 [tilespmem:s17], [sflag:$0x9], $0x40, s19, s16, $0xb8;
	[tilespmem:$0x1A000] =	vst v63  }
0xce: {  	_ =	swait.ge [sflag:s0], $0x2000  }
0xcf: {  	[sflag:s0] =	ssyncset.done $0x0  }
.Ltmp6:
0xd0: {  	[sflag:s0] =	ssyncadd.s32 $0xFFFFE000;
	(pc) =	sbr.rel .LBB2_8-.Ltmp6, $4  }
0xd1: {  	_ =	swait.ge [sflag:s24], $0x2000  }
0xd2: {  	[sflag:s24] =	ssyncset.done $0x0  }
0xd3: {  	s21 =	simm.s32 $0x4F80;
	s15 =	simm.s32 $0x4000;
	[sflag:s24] =	ssyncadd.s32 $0xFFFFE000  }
0xd4: {  	[spmem:s2] =	stream.indirect.scatter.add.f32 [tilespmem:s18], [sflag:$0x9], $0x40, s21, s16, $0xb8;
	[tilespmem:$0x1A000] =	vst v63  }
.LBB2_9:
0xd5: {  	_ =	sfence.sel $0x180000  }
0xd6: {  	[bflag:$0x0] =	sbarrier.arrive $0xFFFF  }
0xd7: {  	_ =	strace $0x9000004D  }
0xd8: {  	s0 =	stileid.u32;
	[bflag:$0x2] =	sbarrier.arrive $0xFFFF  }
0xd9: {  	p0 =	sne.s32 s0, $0x0;
	s0 =	rddreg [dreg:$0x3]  }
0xda: {  	s0 =	sadd.s32 @!p0 $0x100000, s0  }
0xdb: {  	[sflag:s0] =	ssyncadd.tile.s32 @!p0 $0x1;
	_ =	shalt  }
.Lfunc_end2:
_tile_overlayer_lowered:
.L_overlay_start_2:
0xdc: {  	(tag) =	ssettag $0x2  }
0xdd: {  	s0 =	rddreg [dreg:$0x0];
	s2 =	stileid.u32  }
0xde: {  	s1 =	rddreg [dreg:$0x1];
	p0 =	sne.s32 s2, $0x0  }
0xdf: {  	s3 =	rddreg [dreg:$0x2];
	[bflag:$0x3] =	sbarrier.arrive $0xFFFF;
	s2 =	simm.s32 @!p0 $0x1C09  }
0xe0: {  	[timem:s3], [sflag:s2] =	dma.local @!p0 [hbm:s0], s1  }
0xe1: {  	s0 =	simm.s32 @!p0 $0x9  }
0xe2: {  	_ =	swait.ge @!p0 [sflag:s0], s1  }
0xe3: {  	s1 =	ssub.s32 @!p0 $0x0, s1;
	[sflag:s0] =	ssyncset.done @!p0 $0x0  }
0xe4: {  	[sflag:s0] =	ssyncadd.s32 @!p0 s1  }
0xe5: {  	[bflag:$0x3] =	sbarrier.arrive $0xFFFF  }
0xe6: {  	_ =	shalt  }

// kernel: kernel.8.cloned.1.call-start
scs
__scs_entry_jumppad:
0x0: {  	(pc) =	sbr.rel $0x88, $3  }
0x1: {  	(tag) =	ssettag $0x0;
	lr =	simm.s32 $0x1  }
0x2: {  	[smem:$0x3F9D] =	sst lr;
	_ =	strace $0xD0000000  }
0x3: {  	_ = 	snop  }
0x4: {  	_ = 	snop  }
0x5: {  	_ = 	snop  }
0x6: {  	_ = 	snop  }
0x7: {  	_ = 	snop  }
__scs_overlays_trampoline_lowered:
0x8: {  	[smem:$0x3FAC] =	sst s0  }
0x9: {  	[smem:$0x3FAD] =	sst s1  }
0xa: {  	[smem:$0x3FAE] =	sst s2  }
0xb: {  	[smem:$0x3FAF] =	sst s3  }
0xc: {  	[smem:$0x3FB0] =	sst s4  }
0xd: {  	[smem:$0x3FB1] =	sst s5  }
0xe: {  	[smem:$0x3FB2] =	sst s6  }
0xf: {  	[smem:$0x3FB3] =	sst s7  }
0x10: {  	[smem:$0x3FB4] =	sst s8  }
0x11: {  	[smem:$0x3FB5] =	sst s9;
	s0 =	simm.s32 @!p0 $0x0  }
0x12: {  	s1 =	sld [smem:$0x3F9B];
	s0 =	simm.s32 @p0 $0x1  }
0x13: {  	[smem:$0x3FB6] =	sst s0;
	s0 =	simm.s32 @!p1 $0x0  }
0x14: {  	s2 =	sld [smem:$0x3F9A];
	s0 =	simm.s32 @p1 $0x1  }
0x15: {  	[smem:$0x3FB7] =	sst s0;
	s0 =	simm.s32 @!p2 $0x0  }
0x16: {  	s3 =	sld [smem:$0x3FDB];
	s0 =	simm.s32 @p2 $0x1  }
0x17: {  	s4 =	simm.s32 $0x1BF5;
	[smem:$0x3FB9] =	sst s0  }
0x18: {  	s0 =	sld [smem:$0x3F9C];
	_ =	swait.ge [sflag:s4], $0x0  }
0x19: {  	s7 =	sld [smem:$0x3F9D]  }
0x1a: {  	s8 =	sadd.s32 $0xFFFFE003, lr  }
0x1b: {  	s9 =	sadd.s32 $0xFFFFFEF7, lr;
	s5 =	simm.s32 $0xFFFFFFFF;
	p2 =	slt.u32 s8, $0xFFFFF086  }
0x1c: {  	p1 =	slt.u32 s9, $0xF7A;
	s5 =	simm.s32 @!p2 $0x0  }
0x1d: {  	s5 =	simm.s32 @p1 $0x1;
	p0 =	seq.s32 s7, s2  }
0x1e: {  	s7 =	smul.u32 @!p0 $0xF7A, s2;
	p2 =	seq.s32 @!p0 s5, $0x0  }
0x1f: {  	s9 =	smul.u32 $0xF7A, s1;
	s8 =	simm.s32 @!p0 $0x1BF5;
	p2 =	por !p2, p0  }
0x20: {  	[sflag:s8] =	ssyncset.s32 @!p0 $0xFFFFF086;
	s6 =	sadd.s32 @!p0 s3, s7;
	s7 =	simm.s32 @!p0 $0x108  }
0x21: {  	s3 =	sadd.s32 s3, s9;
	s6 =	sadd.s32 @!p0 $0x88, s6;
	s7 =	simm.s32 @p2 $0x1082  }
0x22: {  	[simem:s7], [sflag:s8] =	dma.local @!p0 [hbm:s6], $0xF7A  }
0x23: {  	s9 =	sor.u32 $0xD0000000, s2;
	s6 =	simm.s32 $0x108;
	_ =	swait.ge @!p0 [sflag:s8], $0x0  }
0x24: {  	s3 =	sadd.s32 $0x88, s3;
	s6 =	simm.s32 @!p1 $0x1082;
	[sflag:s4] =	ssyncset.s32 $0xFFFFF086  }
0x25: {  	[simem:s6], [sflag:s4] =	dma.local [hbm:s3], $0xF7A  }
0x26: {  	[smem:$0x3F9D] =	sst s1;
	(tag) =	ssettag s2;
	_ =	strace s9  }
0x27: {  	s1 =	sld [smem:$0x3FAD]  }
0x28: {  	s2 =	sld [smem:$0x3FAE]  }
0x29: {  	s4 =	sld [smem:$0x3FB0]  }
0x2a: {  	p0 =	seq.s32 s5, $0x0;
	s5 =	sld [smem:$0x3FB1]  }
0x2b: {  	s6 =	sld [smem:$0x3FB2]  }
0x2c: {  	s7 =	sld [smem:$0x3FB3]  }
0x2d: {  	s3 =	simm.s32 $0x108;
	s8 =	sld [smem:$0x3FB4]  }
0x2e: {  	s3 =	simm.s32 @!p0 $0x1082;
	s9 =	sld [smem:$0x3FB5]  }
0x2f: {  	lr =	sadd.s32 s0, s3;
	s0 =	sld [smem:$0x3FAC]  }
0x30: {  	s3 =	sld [smem:$0x3FAF]  }
0x31: {  	[smem:$0x3FB8] =	sst s10  }
0x32: {  	s10 =	sld [smem:$0x3FB6];
	_ =	sdelay $0x3  }
0x33: {  	p0 =	seq.s32 s10, $0x1;
	s10 =	sld [smem:$0x3FB8];
	_ =	sdelay $0x3  }
0x34: {  	[smem:$0x3FB8] =	sst s10  }
0x35: {  	s10 =	sld [smem:$0x3FB7];
	_ =	sdelay $0x3  }
0x36: {  	p1 =	seq.s32 s10, $0x1;
	s10 =	sld [smem:$0x3FB8];
	_ =	sdelay $0x3  }
0x37: {  	[smem:$0x3FB8] =	sst s10  }
0x38: {  	s10 =	sld [smem:$0x3FB9]  }
0x39: {  	_ = 	snop;
	(pc) =	sbr.ind lr, $3  }
0x3a: {  	_ = 	snop  }
0x3b: {  	_ = 	snop  }
0x3c: {  	p2 =	seq.s32 s10, $0x1;
	s10 =	sld [smem:$0x3FB8]  }
0x3d: {  	_ =	shalt  }
0x3e: {  	_ =	shalt  }
0x3f: {  	_ =	shalt  }
0x40: {  	_ =	shalt  }
0x41: {  	_ =	shalt  }
0x42: {  	_ =	shalt  }
0x43: {  	_ =	shalt  }
0x44: {  	_ =	shalt  }
0x45: {  	_ =	shalt  }
0x46: {  	_ =	shalt  }
0x47: {  	_ =	shalt  }
0x48: {  	_ =	shalt  }
0x49: {  	_ =	shalt  }
0x4a: {  	_ =	shalt  }
0x4b: {  	_ =	shalt  }
0x4c: {  	_ =	shalt  }
0x4d: {  	_ =	shalt  }
0x4e: {  	_ =	shalt  }
0x4f: {  	_ =	shalt  }
0x50: {  	_ =	shalt  }
0x51: {  	_ =	shalt  }
0x52: {  	_ =	shalt  }
0x53: {  	_ =	shalt  }
0x54: {  	_ =	shalt  }
0x55: {  	_ =	shalt  }
0x56: {  	_ =	shalt  }
0x57: {  	_ =	shalt  }
0x58: {  	_ =	shalt  }
0x59: {  	_ =	shalt  }
0x5a: {  	_ =	shalt  }
0x5b: {  	_ =	shalt  }
0x5c: {  	_ =	shalt  }
0x5d: {  	_ =	shalt  }
0x5e: {  	_ =	shalt  }
0x5f: {  	_ =	shalt  }
0x60: {  	_ =	shalt  }
0x61: {  	_ =	shalt  }
0x62: {  	_ =	shalt  }
0x63: {  	_ =	shalt  }
0x64: {  	_ =	shalt  }
0x65: {  	_ =	shalt  }
0x66: {  	_ =	shalt  }
0x67: {  	_ =	shalt  }
0x68: {  	_ =	shalt  }
0x69: {  	_ =	shalt  }
0x6a: {  	_ =	shalt  }
0x6b: {  	_ =	shalt  }
0x6c: {  	_ =	shalt  }
0x6d: {  	_ =	shalt  }
0x6e: {  	_ =	shalt  }
0x6f: {  	_ =	shalt  }
0x70: {  	_ =	shalt  }
0x71: {  	_ =	shalt  }
0x72: {  	_ =	shalt  }
0x73: {  	_ =	shalt  }
0x74: {  	_ =	shalt  }
0x75: {  	_ =	shalt  }
0x76: {  	_ =	shalt  }
0x77: {  	_ =	shalt  }
0x78: {  	_ =	shalt  }
0x79: {  	_ =	shalt  }
0x7a: {  	_ =	shalt  }
0x7b: {  	_ =	shalt  }
0x7c: {  	_ =	shalt  }
0x7d: {  	_ =	shalt  }
0x7e: {  	_ =	shalt  }
0x7f: {  	_ =	shalt  }
0x80: {  	_ =	shalt  }
0x81: {  	_ =	shalt  }
0x82: {  	_ =	shalt  }
0x83: {  	_ =	shalt  }
0x84: {  	_ =	shalt  }
0x85: {  	_ =	shalt  }
0x86: {  	_ =	shalt  }
0x87: {  	_ =	shalt  }
.Lfunc_end0:
.L_simem_size_0:
called_computation_lowered:
.L_overlay_start_0:
0x88: {  	s2 =	sld [smem:$0x3FD9]  }
0x89: {  	s3 =	sld [smem:$0x3FFE];
	_ =	sdelay $0x1  }
0x8a: {  	s1 =	srdreg.scid  }
0x8b: {  	s0 =	sand.u32 $0x1, s1  }
0x8c: {  	s17 =	sshll.u32 s0, $0xA;
	s2 =	sadd.s32 s3, s2  }
0x8d: {  	s2 =	sadd.s32 s2, s17  }
0x8e: {  	[smem:$0x3FC4] =	sst s2  }
0x8f: {  	_ = 	snop  }
0x90: {  	s2 =	sld [smem:$0x3FD0];
	(tm) =	ssettm $0x1  }
0x91: {  	s18 =	sld [smem:$0x3FFB];
	_ =	sdelay $0x3  }
0x92: {  	_ =	strace s18  }
0x93: {  	s3 =	sld [smem:$0x3FFC];
	_ =	sdelay $0x3  }
0x94: {  	_ =	strace s3  }
0x95: {  	s3 =	sld [smem:$0x3FFD];
	_ =	sdelay $0x3  }
0x96: {  	_ =	strace s3  }
0x97: {  	_ =	strace $0x8FFFFFFF  }
0x98: {  	s19 =	sld [smem:$0x3FDB];
	_ =	sdelay $0x1  }
0x99: {  	s4 =	simm.s32 $_scs_section_size  }
0x9a: {  	s5 =	simm.s32 $_size__tile_overlayer_lowered;
	s6 =	simm.s32 $_tile_overlayer_lowered  }
0x9b: {  	s22 =	simm.s32 $0x1BFF;
	s21 =	sshll.u32 s6, $0x1;
	s3 =	sadd.s32 s4, s19  }
0x9c: {  	s7 =	simm.s32 $0x0;
	s20 =	sshll.u32 s5, $0x1;
	s5 =	sadd.s32 s21, s3  }
0x9d: {  	[timem:s7], [sflag:s22] =	dma.local [hbm:s5], s20  }
0x9e: {  	_ =	swait.ge [sflag:s22], s20  }
0x9f: {  	s4 =	ssub.s32 $0x0, s20;
	[sflag:s22] =	ssyncset.done $0x0  }
0xa0: {  	[sflag:s22] =	ssyncadd.s32 s4;
	_ =	sdelay $0x1  }
0xa1: {  	s23 =	simm.s32 $0x1B8B  }
0xa2: {  	_ =	swait.ge [sflag:s23], $0x1  }
0xa3: {  	[sflag:s23] =	ssyncset.done $0x0  }
0xa4: {  	s25 =	simm.s32 $0x1B8E;
	s24 =	sld [smem:$0x3FFE];
	[sflag:s23] =	ssyncadd.s32 $0xFFFFFFFF  }
0xa5: {  	s26 =	simm.s32 $execute0_lowered;
	[smem:$0x3FD2] =	sst s25  }
0xa6: {  	s5 =	sshll.u32 s26, $0x1;
	_ =	strace $0x80000046;
	[dreg:$0x1] =	wrdreg $0xFFFFFFFF  }
0xa7: {  	s28 =	simm.s32 $_size_execute0_lowered;
	s3 =	sadd.s32 s3, s5;
	[dreg:$0x0] =	wrdreg $0x0  }
0xa8: {  	s5 =	sshll.u32 s28, $0x1;
	[dreg:$0x2] =	wrdreg s3  }
0xa9: {  	[dreg:$0x3] =	wrdreg s5  }
0xaa: {  	[dreg:$0x4] =	wrdreg $0xC0  }
0xab: {  	_ =	task [dreg:s7], $0x5FFFF  }
0xac: {  	[dreg:$0x1] =	wrdreg $0xFFFFFFFF  }
0xad: {  	[dreg:$0x0] =	wrdreg $0x60  }
0xae: {  	[dreg:$0x2] =	wrdreg s2  }
0xaf: {  	[dreg:$0x3] =	wrdreg s24  }
0xb0: {  	[dreg:$0x4] =	wrdreg $0x2C000  }
0xb1: {  	[dreg:$0x5] =	wrdreg $0x9  }
0xb2: {  	_ =	task.clear_ibuf [dreg:s7], $0x6FFFF;
	_ =	strace $0x90000046  }
0xb3: {  	s29 =	simm.s32 $0x9;
	_ =	strace $0x80000048  }
0xb4: {  	_ =	swait.ge [sflag:s29], $0x1  }
0xb5: {  	[sflag:s29] =	ssyncadd.s32 $0xFFFFFFFF  }
0xb6: {  	_ =	strace $0x90000048  }
0xb7: {  	_ =	sfence  }
0xb8: {  	s30 =	sld [smem:$0x0];
	_ =	sdelay $0x2  }
0xb9: {  	s31 =	sshll.u32 s1, $0xD;
	s1 =	sshrl.u32 s1, $0x2  }
0xba: {  	s3 =	sand.u32 $0x4000, s31;
	s1 =	sadd.s32 s1, s30  }
0xbb: {  	s0 =	sor.u32 s3, s0;
	s1 =	sshll.u32 s1, $0x11  }
0xbc: {  	s0 =	sor.u32 s1, s0  }
0xbd: {  	s0 =	sadd.s32 $0x8F2B, s0  }
0xbe: {  	[sflag:s0] =	ssyncadd.remote.s32 $0x1  }
0xbf: {  	_ =	sfence.sel $0xFFFF  }
0xc0: {  	[dreg:$0x0] =	wrdreg $0xFFFFFFFF;
	(pc) =	sbr.abs _section_cstart, $3  }
0xc1: {  	[dreg:$0x1] =	wrdreg $0xFFFFFFFF  }
0xc2: {  	_ =	task.clear_ibuf [dreg:s7], $0x2FFFF;
	_ =	strace $0x9FFFFFFF  }
0xc3: {  	(tm) =	ssettm $0x7FFFFFFF  }
tec
execute0_lowered:
.L_overlay_start_1:
0x0: {  	(tag) =	ssettag $0x1  }
0x1: {  	s5 =	rddreg [dreg:$0x0]  }
0x2: {  	s6 =	rddreg [dreg:$0x1]  }
0x3: {  	s2 =	rddreg [dreg:$0x2]  }
0x4: {  	s0 =	rddreg [dreg:$0x3]  }
0x5: {  	s3 =	simm.s32 $0x0;
	s1 =	stileid.u32;
	s4 =	srdreg.scid  }
0x6: {  	s13 =	simm.s32 $0x80;
	s14 =	simm.s32 $0x1;
	s15 =	simm.s32 $0x0  }
0x7: {  	[smem:$0x7FF] =	sst s3;
	s7 =	smul.u32 $0x1400, s1;
	s8 =	sand.u32 $0x1, s4  }
0x8: {  	s4 =	sadd.s32 $0x3A00, s6;
	s31 =	sshll.u32 s1, $0x6;
	_ =	strace $0x80000047  }
0x9: {  	s9 =	smul.u32 $0x14000, s8;
	s10 =	sshll.u32 s8, $0x4;
	s8 =	ssub.s32 $0x2, s8  }
0xa: {  	s11 =	sshrl.u32 s7, $0x3;
	s10 =	sor.u32 s1, s10;
	s12 =	sshrl.u32 s8, $0x1  }
0xb: {  	s30 =	sadd.s32 s7, s2;
	s9 =	sadd.s32 s7, s9;
	s10 =	smul.u32 $0x500, s10  }
0xc: {  	s11 =	sadd.s32 s11, s6;
	s8 =	ssub.s32 s8, s12;
	s9 =	sshrl.u32 s9, $0x3  }
0xd: {  	s12 =	sshrl.u32 s30, $0x3;
	s8 =	smax.u32 s8, $0x1;
	s9 =	sadd.s32 s9, s6  }
0xe: {  	s5 =	sadd.s32 s5, s10;
	s6 =	sadd.s32 $0x1200, s11;
	s10 =	simm.s32 $0x2  }
0xf: {  	s11 =	sor.u32 $0x1C02, s31;
	s7 =	sadd.s32 $0x3C00, s9;
	s9 =	simm.s32 $0x2800  }
.LBB2_1:
0x10: {  	[tilespmem:s9], [sflag:$0x2] =	stream.linear.gather [hbm4b:s4+s3], $0x400, $0x38;
	[tilespmem:$0x4000] =	vst v63  }
0x11: {  	_ =	swait.ge [sflag:s10], $0x400  }
0x12: {  	[sflag:s10] =	ssyncset.done $0x0  }
0x13: {  	[sflag:s10] =	ssyncadd.s32 $0xFFFFFC00  }
0x14: {  	[tilespmem:s3], [sflag:$0x2] =	stream.linear.gather [hbm4b:s5+s3], $0x2800, $0x38;
	[tilespmem:$0x4000] =	vst v63  }
0x15: {  	_ =	swait.ge [sflag:s10], $0x2800  }
0x16: {  	[sflag:s10] =	ssyncset.done $0x0  }
0x17: {  	[sflag:s10] =	ssyncadd.s32 $0xFFFFD800  }
0x18: {  	[spmem:s12], [sflag:s11] =	dma.local [hbm:s6], $0x280  }
0x19: {  	_ =	swait.ge [sflag:s10], $0x280  }
0x1a: {  	[sflag:s10] =	ssyncset.done $0x0  }
0x1b: {  	[sflag:s10] =	ssyncadd.s32 $0xFFFFFD80  }
0x1c: {  	s16 =	simm.s32 $0x0;
	[bflag:$0x0] =	sbarrier.arrive $0xFFFF  }
0x1d: {  	[spmem:s2] =	stream.indirect.scatter.add.f32 [tilespmem:s9], [sflag:$0x1], $0x8, s16, s13, $0xb8;
	[tilespmem:$0x4000] =	vst v63  }
0x1e: {  	s24 =	simm.s32 $0x80  }
0x1f: {  	[spmem:s2] =	stream.indirect.scatter.add.f32 [tilespmem:s9], [sflag:$0x1], $0x8, s24, s13, $0xb8;
	[tilespmem:$0x4000] =	vst v63  }
0x20: {  	s25 =	simm.s32 $0x100  }
0x21: {  	[spmem:s2] =	stream.indirect.scatter.add.f32 [tilespmem:s9], [sflag:$0x1], $0x8, s25, s13, $0xb8;
	[tilespmem:$0x4000] =	vst v63  }
0x22: {  	s26 =	simm.s32 $0x180  }
0x23: {  	[spmem:s2] =	stream.indirect.scatter.add.f32 [tilespmem:s9], [sflag:$0x1], $0x8, s26, s13, $0xb8;
	[tilespmem:$0x4000] =	vst v63  }
0x24: {  	s28 =	simm.s32 $0x200  }
0x25: {  	[spmem:s2] =	stream.indirect.scatter.add.f32 [tilespmem:s9], [sflag:$0x1], $0x8, s28, s13, $0xb8;
	[tilespmem:$0x4000] =	vst v63  }
0x26: {  	s29 =	simm.s32 $0x280  }
0x27: {  	[spmem:s2] =	stream.indirect.scatter.add.f32 [tilespmem:s9], [sflag:$0x1], $0x8, s29, s13, $0xb8;
	[tilespmem:$0x4000] =	vst v63  }
0x28: {  	s30 =	simm.s32 $0x300  }
0x29: {  	[spmem:s2] =	stream.indirect.scatter.add.f32 [tilespmem:s9], [sflag:$0x1], $0x8, s30, s13, $0xb8;
	[tilespmem:$0x4000] =	vst v63  }
0x2a: {  	s31 =	simm.s32 $0x380  }
0x2b: {  	[spmem:s2] =	stream.indirect.scatter.add.f32 [tilespmem:s9], [sflag:$0x1], $0x8, s31, s13, $0xb8;
	[tilespmem:$0x4000] =	vst v63  }
0x2c: {  	_ =	swait.ge [sflag:s14], $0x400  }
0x2d: {  	[sflag:s14] =	ssyncset.done $0x0  }
0x2e: {  	[sflag:s14] =	ssyncadd.s32 $0xFFFFFC00  }
0x2f: {  	_ =	swait.ge [sflag:s14], $0x400  }
0x30: {  	[sflag:s14] =	ssyncset.done $0x0  }
0x31: {  	[sflag:s14] =	ssyncadd.s32 $0xFFFFFC00  }
0x32: {  	_ =	swait.ge [sflag:s14], $0x400  }
0x33: {  	[sflag:s14] =	ssyncset.done $0x0  }
0x34: {  	[sflag:s14] =	ssyncadd.s32 $0xFFFFFC00  }
0x35: {  	_ =	swait.ge [sflag:s14], $0x400  }
0x36: {  	[sflag:s14] =	ssyncset.done $0x0  }
0x37: {  	[sflag:s14] =	ssyncadd.s32 $0xFFFFFC00  }
0x38: {  	_ =	swait.ge [sflag:s14], $0x400  }
0x39: {  	[sflag:s14] =	ssyncset.done $0x0  }
0x3a: {  	[sflag:s14] =	ssyncadd.s32 $0xFFFFFC00  }
0x3b: {  	_ =	swait.ge [sflag:s14], $0x400  }
0x3c: {  	[sflag:s14] =	ssyncset.done $0x0  }
0x3d: {  	[sflag:s14] =	ssyncadd.s32 $0xFFFFFC00  }
0x3e: {  	_ =	swait.ge [sflag:s14], $0x400  }
0x3f: {  	[sflag:s14] =	ssyncset.done $0x0  }
0x40: {  	[sflag:s14] =	ssyncadd.s32 $0xFFFFFC00  }
0x41: {  	_ =	swait.ge [sflag:s14], $0x400  }
0x42: {  	s18 =	simm.s32 $0x2000;
	s16 =	simm.s32 $0x1000;
	[sflag:s14] =	ssyncset.done $0x0  }
.LBB2_2:
0x43: {  	s19 =	sshra.s32 s16, $0x2  }
0x44: {  	[sflag:s14] =	ssyncadd.s32 $0xFFFFFC00;
	s16 =	smov.u32 s18;
	s17 =	sadd.s32 $0x1000, s18  }
0x45: {  	[spmem:s2] =	stream.indirect.scatter.add.f32 [tilespmem:s9], [sflag:$0x1], $0x8, s19, s13, $0xb8;
	[tilespmem:$0x4000] =	vst v63  }
0x46: {  	p0 =	sne.s32 s18, $0x9000;
	s18 =	sadd.s32 $0x80, s19  }
0x47: {  	[spmem:s2] =	stream.indirect.scatter.add.f32 [tilespmem:s9], [sflag:$0x1], $0x8, s18, s13, $0xb8;
	[tilespmem:$0x4000] =	vst v63  }
0x48: {  	s18 =	sadd.s32 $0x100, s19  }
0x49: {  	[spmem:s2] =	stream.indirect.scatter.add.f32 [tilespmem:s9], [sflag:$0x1], $0x8, s18, s13, $0xb8;
	[tilespmem:$0x4000] =	vst v63  }
0x4a: {  	s18 =	sadd.s32 $0x180, s19  }
0x4b: {  	[spmem:s2] =	stream.indirect.scatter.add.f32 [tilespmem:s9], [sflag:$0x1], $0x8, s18, s13, $0xb8;
	[tilespmem:$0x4000] =	vst v63  }
0x4c: {  	s18 =	sadd.s32 $0x200, s19  }
0x4d: {  	[spmem:s2] =	stream.indirect.scatter.add.f32 [tilespmem:s9], [sflag:$0x1], $0x8, s18, s13, $0xb8;
	[tilespmem:$0x4000] =	vst v63  }
0x4e: {  	s18 =	sadd.s32 $0x280, s19  }
0x4f: {  	[spmem:s2] =	stream.indirect.scatter.add.f32 [tilespmem:s9], [sflag:$0x1], $0x8, s18, s13, $0xb8;
	[tilespmem:$0x4000] =	vst v63  }
0x50: {  	s18 =	sadd.s32 $0x300, s19  }
0x51: {  	[spmem:s2] =	stream.indirect.scatter.add.f32 [tilespmem:s9], [sflag:$0x1], $0x8, s18, s13, $0xb8;
	[tilespmem:$0x4000] =	vst v63  }
0x52: {  	s18 =	sadd.s32 $0x380, s19  }
0x53: {  	[spmem:s2] =	stream.indirect.scatter.add.f32 [tilespmem:s9], [sflag:$0x1], $0x8, s18, s13, $0xb8;
	[tilespmem:$0x4000] =	vst v63  }
0x54: {  	_ =	swait.ge [sflag:s14], $0x400  }
0x55: {  	[sflag:s14] =	ssyncset.done $0x0  }
0x56: {  	[sflag:s14] =	ssyncadd.s32 $0xFFFFFC00  }
0x57: {  	_ =	swait.ge [sflag:s14], $0x400  }
0x58: {  	[sflag:s14] =	ssyncset.done $0x0  }
0x59: {  	[sflag:s14] =	ssyncadd.s32 $0xFFFFFC00  }
0x5a: {  	_ =	swait.ge [sflag:s14], $0x400  }
0x5b: {  	[sflag:s14] =	ssyncset.done $0x0  }
0x5c: {  	[sflag:s14] =	ssyncadd.s32 $0xFFFFFC00  }
0x5d: {  	_ =	swait.ge [sflag:s14], $0x400  }
0x5e: {  	[sflag:s14] =	ssyncset.done $0x0  }
0x5f: {  	[sflag:s14] =	ssyncadd.s32 $0xFFFFFC00  }
0x60: {  	_ =	swait.ge [sflag:s14], $0x400  }
0x61: {  	[sflag:s14] =	ssyncset.done $0x0  }
0x62: {  	[sflag:s14] =	ssyncadd.s32 $0xFFFFFC00  }
0x63: {  	_ =	swait.ge [sflag:s14], $0x400  }
0x64: {  	[sflag:s14] =	ssyncset.done $0x0  }
0x65: {  	[sflag:s14] =	ssyncadd.s32 $0xFFFFFC00  }
.Ltmp0:
0x66: {  	_ =	swait.ge [sflag:s14], $0x400;
	(pc) =	sbr.rel @p0 .LBB2_2-.Ltmp0, $4  }
0x67: {  	[sflag:s14] =	ssyncset.done $0x0  }
0x68: {  	[sflag:s14] =	ssyncadd.s32 $0xFFFFFC00  }
0x69: {  	_ =	swait.ge [sflag:s14], $0x400  }
0x6a: {  	s18 =	smov.u32 s17;
	[sflag:s14] =	ssyncset.done $0x0  }
0x6b: {  	s16 =	sshra.s32 s16, $0x2;
	[sflag:s14] =	ssyncadd.s32 $0xFFFFFC00  }
0x6c: {  	[spmem:s2] =	stream.indirect.scatter.add.f32 [tilespmem:s9], [sflag:$0x1], $0x8, s16, s13, $0xb8;
	[tilespmem:$0x4000] =	vst v63  }
0x6d: {  	s17 =	sadd.s32 $0x80, s16  }
0x6e: {  	[spmem:s2] =	stream.indirect.scatter.add.f32 [tilespmem:s9], [sflag:$0x1], $0x8, s17, s13, $0xb8;
	[tilespmem:$0x4000] =	vst v63  }
0x6f: {  	s26 =	sadd.s32 $0x100, s16  }
0x70: {  	[spmem:s2] =	stream.indirect.scatter.add.f32 [tilespmem:s9], [sflag:$0x1], $0x8, s26, s13, $0xb8;
	[tilespmem:$0x4000] =	vst v63  }
0x71: {  	s28 =	sadd.s32 $0x180, s16  }
0x72: {  	[spmem:s2] =	stream.indirect.scatter.add.f32 [tilespmem:s9], [sflag:$0x1], $0x8, s28, s13, $0xb8;
	[tilespmem:$0x4000] =	vst v63  }
0x73: {  	s29 =	sadd.s32 $0x200, s16  }
0x74: {  	[spmem:s2] =	stream.indirect.scatter.add.f32 [tilespmem:s9], [sflag:$0x1], $0x8, s29, s13, $0xb8;
	[tilespmem:$0x4000] =	vst v63  }
0x75: {  	s30 =	sadd.s32 $0x280, s16  }
0x76: {  	[spmem:s2] =	stream.indirect.scatter.add.f32 [tilespmem:s9], [sflag:$0x1], $0x8, s30, s13, $0xb8;
	[tilespmem:$0x4000] =	vst v63  }
0x77: {  	s31 =	sadd.s32 $0x300, s16  }
0x78: {  	[spmem:s2] =	stream.indirect.scatter.add.f32 [tilespmem:s9], [sflag:$0x1], $0x8, s31, s13, $0xb8;
	[tilespmem:$0x4000] =	vst v63  }
0x79: {  	s16 =	sadd.s32 $0x380, s16  }
0x7a: {  	[spmem:s2] =	stream.indirect.scatter.add.f32 [tilespmem:s9], [sflag:$0x1], $0x8, s16, s13, $0xb8;
	[tilespmem:$0x4000] =	vst v63  }
0x7b: {  	_ =	swait.ge [sflag:s14], $0x400  }
0x7c: {  	[sflag:s14] =	ssyncset.done $0x0  }
0x7d: {  	[sflag:s14] =	ssyncadd.s32 $0xFFFFFC00  }
0x7e: {  	_ =	swait.ge [sflag:s14], $0x400  }
0x7f: {  	[sflag:s14] =	ssyncset.done $0x0  }
0x80: {  	[sflag:s14] =	ssyncadd.s32 $0xFFFFFC00  }
0x81: {  	_ =	swait.ge [sflag:s14], $0x400  }
0x82: {  	[sflag:s14] =	ssyncset.done $0x0  }
0x83: {  	[sflag:s14] =	ssyncadd.s32 $0xFFFFFC00  }
0x84: {  	_ =	swait.ge [sflag:s14], $0x400  }
0x85: {  	[sflag:s14] =	ssyncset.done $0x0  }
0x86: {  	[sflag:s14] =	ssyncadd.s32 $0xFFFFFC00  }
0x87: {  	_ =	swait.ge [sflag:s14], $0x400  }
0x88: {  	[sflag:s14] =	ssyncset.done $0x0  }
0x89: {  	[sflag:s14] =	ssyncadd.s32 $0xFFFFFC00  }
0x8a: {  	_ =	swait.ge [sflag:s14], $0x400  }
0x8b: {  	[sflag:s14] =	ssyncset.done $0x0  }
0x8c: {  	[sflag:s14] =	ssyncadd.s32 $0xFFFFFC00  }
0x8d: {  	_ =	swait.ge [sflag:s14], $0x400  }
0x8e: {  	[sflag:s14] =	ssyncset.done $0x0  }
0x8f: {  	[sflag:s14] =	ssyncadd.s32 $0xFFFFFC00  }
0x90: {  	_ =	swait.ge [sflag:s14], $0x400  }
0x91: {  	s15 =	sadd.s32 $0x1, s15;
	[sflag:s14] =	ssyncset.done $0x0  }
0x92: {  	p0 =	sne.s32 s15, s8;
	[sflag:s14] =	ssyncadd.s32 $0xFFFFFC00  }
.Ltmp1:
0x93: {  	[bflag:$0x0] =	sbarrier.arrive $0xFFFF;
	(pc) =	sbr.rel @p0 .LBB2_1-.Ltmp1, $4  }
0x94: {  	[hbm:s7], [sflag:s11] =	dma.local [spmem:s12], $0x280  }
0x95: {  	_ =	swait.ge [sflag:s10], $0x280  }
0x96: {  	[sflag:s10] =	ssyncset.done $0x0  }
0x97: {  	[sflag:s10] =	ssyncadd.s32 $0xFFFFFD80  }
0x98: {  	_ =	sfence.sel $0x180000  }
0x99: {  	[bflag:$0x0] =	sbarrier.arrive $0xFFFF  }
0x9a: {  	p0 =	sne.s32 s1, $0x0;
	_ =	strace $0x90000047  }
0x9b: {  	s0 =	sadd.s32 @!p0 $0x100000, s0;
	[bflag:$0x2] =	sbarrier.arrive $0xFFFF  }
0x9c: {  	[sflag:s0] =	ssyncadd.tile.s32 @!p0 $0x1;
	_ =	shalt  }
.Lfunc_end2:
_tile_overlayer_lowered:
.L_overlay_start_2:
0x9d: {  	(tag) =	ssettag $0x2  }
0x9e: {  	s0 =	rddreg [dreg:$0x0];
	s2 =	stileid.u32  }
0x9f: {  	s1 =	rddreg [dreg:$0x1];
	p0 =	sne.s32 s2, $0x0  }
0xa0: {  	s3 =	rddreg [dreg:$0x2];
	[bflag:$0x3] =	sbarrier.arrive $0xFFFF;
	s2 =	simm.s32 @!p0 $0x1C02  }
0xa1: {  	[timem:s3], [sflag:s2] =	dma.local @!p0 [hbm:s0], s1  }
0xa2: {  	s0 =	simm.s32 @!p0 $0x2  }
0xa3: {  	_ =	swait.ge @!p0 [sflag:s0], s1  }
0xa4: {  	s1 =	ssub.s32 @!p0 $0x0, s1;
	[sflag:s0] =	ssyncset.done @!p0 $0x0  }
0xa5: {  	[sflag:s0] =	ssyncadd.s32 @!p0 s1  }
0xa6: {  	[bflag:$0x3] =	sbarrier.arrive $0xFFFF  }
0xa7: {  	_ =	shalt  }

</sc_bundles>
